<compile_context>
chip_gen: v7x
topology: tpu7x:2x2x1
jax: 0.10.2.dev20260603
libtpu: 0.0.44.dev20260713+nightly
codegen_flags: <defaults>
</compile_context>

<pallas_src>
import functools

import jax
import jax.numpy as jnp
from jax import lax
from jax.experimental import pallas as pl
from jax.experimental.pallas import tpu as pltpu
from jax.experimental.pallas import tpu_sc as plsc

BATCH = 16
SEQ = 50
G2 = 256
D = 64
NW = 32
SPW = BATCH * SEQ // NW
CH = 128
NCH = SPW * 2
NBUF = 4
LANES = 16


@functools.partial(
    pl.kernel,
    out_type=jax.ShapeDtypeStruct((BATCH, SEQ, G2, D), jnp.float32),
    mesh=plsc.VectorSubcoreMesh(core_axis_name="c", subcore_axis_name="s"),
    scratch_types=[
        pltpu.VMEM((NBUF, CH), jnp.int32),
        pltpu.VMEM((NBUF, CH, D), jnp.float32),
        pltpu.VMEM((G2, D), jnp.float32),
    ] + [pltpu.SemaphoreType.DMA] * (2 * NBUF),
    compiler_params=pltpu.CompilerParams(use_tc_tiling_on_sc=False),
)
def _embed_sc(idx_hbm, tab_hbm, pos_hbm, out_hbm, idx_v, rows_v, pos_v, *sems):
    sg = sems[:NBUF]
    ss = sems[NBUF:]
    wid = lax.axis_index("s") * 2 + lax.axis_index("c")
    bb = wid // 2
    ss0 = (wid % 2) * (SEQ // 2)
    pltpu.sync_copy(pos_hbm, pos_v)

    def fire_gather(c, b):
        s_ix = ss0 + c // 2
        g0 = pl.multiple_of((c % 2) * CH, CH)
        pltpu.sync_copy(idx_hbm.at[bb, s_ix, pl.ds(g0, CH)], idx_v.at[b])
        pltpu.async_copy(tab_hbm.at[idx_v.at[b]], rows_v.at[b], sg[b])

    def wait_gather(b):
        pltpu.make_async_copy(tab_hbm.at[idx_v.at[b]], rows_v.at[b],
                              sg[b]).wait()

    def fire_scatter(c, b):
        s_ix = ss0 + c // 2
        g0 = pl.multiple_of((c % 2) * CH, CH)
        pltpu.async_copy(rows_v.at[b], out_hbm.at[bb, s_ix, pl.ds(g0, CH)],
                         ss[b])

    def wait_scatter(b):
        pltpu.make_async_copy(rows_v.at[b], out_hbm.at[bb, ss0, pl.ds(0, CH)],
                              ss[b]).wait()

    def do_add(b, parity):
        pb = parity * CH

        @plsc.parallel_loop(0, CH, step=1, unroll=8)
        def _(g):
            for d in range(D // LANES):
                sl = pl.ds(d * LANES, LANES)
                rows_v[b, g, sl] = rows_v[b, g, sl] + pos_v[pb + g, sl]

    for c in range(NBUF - 1):
        fire_gather(c, c)

    def ring_body(i, _):
        for b in range(NBUF):
            c = NBUF * i + b
            b3 = (b + NBUF - 1) % NBUF

            @pl.when(c + NBUF - 1 < NCH)
            def _():
                @pl.when(c >= 1)
                def _():
                    wait_scatter(b3)

                fire_gather(c + NBUF - 1, b3)

            wait_gather(b)
            do_add(b, b & 1)
            fire_scatter(c, b)
        return 0

    full = NCH // NBUF
    lax.fori_loop(0, full, ring_body, 0)
    for c in range(full * NBUF, NCH):
        b = c % NBUF
        wait_gather(b)
        do_add(b, c & 1)
        fire_scatter(c, b)
    for b in range(NBUF):
        wait_scatter(b)


def kernel(spatial_tokens, token_embed_weight, pos_embed):
    pos = pos_embed.reshape(G2, D)
    return _embed_sc(spatial_tokens.astype(jnp.int32), token_embed_weight, pos)

# --- scband reference (transcript-rebuilt; emitter-appended) ---
"""Pipeline reference for scband-spatial-token-embedding-33904471835552 (READ-ONLY COPY).

The authoritative reference and input builder live on the scoring server;
editing this copy changes nothing except your own understanding.
"""

import jax, jax.numpy as jnp
import numpy as np

VOCAB = 100000
EMBED_DIM = 64
GRID = 16


def setup_inputs(seed: int = 0) -> dict:
    key = jax.random.key(seed)
    k1, k2, k3 = jax.random.split(key, 3)
    spatial_tokens = jax.random.randint(k1, (16, 50, GRID * GRID), 0, VOCAB, dtype=jnp.int64 if jax.config.jax_enable_x64 else jnp.int32)
    token_embed_weight = jax.random.normal(k2, (VOCAB, EMBED_DIM), dtype=jnp.float32) * 0.02
    pos_embed = jax.random.normal(k3, (1, GRID * GRID, EMBED_DIM), dtype=jnp.float32) * 0.02
    return {"spatial_tokens": spatial_tokens, "token_embed_weight": token_embed_weight, "pos_embed": pos_embed}


def reference(spatial_tokens, token_embed_weight, pos_embed):
    # token embedding lookup: [B, S, G2] -> [B, S, G2, D]
    token_embeds = jnp.take(token_embed_weight, spatial_tokens, axis=0)
    # pos_embed: [1, G2, D] -> unsqueeze seq dim -> [1, 1, G2, D]
    pos_embeds = pos_embed[:, None, :, :]
    embedded_tokens = token_embeds + pos_embeds
    return embedded_tokens

if __name__ == "__main__":
    import jax
    _d = setup_inputs()
    print(jax.jit(kernel)(*tuple(_d.values())))

</pallas_src>

<mosaic_0001>
#map = affine_map<(d0, d1) -> (0, 0, 0)>
#map1 = affine_map<(d0, d1) -> (0, 0)>
#map2 = affine_map<(d0, d1) -> (0, 0, 0, 0)>
module attributes {stable_mosaic.version = 14 : i64} {
  func.func @_embed_sc(%arg0: i32, %arg1: i32, %arg2: memref<16x50x256xi32, #tpu.memory_space<hbm>>, %arg3: memref<100000x64xf32, #tpu.memory_space<hbm>>, %arg4: memref<256x64xf32, #tpu.memory_space<hbm>>, %arg5: memref<16x50x256x64xf32, #tpu.memory_space<hbm>>, %arg6: memref<4x128xi32, #tpu.memory_space<vmem>>, %arg7: memref<4x128x64xf32, #tpu.memory_space<vmem>>, %arg8: memref<256x64xf32, #tpu.memory_space<vmem>>, %arg9: memref<!tpu.dma_semaphore, #tpu.memory_space<semaphore_mem>>, %arg10: memref<!tpu.dma_semaphore, #tpu.memory_space<semaphore_mem>>, %arg11: memref<!tpu.dma_semaphore, #tpu.memory_space<semaphore_mem>>, %arg12: memref<!tpu.dma_semaphore, #tpu.memory_space<semaphore_mem>>, %arg13: memref<!tpu.dma_semaphore, #tpu.memory_space<semaphore_mem>>, %arg14: memref<!tpu.dma_semaphore, #tpu.memory_space<semaphore_mem>>, %arg15: memref<!tpu.dma_semaphore, #tpu.memory_space<semaphore_mem>>, %arg16: memref<!tpu.dma_semaphore, #tpu.memory_space<semaphore_mem>>) attributes {dimension_semantics = [#tpu.dimension_semantics<core_parallel>, #tpu.dimension_semantics<subcore_parallel>], iteration_bounds = array<i64: 2, 16>, scalar_prefetch = 0 : i64, scratch_operands = 11 : i64, tpu.core_type = #tpu.core_type<sc_vector_subcore>, window_params = [{transform_indices = #map}, {transform_indices = #map1}, {transform_indices = #map1}, {transform_indices = #map2}]} {
    %mul3A = arith.constant 2 : i32
    %mul3A_0 = arith.muli %arg1, %mul3A : i32
    %add3A = arith.addi %mul3A_0, %arg0 : i32
    %jit3A = arith.constant 2 : i32
    %div3A = arith.divsi %add3A, %jit3A : i32
    %sign3A = arith.constant 0 : i32
    %sign3A_1 = arith.cmpi sgt, %add3A, %sign3A : i32
    %sign3A_2 = arith.extui %sign3A_1 : i1 to i32
    %sign3A_3 = arith.constant 0 : i32
    %sign3A_4 = arith.cmpi slt, %add3A, %sign3A_3 : i32
    %sign3A_5 = arith.extui %sign3A_4 : i1 to i32
    %sign3A_6 = arith.subi %sign3A_2, %sign3A_5 : i32
    %sign3A_7 = arith.constant 0 : i32
    %sign3A_8 = arith.cmpi sgt, %jit3A, %sign3A_7 : i32
    %sign3A_9 = arith.extui %sign3A_8 : i1 to i32
    %sign3A_10 = arith.constant 0 : i32
    %sign3A_11 = arith.cmpi slt, %jit3A, %sign3A_10 : i32
    %sign3A_12 = arith.extui %sign3A_11 : i1 to i32
    %sign3A_13 = arith.subi %sign3A_9, %sign3A_12 : i32
    %ne3A = arith.cmpi ne, %sign3A_6, %sign3A_13 : i32
    %rem3A = arith.remsi %add3A, %jit3A : i32
    %ne3A_14 = arith.constant 0 : i32
    %ne3A_15 = arith.cmpi ne, %rem3A, %ne3A_14 : i32
    %and3A = arith.andi %ne3A, %ne3A_15 : i1
    %sub3A = arith.constant 1 : i32
    %sub3A_16 = arith.subi %div3A, %sub3A : i32
    %select_n3A = arith.select %and3A, %sub3A_16, %div3A : i32
    %jit3A_17 = arith.constant 2 : i32
    %eq3A = arith.constant 0 : i32
    %eq3A_18 = arith.cmpi eq, %jit3A_17, %eq3A : i32
    %jit3A_19 = arith.constant 1 : i32
    %select_n3A_20 = arith.select %eq3A_18, %jit3A_19, %jit3A_17 : i32
    %rem3A_21 = arith.remsi %add3A, %select_n3A_20 : i32
    %ne3A_22 = arith.constant 0 : i32
    %ne3A_23 = arith.cmpi ne, %rem3A_21, %ne3A_22 : i32
    %lt3A = arith.constant 0 : i32
    %lt3A_24 = arith.cmpi slt, %rem3A_21, %lt3A : i32
    %lt3A_25 = arith.constant 0 : i32
    %lt3A_26 = arith.cmpi slt, %select_n3A_20, %lt3A_25 : i32
    %ne3A_27 = arith.xori %lt3A_24, %lt3A_26 : i1
    %and3A_28 = arith.andi %ne3A_27, %ne3A_23 : i1
    %add3A_29 = arith.addi %rem3A_21, %select_n3A_20 : i32
    %select_n3A_30 = arith.select %and3A_28, %add3A_29, %rem3A_21 : i32
    %mul3A_31 = arith.constant 25 : i32
    %mul3A_32 = arith.muli %select_n3A_30, %mul3A_31 : i32
    "tpu.region"() ({
      %run_scoped3A_221 = tpu.sem_alloc : memref<!tpu.dma_semaphore, #tpu.memory_space<semaphore_mem>>
      tpu.enqueue_dma source(%arg4 : memref<256x64xf32, #tpu.memory_space<hbm>>) target(%arg8 : memref<256x64xf32, #tpu.memory_space<vmem>>) target_semaphore(%run_scoped3A_221 : memref<!tpu.dma_semaphore, #tpu.memory_space<semaphore_mem>>)
      tpu.wait_dma2 semaphore(%run_scoped3A_221 : memref<!tpu.dma_semaphore, #tpu.memory_space<semaphore_mem>>) src(%arg4 : memref<256x64xf32, #tpu.memory_space<hbm>>) dst(%arg8 : memref<256x64xf32, #tpu.memory_space<vmem>>)
      tpu.yield
    }) : () -> ()
    %add3A_33 = arith.constant 0 : i32
    %add3A_34 = arith.addi %mul3A_32, %add3A_33 : i32
    %multiple_of3A = arith.constant 0 : i32
    %multiple_of3A_35 = tpu.assume_multiple %multiple_of3A, 128 : i32
    %run_scoped3A = arith.constant 0 : i32
    "tpu.region"() ({
      %run_scoped3A_221 = tpu.sem_alloc : memref<!tpu.dma_semaphore, #tpu.memory_space<semaphore_mem>>
      %dma_start3A_222 = arith.constant 0 : i32
      %dma_start3A_223 = tpu.memref_slice %arg6[%run_scoped3A, %dma_start3A_222] : memref<4x128xi32, #tpu.memory_space<vmem>> -> memref<1x128xi32, #tpu.memory_space<vmem>>
      %dma_start3A_224 = tpu.memref_squeeze %dma_start3A_223 : memref<1x128xi32, #tpu.memory_space<vmem>> -> memref<128xi32, #tpu.memory_space<vmem>>
      %dma_start3A_225 = tpu.memref_slice %arg2[%select_n3A, %add3A_34, %multiple_of3A_35] : memref<16x50x256xi32, #tpu.memory_space<hbm>> -> memref<1x1x128xi32, #tpu.memory_space<hbm>>
      %dma_start3A_226 = tpu.memref_squeeze %dma_start3A_225 : memref<1x1x128xi32, #tpu.memory_space<hbm>> -> memref<128xi32, #tpu.memory_space<hbm>>
      %dma_start3A_227 = arith.constant 0 : i32
      %dma_start3A_228 = tpu.memref_slice %arg6[%run_scoped3A, %dma_start3A_227] : memref<4x128xi32, #tpu.memory_space<vmem>> -> memref<1x128xi32, #tpu.memory_space<vmem>>
      %dma_start3A_229 = tpu.memref_squeeze %dma_start3A_228 : memref<1x128xi32, #tpu.memory_space<vmem>> -> memref<128xi32, #tpu.memory_space<vmem>>
      %dma_start3A_230 = tpu.memref_slice %arg2[%select_n3A, %add3A_34, %multiple_of3A_35] : memref<16x50x256xi32, #tpu.memory_space<hbm>> -> memref<1x1x128xi32, #tpu.memory_space<hbm>>
      %dma_start3A_231 = tpu.memref_squeeze %dma_start3A_230 : memref<1x1x128xi32, #tpu.memory_space<hbm>> -> memref<128xi32, #tpu.memory_space<hbm>>
      tpu.enqueue_dma source(%dma_start3A_231 : memref<128xi32, #tpu.memory_space<hbm>>) target(%dma_start3A_229 : memref<128xi32, #tpu.memory_space<vmem>>) target_semaphore(%run_scoped3A_221 : memref<!tpu.dma_semaphore, #tpu.memory_space<semaphore_mem>>)
      %dma_wait3A_232 = arith.constant 0 : i32
      %dma_wait3A_233 = tpu.memref_slice %arg6[%run_scoped3A, %dma_wait3A_232] : memref<4x128xi32, #tpu.memory_space<vmem>> -> memref<1x128xi32, #tpu.memory_space<vmem>>
      %dma_wait3A_234 = tpu.memref_squeeze %dma_wait3A_233 : memref<1x128xi32, #tpu.memory_space<vmem>> -> memref<128xi32, #tpu.memory_space<vmem>>
      %dma_wait3A_235 = tpu.memref_slice %arg2[%select_n3A, %add3A_34, %multiple_of3A_35] : memref<16x50x256xi32, #tpu.memory_space<hbm>> -> memref<1x1x128xi32, #tpu.memory_space<hbm>>
      %dma_wait3A_236 = tpu.memref_squeeze %dma_wait3A_235 : memref<1x1x128xi32, #tpu.memory_space<hbm>> -> memref<128xi32, #tpu.memory_space<hbm>>
      %dma_wait3A_237 = arith.constant 0 : i32
      %dma_wait3A_238 = tpu.memref_slice %arg6[%run_scoped3A, %dma_wait3A_237] : memref<4x128xi32, #tpu.memory_space<vmem>> -> memref<1x128xi32, #tpu.memory_space<vmem>>
      %dma_wait3A_239 = tpu.memref_squeeze %dma_wait3A_238 : memref<1x128xi32, #tpu.memory_space<vmem>> -> memref<128xi32, #tpu.memory_space<vmem>>
      %dma_wait3A_240 = tpu.memref_slice %arg2[%select_n3A, %add3A_34, %multiple_of3A_35] : memref<16x50x256xi32, #tpu.memory_space<hbm>> -> memref<1x1x128xi32, #tpu.memory_space<hbm>>
      %dma_wait3A_241 = tpu.memref_squeeze %dma_wait3A_240 : memref<1x1x128xi32, #tpu.memory_space<hbm>> -> memref<128xi32, #tpu.memory_space<hbm>>
      tpu.wait_dma2 semaphore(%run_scoped3A_221 : memref<!tpu.dma_semaphore, #tpu.memory_space<semaphore_mem>>) src(%dma_wait3A_241 : memref<128xi32, #tpu.memory_space<hbm>>) dst(%dma_wait3A_239 : memref<128xi32, #tpu.memory_space<vmem>>)
      tpu.yield
    }) : () -> ()
    %dma_start3A = arith.constant 0 : i32
    %dma_start3A_36 = arith.constant 0 : i32
    %dma_start3A_37 = arith.constant 0 : i32
    %dma_start3A_38 = arith.constant 0 : i32
    %dma_start3A_39 = tpu.memref_slice %arg7[%dma_start3A_36, %dma_start3A_37, %dma_start3A_38] : memref<4x128x64xf32, #tpu.memory_space<vmem>> -> memref<1x128x64xf32, #tpu.memory_space<vmem>>
    %dma_start3A_40 = tpu.memref_squeeze %dma_start3A_39 : memref<1x128x64xf32, #tpu.memory_space<vmem>> -> memref<128x64xf32, #tpu.memory_space<vmem>>
    %dma_start3A_41 = arith.constant 0 : i32
    %dma_start3A_42 = tpu.memref_slice %arg6[%dma_start3A, %dma_start3A_41] : memref<4x128xi32, #tpu.memory_space<vmem>> -> memref<1x128xi32, #tpu.memory_space<vmem>>
    %dma_start3A_43 = tpu.memref_squeeze %dma_start3A_42 : memref<1x128xi32, #tpu.memory_space<vmem>> -> memref<128xi32, #tpu.memory_space<vmem>>
    %dma_start3A_44 = arith.constant 0 : i32
    %dma_start3A_45 = arith.constant 0 : i32
    %dma_start3A_46 = tpu.memref_slice %arg3[%dma_start3A_44, %dma_start3A_45] : memref<100000x64xf32, #tpu.memory_space<hbm>> -> memref<100000x64xf32, #tpu.memory_space<hbm>>
    tpu.enqueue_indirect_dma source(%dma_start3A_46 : memref<100000x64xf32, #tpu.memory_space<hbm>>) target(%dma_start3A_40 : memref<128x64xf32, #tpu.memory_space<vmem>>) offsets(%dma_start3A_43 : memref<128xi32, #tpu.memory_space<vmem>>) semaphore(%arg9 : memref<!tpu.dma_semaphore, #tpu.memory_space<semaphore_mem>>)
    %add3A_47 = arith.constant 0 : i32
    %add3A_48 = arith.addi %mul3A_32, %add3A_47 : i32
    %multiple_of3A_49 = arith.constant 128 : i32
    %multiple_of3A_50 = tpu.assume_multiple %multiple_of3A_49, 128 : i32
    %run_scoped3A_51 = arith.constant 1 : i32
    "tpu.region"() ({
      %run_scoped3A_221 = tpu.sem_alloc : memref<!tpu.dma_semaphore, #tpu.memory_space<semaphore_mem>>
      %dma_start3A_222 = arith.constant 0 : i32
      %dma_start3A_223 = tpu.memref_slice %arg6[%run_scoped3A_51, %dma_start3A_222] : memref<4x128xi32, #tpu.memory_space<vmem>> -> memref<1x128xi32, #tpu.memory_space<vmem>>
      %dma_start3A_224 = tpu.memref_squeeze %dma_start3A_223 : memref<1x128xi32, #tpu.memory_space<vmem>> -> memref<128xi32, #tpu.memory_space<vmem>>
      %dma_start3A_225 = tpu.memref_slice %arg2[%select_n3A, %add3A_48, %multiple_of3A_50] : memref<16x50x256xi32, #tpu.memory_space<hbm>> -> memref<1x1x128xi32, #tpu.memory_space<hbm>>
      %dma_start3A_226 = tpu.memref_squeeze %dma_start3A_225 : memref<1x1x128xi32, #tpu.memory_space<hbm>> -> memref<128xi32, #tpu.memory_space<hbm>>
      %dma_start3A_227 = arith.constant 0 : i32
      %dma_start3A_228 = tpu.memref_slice %arg6[%run_scoped3A_51, %dma_start3A_227] : memref<4x128xi32, #tpu.memory_space<vmem>> -> memref<1x128xi32, #tpu.memory_space<vmem>>
      %dma_start3A_229 = tpu.memref_squeeze %dma_start3A_228 : memref<1x128xi32, #tpu.memory_space<vmem>> -> memref<128xi32, #tpu.memory_space<vmem>>
      %dma_start3A_230 = tpu.memref_slice %arg2[%select_n3A, %add3A_48, %multiple_of3A_50] : memref<16x50x256xi32, #tpu.memory_space<hbm>> -> memref<1x1x128xi32, #tpu.memory_space<hbm>>
      %dma_start3A_231 = tpu.memref_squeeze %dma_start3A_230 : memref<1x1x128xi32, #tpu.memory_space<hbm>> -> memref<128xi32, #tpu.memory_space<hbm>>
      tpu.enqueue_dma source(%dma_start3A_231 : memref<128xi32, #tpu.memory_space<hbm>>) target(%dma_start3A_229 : memref<128xi32, #tpu.memory_space<vmem>>) target_semaphore(%run_scoped3A_221 : memref<!tpu.dma_semaphore, #tpu.memory_space<semaphore_mem>>)
      %dma_wait3A_232 = arith.constant 0 : i32
      %dma_wait3A_233 = tpu.memref_slice %arg6[%run_scoped3A_51, %dma_wait3A_232] : memref<4x128xi32, #tpu.memory_space<vmem>> -> memref<1x128xi32, #tpu.memory_space<vmem>>
      %dma_wait3A_234 = tpu.memref_squeeze %dma_wait3A_233 : memref<1x128xi32, #tpu.memory_space<vmem>> -> memref<128xi32, #tpu.memory_space<vmem>>
      %dma_wait3A_235 = tpu.memref_slice %arg2[%select_n3A, %add3A_48, %multiple_of3A_50] : memref<16x50x256xi32, #tpu.memory_space<hbm>> -> memref<1x1x128xi32, #tpu.memory_space<hbm>>
      %dma_wait3A_236 = tpu.memref_squeeze %dma_wait3A_235 : memref<1x1x128xi32, #tpu.memory_space<hbm>> -> memref<128xi32, #tpu.memory_space<hbm>>
      %dma_wait3A_237 = arith.constant 0 : i32
      %dma_wait3A_238 = tpu.memref_slice %arg6[%run_scoped3A_51, %dma_wait3A_237] : memref<4x128xi32, #tpu.memory_space<vmem>> -> memref<1x128xi32, #tpu.memory_space<vmem>>
      %dma_wait3A_239 = tpu.memref_squeeze %dma_wait3A_238 : memref<1x128xi32, #tpu.memory_space<vmem>> -> memref<128xi32, #tpu.memory_space<vmem>>
      %dma_wait3A_240 = tpu.memref_slice %arg2[%select_n3A, %add3A_48, %multiple_of3A_50] : memref<16x50x256xi32, #tpu.memory_space<hbm>> -> memref<1x1x128xi32, #tpu.memory_space<hbm>>
      %dma_wait3A_241 = tpu.memref_squeeze %dma_wait3A_240 : memref<1x1x128xi32, #tpu.memory_space<hbm>> -> memref<128xi32, #tpu.memory_space<hbm>>
      tpu.wait_dma2 semaphore(%run_scoped3A_221 : memref<!tpu.dma_semaphore, #tpu.memory_space<semaphore_mem>>) src(%dma_wait3A_241 : memref<128xi32, #tpu.memory_space<hbm>>) dst(%dma_wait3A_239 : memref<128xi32, #tpu.memory_space<vmem>>)
      tpu.yield
    }) : () -> ()
    %dma_start3A_52 = arith.constant 1 : i32
    %dma_start3A_53 = arith.constant 1 : i32
    %dma_start3A_54 = arith.constant 0 : i32
    %dma_start3A_55 = arith.constant 0 : i32
    %dma_start3A_56 = tpu.memref_slice %arg7[%dma_start3A_53, %dma_start3A_54, %dma_start3A_55] : memref<4x128x64xf32, #tpu.memory_space<vmem>> -> memref<1x128x64xf32, #tpu.memory_space<vmem>>
    %dma_start3A_57 = tpu.memref_squeeze %dma_start3A_56 : memref<1x128x64xf32, #tpu.memory_space<vmem>> -> memref<128x64xf32, #tpu.memory_space<vmem>>
    %dma_start3A_58 = arith.constant 0 : i32
    %dma_start3A_59 = tpu.memref_slice %arg6[%dma_start3A_52, %dma_start3A_58] : memref<4x128xi32, #tpu.memory_space<vmem>> -> memref<1x128xi32, #tpu.memory_space<vmem>>
    %dma_start3A_60 = tpu.memref_squeeze %dma_start3A_59 : memref<1x128xi32, #tpu.memory_space<vmem>> -> memref<128xi32, #tpu.memory_space<vmem>>
    %dma_start3A_61 = arith.constant 0 : i32
    %dma_start3A_62 = arith.constant 0 : i32
    %dma_start3A_63 = tpu.memref_slice %arg3[%dma_start3A_61, %dma_start3A_62] : memref<100000x64xf32, #tpu.memory_space<hbm>> -> memref<100000x64xf32, #tpu.memory_space<hbm>>
    tpu.enqueue_indirect_dma source(%dma_start3A_63 : memref<100000x64xf32, #tpu.memory_space<hbm>>) target(%dma_start3A_57 : memref<128x64xf32, #tpu.memory_space<vmem>>) offsets(%dma_start3A_60 : memref<128xi32, #tpu.memory_space<vmem>>) semaphore(%arg10 : memref<!tpu.dma_semaphore, #tpu.memory_space<semaphore_mem>>)
    %add3A_64 = arith.constant 1 : i32
    %add3A_65 = arith.addi %mul3A_32, %add3A_64 : i32
    %multiple_of3A_66 = arith.constant 0 : i32
    %multiple_of3A_67 = tpu.assume_multiple %multiple_of3A_66, 128 : i32
    %run_scoped3A_68 = arith.constant 2 : i32
    "tpu.region"() ({
      %run_scoped3A_221 = tpu.sem_alloc : memref<!tpu.dma_semaphore, #tpu.memory_space<semaphore_mem>>
      %dma_start3A_222 = arith.constant 0 : i32
      %dma_start3A_223 = tpu.memref_slice %arg6[%run_scoped3A_68, %dma_start3A_222] : memref<4x128xi32, #tpu.memory_space<vmem>> -> memref<1x128xi32, #tpu.memory_space<vmem>>
      %dma_start3A_224 = tpu.memref_squeeze %dma_start3A_223 : memref<1x128xi32, #tpu.memory_space<vmem>> -> memref<128xi32, #tpu.memory_space<vmem>>
      %dma_start3A_225 = tpu.memref_slice %arg2[%select_n3A, %add3A_65, %multiple_of3A_67] : memref<16x50x256xi32, #tpu.memory_space<hbm>> -> memref<1x1x128xi32, #tpu.memory_space<hbm>>
      %dma_start3A_226 = tpu.memref_squeeze %dma_start3A_225 : memref<1x1x128xi32, #tpu.memory_space<hbm>> -> memref<128xi32, #tpu.memory_space<hbm>>
      %dma_start3A_227 = arith.constant 0 : i32
      %dma_start3A_228 = tpu.memref_slice %arg6[%run_scoped3A_68, %dma_start3A_227] : memref<4x128xi32, #tpu.memory_space<vmem>> -> memref<1x128xi32, #tpu.memory_space<vmem>>
      %dma_start3A_229 = tpu.memref_squeeze %dma_start3A_228 : memref<1x128xi32, #tpu.memory_space<vmem>> -> memref<128xi32, #tpu.memory_space<vmem>>
      %dma_start3A_230 = tpu.memref_slice %arg2[%select_n3A, %add3A_65, %multiple_of3A_67] : memref<16x50x256xi32, #tpu.memory_space<hbm>> -> memref<1x1x128xi32, #tpu.memory_space<hbm>>
      %dma_start3A_231 = tpu.memref_squeeze %dma_start3A_230 : memref<1x1x128xi32, #tpu.memory_space<hbm>> -> memref<128xi32, #tpu.memory_space<hbm>>
      tpu.enqueue_dma source(%dma_start3A_231 : memref<128xi32, #tpu.memory_space<hbm>>) target(%dma_start3A_229 : memref<128xi32, #tpu.memory_space<vmem>>) target_semaphore(%run_scoped3A_221 : memref<!tpu.dma_semaphore, #tpu.memory_space<semaphore_mem>>)
      %dma_wait3A_232 = arith.constant 0 : i32
      %dma_wait3A_233 = tpu.memref_slice %arg6[%run_scoped3A_68, %dma_wait3A_232] : memref<4x128xi32, #tpu.memory_space<vmem>> -> memref<1x128xi32, #tpu.memory_space<vmem>>
      %dma_wait3A_234 = tpu.memref_squeeze %dma_wait3A_233 : memref<1x128xi32, #tpu.memory_space<vmem>> -> memref<128xi32, #tpu.memory_space<vmem>>
      %dma_wait3A_235 = tpu.memref_slice %arg2[%select_n3A, %add3A_65, %multiple_of3A_67] : memref<16x50x256xi32, #tpu.memory_space<hbm>> -> memref<1x1x128xi32, #tpu.memory_space<hbm>>
      %dma_wait3A_236 = tpu.memref_squeeze %dma_wait3A_235 : memref<1x1x128xi32, #tpu.memory_space<hbm>> -> memref<128xi32, #tpu.memory_space<hbm>>
      %dma_wait3A_237 = arith.constant 0 : i32
      %dma_wait3A_238 = tpu.memref_slice %arg6[%run_scoped3A_68, %dma_wait3A_237] : memref<4x128xi32, #tpu.memory_space<vmem>> -> memref<1x128xi32, #tpu.memory_space<vmem>>
      %dma_wait3A_239 = tpu.memref_squeeze %dma_wait3A_238 : memref<1x128xi32, #tpu.memory_space<vmem>> -> memref<128xi32, #tpu.memory_space<vmem>>
      %dma_wait3A_240 = tpu.memref_slice %arg2[%select_n3A, %add3A_65, %multiple_of3A_67] : memref<16x50x256xi32, #tpu.memory_space<hbm>> -> memref<1x1x128xi32, #tpu.memory_space<hbm>>
      %dma_wait3A_241 = tpu.memref_squeeze %dma_wait3A_240 : memref<1x1x128xi32, #tpu.memory_space<hbm>> -> memref<128xi32, #tpu.memory_space<hbm>>
      tpu.wait_dma2 semaphore(%run_scoped3A_221 : memref<!tpu.dma_semaphore, #tpu.memory_space<semaphore_mem>>) src(%dma_wait3A_241 : memref<128xi32, #tpu.memory_space<hbm>>) dst(%dma_wait3A_239 : memref<128xi32, #tpu.memory_space<vmem>>)
      tpu.yield
    }) : () -> ()
    %dma_start3A_69 = arith.constant 2 : i32
    %dma_start3A_70 = arith.constant 2 : i32
    %dma_start3A_71 = arith.constant 0 : i32
    %dma_start3A_72 = arith.constant 0 : i32
    %dma_start3A_73 = tpu.memref_slice %arg7[%dma_start3A_70, %dma_start3A_71, %dma_start3A_72] : memref<4x128x64xf32, #tpu.memory_space<vmem>> -> memref<1x128x64xf32, #tpu.memory_space<vmem>>
    %dma_start3A_74 = tpu.memref_squeeze %dma_start3A_73 : memref<1x128x64xf32, #tpu.memory_space<vmem>> -> memref<128x64xf32, #tpu.memory_space<vmem>>
    %dma_start3A_75 = arith.constant 0 : i32
    %dma_start3A_76 = tpu.memref_slice %arg6[%dma_start3A_69, %dma_start3A_75] : memref<4x128xi32, #tpu.memory_space<vmem>> -> memref<1x128xi32, #tpu.memory_space<vmem>>
    %dma_start3A_77 = tpu.memref_squeeze %dma_start3A_76 : memref<1x128xi32, #tpu.memory_space<vmem>> -> memref<128xi32, #tpu.memory_space<vmem>>
    %dma_start3A_78 = arith.constant 0 : i32
    %dma_start3A_79 = arith.constant 0 : i32
    %dma_start3A_80 = tpu.memref_slice %arg3[%dma_start3A_78, %dma_start3A_79] : memref<100000x64xf32, #tpu.memory_space<hbm>> -> memref<100000x64xf32, #tpu.memory_space<hbm>>
    tpu.enqueue_indirect_dma source(%dma_start3A_80 : memref<100000x64xf32, #tpu.memory_space<hbm>>) target(%dma_start3A_74 : memref<128x64xf32, #tpu.memory_space<vmem>>) offsets(%dma_start3A_77 : memref<128xi32, #tpu.memory_space<vmem>>) semaphore(%arg11 : memref<!tpu.dma_semaphore, #tpu.memory_space<semaphore_mem>>)
    %scan3A = arith.constant 0 : i32
    %scan3A_81 = arith.constant 0 : i32
    %scan3A_82 = arith.constant 12 : i32
    %scan3A_83 = arith.addi %scan3A_81, %scan3A_82 : i32
    %scan3A_84 = arith.constant 1 : i32
    %scan3A_85 = scf.for %scan3A_221 = %scan3A_81 to %scan3A_83 step %scan3A_84 iter_args(%scan3A_222 = %scan3A) -> (i32)  : i32 {
      %mul3A_223 = arith.constant 4 : i32
      %mul3A_224 = arith.muli %mul3A_223, %scan3A_221 : i32
      %add3A_225 = arith.constant 0 : i32
      %add3A_226 = arith.addi %mul3A_224, %add3A_225 : i32
      %add3A_227 = arith.constant 4 : i32
      %add3A_228 = arith.addi %add3A_226, %add3A_227 : i32
      %sub3A_229 = arith.constant 1 : i32
      %sub3A_230 = arith.subi %add3A_228, %sub3A_229 : i32
      %lt3A_231 = arith.constant 50 : i32
      %lt3A_232 = arith.cmpi slt, %sub3A_230, %lt3A_231 : i32
      %convert_element_type3A = arith.extui %lt3A_232 : i1 to i32
      %cond3A = arith.constant 0 : i32
      %cond3A_233 = arith.cmpi ne, %convert_element_type3A, %cond3A : i32
      scf.if %cond3A_233 {
        %ge3A = arith.constant 1 : i32
        %ge3A_570 = arith.cmpi sge, %add3A_226, %ge3A : i32
        %convert_element_type3A_571 = arith.extui %ge3A_570 : i1 to i32
        %cond3A_572 = arith.constant 0 : i32
        %cond3A_573 = arith.cmpi ne, %convert_element_type3A_571, %cond3A_572 : i32
        scf.if %cond3A_573 {
          %dma_wait3A_635 = arith.constant 3 : i32
          %dma_wait3A_636 = arith.constant 0 : i32
          %dma_wait3A_637 = arith.constant 0 : i32
          %dma_wait3A_638 = tpu.memref_slice %arg7[%dma_wait3A_635, %dma_wait3A_636, %dma_wait3A_637] : memref<4x128x64xf32, #tpu.memory_space<vmem>> -> memref<1x128x64xf32, #tpu.memory_space<vmem>>
          %dma_wait3A_639 = tpu.memref_squeeze %dma_wait3A_638 : memref<1x128x64xf32, #tpu.memory_space<vmem>> -> memref<128x64xf32, #tpu.memory_space<vmem>>
          %dma_wait3A_640 = arith.constant 0 : i32
          %dma_wait3A_641 = arith.constant 0 : i32
          %dma_wait3A_642 = tpu.memref_slice %arg5[%select_n3A, %mul3A_32, %dma_wait3A_640, %dma_wait3A_641] : memref<16x50x256x64xf32, #tpu.memory_space<hbm>> -> memref<1x1x128x64xf32, #tpu.memory_space<hbm>>
          %dma_wait3A_643 = tpu.memref_squeeze %dma_wait3A_642 : memref<1x1x128x64xf32, #tpu.memory_space<hbm>> -> memref<128x64xf32, #tpu.memory_space<hbm>>
          %dma_wait3A_644 = arith.constant 0 : i32
          %dma_wait3A_645 = arith.constant 0 : i32
          %dma_wait3A_646 = tpu.memref_slice %arg5[%select_n3A, %mul3A_32, %dma_wait3A_644, %dma_wait3A_645] : memref<16x50x256x64xf32, #tpu.memory_space<hbm>> -> memref<1x1x128x64xf32, #tpu.memory_space<hbm>>
          %dma_wait3A_647 = tpu.memref_squeeze %dma_wait3A_646 : memref<1x1x128x64xf32, #tpu.memory_space<hbm>> -> memref<128x64xf32, #tpu.memory_space<hbm>>
          %dma_wait3A_648 = arith.constant 0 : i32
          %dma_wait3A_649 = arith.constant 0 : i32
          %dma_wait3A_650 = tpu.memref_slice %arg7[%dma_wait3A_635, %dma_wait3A_648, %dma_wait3A_649] : memref<4x128x64xf32, #tpu.memory_space<vmem>> -> memref<1x128x64xf32, #tpu.memory_space<vmem>>
          %dma_wait3A_651 = tpu.memref_squeeze %dma_wait3A_650 : memref<1x128x64xf32, #tpu.memory_space<vmem>> -> memref<128x64xf32, #tpu.memory_space<vmem>>
          tpu.wait_dma2 semaphore(%arg16 : memref<!tpu.dma_semaphore, #tpu.memory_space<semaphore_mem>>) src(%dma_wait3A_651 : memref<128x64xf32, #tpu.memory_space<vmem>>) dst(%dma_wait3A_647 : memref<128x64xf32, #tpu.memory_space<hbm>>)
        } else {
        }
        %add3A_574 = arith.constant 4 : i32
        %add3A_575 = arith.addi %add3A_226, %add3A_574 : i32
        %sub3A_576 = arith.constant 1 : i32
        %sub3A_577 = arith.subi %add3A_575, %sub3A_576 : i32
        %jit3A_578 = arith.constant 2 : i32
        %div3A_579 = arith.divsi %sub3A_577, %jit3A_578 : i32
        %sign3A_580 = arith.constant 0 : i32
        %sign3A_581 = arith.cmpi sgt, %sub3A_577, %sign3A_580 : i32
        %sign3A_582 = arith.extui %sign3A_581 : i1 to i32
        %sign3A_583 = arith.constant 0 : i32
        %sign3A_584 = arith.cmpi slt, %sub3A_577, %sign3A_583 : i32
        %sign3A_585 = arith.extui %sign3A_584 : i1 to i32
        %sign3A_586 = arith.subi %sign3A_582, %sign3A_585 : i32
        %sign3A_587 = arith.constant 0 : i32
        %sign3A_588 = arith.cmpi sgt, %jit3A_578, %sign3A_587 : i32
        %sign3A_589 = arith.extui %sign3A_588 : i1 to i32
        %sign3A_590 = arith.constant 0 : i32
        %sign3A_591 = arith.cmpi slt, %jit3A_578, %sign3A_590 : i32
        %sign3A_592 = arith.extui %sign3A_591 : i1 to i32
        %sign3A_593 = arith.subi %sign3A_589, %sign3A_592 : i32
        %ne3A_594 = arith.cmpi ne, %sign3A_586, %sign3A_593 : i32
        %rem3A_595 = arith.remsi %sub3A_577, %jit3A_578 : i32
        %ne3A_596 = arith.constant 0 : i32
        %ne3A_597 = arith.cmpi ne, %rem3A_595, %ne3A_596 : i32
        %and3A_598 = arith.andi %ne3A_594, %ne3A_597 : i1
        %sub3A_599 = arith.constant 1 : i32
        %sub3A_600 = arith.subi %div3A_579, %sub3A_599 : i32
        %select_n3A_601 = arith.select %and3A_598, %sub3A_600, %div3A_579 : i32
        %add3A_602 = arith.addi %mul3A_32, %select_n3A_601 : i32
        %jit3A_603 = arith.constant 2 : i32
        %eq3A_604 = arith.constant 0 : i32
        %eq3A_605 = arith.cmpi eq, %jit3A_603, %eq3A_604 : i32
        %jit3A_606 = arith.constant 1 : i32
        %select_n3A_607 = arith.select %eq3A_605, %jit3A_606, %jit3A_603 : i32
        %rem3A_608 = arith.remsi %sub3A_577, %select_n3A_607 : i32
        %ne3A_609 = arith.constant 0 : i32
        %ne3A_610 = arith.cmpi ne, %rem3A_608, %ne3A_609 : i32
        %lt3A_611 = arith.constant 0 : i32
        %lt3A_612 = arith.cmpi slt, %rem3A_608, %lt3A_611 : i32
        %lt3A_613 = arith.constant 0 : i32
        %lt3A_614 = arith.cmpi slt, %select_n3A_607, %lt3A_613 : i32
        %ne3A_615 = arith.xori %lt3A_612, %lt3A_614 : i1
        %and3A_616 = arith.andi %ne3A_615, %ne3A_610 : i1
        %add3A_617 = arith.addi %rem3A_608, %select_n3A_607 : i32
        %select_n3A_618 = arith.select %and3A_616, %add3A_617, %rem3A_608 : i32
        %mul3A_619 = arith.constant 128 : i32
        %mul3A_620 = arith.muli %select_n3A_618, %mul3A_619 : i32
        %multiple_of3A_621 = tpu.assume_multiple %mul3A_620, 128 : i32
        %run_scoped3A_622 = arith.constant 3 : i32
        "tpu.region"() ({
          %run_scoped3A_635 = tpu.sem_alloc : memref<!tpu.dma_semaphore, #tpu.memory_space<semaphore_mem>>
          %dma_start3A_636 = arith.constant 0 : i32
          %dma_start3A_637 = tpu.memref_slice %arg6[%run_scoped3A_622, %dma_start3A_636] : memref<4x128xi32, #tpu.memory_space<vmem>> -> memref<1x128xi32, #tpu.memory_space<vmem>>
          %dma_start3A_638 = tpu.memref_squeeze %dma_start3A_637 : memref<1x128xi32, #tpu.memory_space<vmem>> -> memref<128xi32, #tpu.memory_space<vmem>>
          %dma_start3A_639 = tpu.memref_slice %arg2[%select_n3A, %add3A_602, %multiple_of3A_621] : memref<16x50x256xi32, #tpu.memory_space<hbm>> -> memref<1x1x128xi32, #tpu.memory_space<hbm>>
          %dma_start3A_640 = tpu.memref_squeeze %dma_start3A_639 : memref<1x1x128xi32, #tpu.memory_space<hbm>> -> memref<128xi32, #tpu.memory_space<hbm>>
          %dma_start3A_641 = arith.constant 0 : i32
          %dma_start3A_642 = tpu.memref_slice %arg6[%run_scoped3A_622, %dma_start3A_641] : memref<4x128xi32, #tpu.memory_space<vmem>> -> memref<1x128xi32, #tpu.memory_space<vmem>>
          %dma_start3A_643 = tpu.memref_squeeze %dma_start3A_642 : memref<1x128xi32, #tpu.memory_space<vmem>> -> memref<128xi32, #tpu.memory_space<vmem>>
          %dma_start3A_644 = tpu.memref_slice %arg2[%select_n3A, %add3A_602, %multiple_of3A_621] : memref<16x50x256xi32, #tpu.memory_space<hbm>> -> memref<1x1x128xi32, #tpu.memory_space<hbm>>
          %dma_start3A_645 = tpu.memref_squeeze %dma_start3A_644 : memref<1x1x128xi32, #tpu.memory_space<hbm>> -> memref<128xi32, #tpu.memory_space<hbm>>
          tpu.enqueue_dma source(%dma_start3A_645 : memref<128xi32, #tpu.memory_space<hbm>>) target(%dma_start3A_643 : memref<128xi32, #tpu.memory_space<vmem>>) target_semaphore(%run_scoped3A_635 : memref<!tpu.dma_semaphore, #tpu.memory_space<semaphore_mem>>)
          %dma_wait3A_646 = arith.constant 0 : i32
          %dma_wait3A_647 = tpu.memref_slice %arg6[%run_scoped3A_622, %dma_wait3A_646] : memref<4x128xi32, #tpu.memory_space<vmem>> -> memref<1x128xi32, #tpu.memory_space<vmem>>
          %dma_wait3A_648 = tpu.memref_squeeze %dma_wait3A_647 : memref<1x128xi32, #tpu.memory_space<vmem>> -> memref<128xi32, #tpu.memory_space<vmem>>
          %dma_wait3A_649 = tpu.memref_slice %arg2[%select_n3A, %add3A_602, %multiple_of3A_621] : memref<16x50x256xi32, #tpu.memory_space<hbm>> -> memref<1x1x128xi32, #tpu.memory_space<hbm>>
          %dma_wait3A_650 = tpu.memref_squeeze %dma_wait3A_649 : memref<1x1x128xi32, #tpu.memory_space<hbm>> -> memref<128xi32, #tpu.memory_space<hbm>>
          %dma_wait3A_651 = arith.constant 0 : i32
          %dma_wait3A_652 = tpu.memref_slice %arg6[%run_scoped3A_622, %dma_wait3A_651] : memref<4x128xi32, #tpu.memory_space<vmem>> -> memref<1x128xi32, #tpu.memory_space<vmem>>
          %dma_wait3A_653 = tpu.memref_squeeze %dma_wait3A_652 : memref<1x128xi32, #tpu.memory_space<vmem>> -> memref<128xi32, #tpu.memory_space<vmem>>
          %dma_wait3A_654 = tpu.memref_slice %arg2[%select_n3A, %add3A_602, %multiple_of3A_621] : memref<16x50x256xi32, #tpu.memory_space<hbm>> -> memref<1x1x128xi32, #tpu.memory_space<hbm>>
          %dma_wait3A_655 = tpu.memref_squeeze %dma_wait3A_654 : memref<1x1x128xi32, #tpu.memory_space<hbm>> -> memref<128xi32, #tpu.memory_space<hbm>>
          tpu.wait_dma2 semaphore(%run_scoped3A_635 : memref<!tpu.dma_semaphore, #tpu.memory_space<semaphore_mem>>) src(%dma_wait3A_655 : memref<128xi32, #tpu.memory_space<hbm>>) dst(%dma_wait3A_653 : memref<128xi32, #tpu.memory_space<vmem>>)
          tpu.yield
        }) : () -> ()
        %dma_start3A_623 = arith.constant 3 : i32
        %dma_start3A_624 = arith.constant 3 : i32
        %dma_start3A_625 = arith.constant 0 : i32
        %dma_start3A_626 = arith.constant 0 : i32
        %dma_start3A_627 = tpu.memref_slice %arg7[%dma_start3A_624, %dma_start3A_625, %dma_start3A_626] : memref<4x128x64xf32, #tpu.memory_space<vmem>> -> memref<1x128x64xf32, #tpu.memory_space<vmem>>
        %dma_start3A_628 = tpu.memref_squeeze %dma_start3A_627 : memref<1x128x64xf32, #tpu.memory_space<vmem>> -> memref<128x64xf32, #tpu.memory_space<vmem>>
        %dma_start3A_629 = arith.constant 0 : i32
        %dma_start3A_630 = tpu.memref_slice %arg6[%dma_start3A_623, %dma_start3A_629] : memref<4x128xi32, #tpu.memory_space<vmem>> -> memref<1x128xi32, #tpu.memory_space<vmem>>
        %dma_start3A_631 = tpu.memref_squeeze %dma_start3A_630 : memref<1x128xi32, #tpu.memory_space<vmem>> -> memref<128xi32, #tpu.memory_space<vmem>>
        %dma_start3A_632 = arith.constant 0 : i32
        %dma_start3A_633 = arith.constant 0 : i32
        %dma_start3A_634 = tpu.memref_slice %arg3[%dma_start3A_632, %dma_start3A_633] : memref<100000x64xf32, #tpu.memory_space<hbm>> -> memref<100000x64xf32, #tpu.memory_space<hbm>>
        tpu.enqueue_indirect_dma source(%dma_start3A_634 : memref<100000x64xf32, #tpu.memory_space<hbm>>) target(%dma_start3A_628 : memref<128x64xf32, #tpu.memory_space<vmem>>) offsets(%dma_start3A_631 : memref<128xi32, #tpu.memory_space<vmem>>) semaphore(%arg12 : memref<!tpu.dma_semaphore, #tpu.memory_space<semaphore_mem>>)
      } else {
      }
      %dma_wait3A_234 = arith.constant 0 : i32
      %dma_wait3A_235 = arith.constant 0 : i32
      %dma_wait3A_236 = arith.constant 0 : i32
      %dma_wait3A_237 = arith.constant 0 : i32
      %dma_wait3A_238 = tpu.memref_slice %arg7[%dma_wait3A_235, %dma_wait3A_236, %dma_wait3A_237] : memref<4x128x64xf32, #tpu.memory_space<vmem>> -> memref<1x128x64xf32, #tpu.memory_space<vmem>>
      %dma_wait3A_239 = tpu.memref_squeeze %dma_wait3A_238 : memref<1x128x64xf32, #tpu.memory_space<vmem>> -> memref<128x64xf32, #tpu.memory_space<vmem>>
      %dma_wait3A_240 = arith.constant 0 : i32
      %dma_wait3A_241 = tpu.memref_slice %arg6[%dma_wait3A_234, %dma_wait3A_240] : memref<4x128xi32, #tpu.memory_space<vmem>> -> memref<1x128xi32, #tpu.memory_space<vmem>>
      %dma_wait3A_242 = tpu.memref_squeeze %dma_wait3A_241 : memref<1x128xi32, #tpu.memory_space<vmem>> -> memref<128xi32, #tpu.memory_space<vmem>>
      %dma_wait3A_243 = arith.constant 0 : i32
      %dma_wait3A_244 = arith.constant 0 : i32
      %dma_wait3A_245 = tpu.memref_slice %arg3[%dma_wait3A_243, %dma_wait3A_244] : memref<100000x64xf32, #tpu.memory_space<hbm>> -> memref<100000x64xf32, #tpu.memory_space<hbm>>
      tpu.wait_indirect_dma semaphore(%arg9 : memref<!tpu.dma_semaphore, #tpu.memory_space<semaphore_mem>>) src(%dma_wait3A_245 : memref<100000x64xf32, #tpu.memory_space<hbm>>) dst(%dma_wait3A_239 : memref<128x64xf32, #tpu.memory_space<vmem>>)
      %parallel_loop3A_246 = arith.constant 0 : i32
      %parallel_loop3A_247 = arith.constant 128 : i32
      %parallel_loop3A_248 = arith.constant 1 : i32
      scf.for %parallel_loop3A_570 = %parallel_loop3A_246 to %parallel_loop3A_247 step %parallel_loop3A_248  : i32 {
        %parallel_loop3A_571 = arith.constant 0 : i32
        %parallel_loop3A_572 = arith.index_cast %parallel_loop3A_571 : i32 to index
        %parallel_loop3A_573 = arith.index_cast %parallel_loop3A_570 : i32 to index
        %parallel_loop3A_574 = arith.constant 0 : index
        %parallel_loop3A_575 = tpu.vector_load %arg7[%parallel_loop3A_572, %parallel_loop3A_573, %parallel_loop3A_574] {strides = array<i32>} : memref<4x128x64xf32, #tpu.memory_space<vmem>>, vector<1x1x16xf32>,
        %parallel_loop3A_576 = vector.shape_cast %parallel_loop3A_575 : vector<1x1x16xf32> to vector<16xf32>
        %parallel_loop3A_577 = arith.constant 0 : i32
        %parallel_loop3A_578 = arith.addi %parallel_loop3A_577, %parallel_loop3A_570 : i32
        %parallel_loop3A_579 = arith.index_cast %parallel_loop3A_578 : i32 to index
        %parallel_loop3A_580 = arith.constant 0 : index
        %parallel_loop3A_581 = tpu.vector_load %arg8[%parallel_loop3A_579, %parallel_loop3A_580] {strides = array<i32>} : memref<256x64xf32, #tpu.memory_space<vmem>>, vector<1x16xf32>,
        %parallel_loop3A_582 = vector.shape_cast %parallel_loop3A_581 : vector<1x16xf32> to vector<16xf32>
        %parallel_loop3A_583 = arith.addf %parallel_loop3A_576, %parallel_loop3A_582 : vector<16xf32>
        %parallel_loop3A_584 = arith.constant 0 : i32
        %parallel_loop3A_585 = arith.index_cast %parallel_loop3A_584 : i32 to index
        %parallel_loop3A_586 = arith.index_cast %parallel_loop3A_570 : i32 to index
        %parallel_loop3A_587 = arith.constant 0 : index
        %parallel_loop3A_588 = tpu.vector_load %arg7[%parallel_loop3A_585, %parallel_loop3A_586, %parallel_loop3A_587] {strides = array<i32>} : memref<4x128x64xf32, #tpu.memory_space<vmem>>, vector<1x1x16xf32>,
        %parallel_loop3A_589 = vector.shape_cast %parallel_loop3A_588 : vector<1x1x16xf32> to vector<16xf32>
        %parallel_loop3A_590 = vector.shape_cast %parallel_loop3A_583 : vector<16xf32> to vector<1x1x16xf32>
        tpu.vector_store %arg7[%parallel_loop3A_585, %parallel_loop3A_586, %parallel_loop3A_587], %parallel_loop3A_590 {strides = array<i32>} : memref<4x128x64xf32, #tpu.memory_space<vmem>>, vector<1x1x16xf32>,
        %parallel_loop3A_591 = arith.constant 0 : i32
        %parallel_loop3A_592 = arith.index_cast %parallel_loop3A_591 : i32 to index
        %parallel_loop3A_593 = arith.index_cast %parallel_loop3A_570 : i32 to index
        %parallel_loop3A_594 = arith.constant 16 : index
        %parallel_loop3A_595 = tpu.vector_load %arg7[%parallel_loop3A_592, %parallel_loop3A_593, %parallel_loop3A_594] {strides = array<i32>} : memref<4x128x64xf32, #tpu.memory_space<vmem>>, vector<1x1x16xf32>,
        %parallel_loop3A_596 = vector.shape_cast %parallel_loop3A_595 : vector<1x1x16xf32> to vector<16xf32>
        %parallel_loop3A_597 = arith.constant 0 : i32
        %parallel_loop3A_598 = arith.addi %parallel_loop3A_597, %parallel_loop3A_570 : i32
        %parallel_loop3A_599 = arith.index_cast %parallel_loop3A_598 : i32 to index
        %parallel_loop3A_600 = arith.constant 16 : index
        %parallel_loop3A_601 = tpu.vector_load %arg8[%parallel_loop3A_599, %parallel_loop3A_600] {strides = array<i32>} : memref<256x64xf32, #tpu.memory_space<vmem>>, vector<1x16xf32>,
        %parallel_loop3A_602 = vector.shape_cast %parallel_loop3A_601 : vector<1x16xf32> to vector<16xf32>
        %parallel_loop3A_603 = arith.addf %parallel_loop3A_596, %parallel_loop3A_602 : vector<16xf32>
        %parallel_loop3A_604 = arith.constant 0 : i32
        %parallel_loop3A_605 = arith.index_cast %parallel_loop3A_604 : i32 to index
        %parallel_loop3A_606 = arith.index_cast %parallel_loop3A_570 : i32 to index
        %parallel_loop3A_607 = arith.constant 16 : index
        %parallel_loop3A_608 = tpu.vector_load %arg7[%parallel_loop3A_605, %parallel_loop3A_606, %parallel_loop3A_607] {strides = array<i32>} : memref<4x128x64xf32, #tpu.memory_space<vmem>>, vector<1x1x16xf32>,
        %parallel_loop3A_609 = vector.shape_cast %parallel_loop3A_608 : vector<1x1x16xf32> to vector<16xf32>
        %parallel_loop3A_610 = vector.shape_cast %parallel_loop3A_603 : vector<16xf32> to vector<1x1x16xf32>
        tpu.vector_store %arg7[%parallel_loop3A_605, %parallel_loop3A_606, %parallel_loop3A_607], %parallel_loop3A_610 {strides = array<i32>} : memref<4x128x64xf32, #tpu.memory_space<vmem>>, vector<1x1x16xf32>,
        %parallel_loop3A_611 = arith.constant 0 : i32
        %parallel_loop3A_612 = arith.index_cast %parallel_loop3A_611 : i32 to index
        %parallel_loop3A_613 = arith.index_cast %parallel_loop3A_570 : i32 to index
        %parallel_loop3A_614 = arith.constant 32 : index
        %parallel_loop3A_615 = tpu.vector_load %arg7[%parallel_loop3A_612, %parallel_loop3A_613, %parallel_loop3A_614] {strides = array<i32>} : memref<4x128x64xf32, #tpu.memory_space<vmem>>, vector<1x1x16xf32>,
        %parallel_loop3A_616 = vector.shape_cast %parallel_loop3A_615 : vector<1x1x16xf32> to vector<16xf32>
        %parallel_loop3A_617 = arith.constant 0 : i32
        %parallel_loop3A_618 = arith.addi %parallel_loop3A_617, %parallel_loop3A_570 : i32
        %parallel_loop3A_619 = arith.index_cast %parallel_loop3A_618 : i32 to index
        %parallel_loop3A_620 = arith.constant 32 : index
        %parallel_loop3A_621 = tpu.vector_load %arg8[%parallel_loop3A_619, %parallel_loop3A_620] {strides = array<i32>} : memref<256x64xf32, #tpu.memory_space<vmem>>, vector<1x16xf32>,
        %parallel_loop3A_622 = vector.shape_cast %parallel_loop3A_621 : vector<1x16xf32> to vector<16xf32>
        %parallel_loop3A_623 = arith.addf %parallel_loop3A_616, %parallel_loop3A_622 : vector<16xf32>
        %parallel_loop3A_624 = arith.constant 0 : i32
        %parallel_loop3A_625 = arith.index_cast %parallel_loop3A_624 : i32 to index
        %parallel_loop3A_626 = arith.index_cast %parallel_loop3A_570 : i32 to index
        %parallel_loop3A_627 = arith.constant 32 : index
        %parallel_loop3A_628 = tpu.vector_load %arg7[%parallel_loop3A_625, %parallel_loop3A_626, %parallel_loop3A_627] {strides = array<i32>} : memref<4x128x64xf32, #tpu.memory_space<vmem>>, vector<1x1x16xf32>,
        %parallel_loop3A_629 = vector.shape_cast %parallel_loop3A_628 : vector<1x1x16xf32> to vector<16xf32>
        %parallel_loop3A_630 = vector.shape_cast %parallel_loop3A_623 : vector<16xf32> to vector<1x1x16xf32>
        tpu.vector_store %arg7[%parallel_loop3A_625, %parallel_loop3A_626, %parallel_loop3A_627], %parallel_loop3A_630 {strides = array<i32>} : memref<4x128x64xf32, #tpu.memory_space<vmem>>, vector<1x1x16xf32>,
        %parallel_loop3A_631 = arith.constant 0 : i32
        %parallel_loop3A_632 = arith.index_cast %parallel_loop3A_631 : i32 to index
        %parallel_loop3A_633 = arith.index_cast %parallel_loop3A_570 : i32 to index
        %parallel_loop3A_634 = arith.constant 48 : index
        %parallel_loop3A_635 = tpu.vector_load %arg7[%parallel_loop3A_632, %parallel_loop3A_633, %parallel_loop3A_634] {strides = array<i32>} : memref<4x128x64xf32, #tpu.memory_space<vmem>>, vector<1x1x16xf32>,
        %parallel_loop3A_636 = vector.shape_cast %parallel_loop3A_635 : vector<1x1x16xf32> to vector<16xf32>
        %parallel_loop3A_637 = arith.constant 0 : i32
        %parallel_loop3A_638 = arith.addi %parallel_loop3A_637, %parallel_loop3A_570 : i32
        %parallel_loop3A_639 = arith.index_cast %parallel_loop3A_638 : i32 to index
        %parallel_loop3A_640 = arith.constant 48 : index
        %parallel_loop3A_641 = tpu.vector_load %arg8[%parallel_loop3A_639, %parallel_loop3A_640] {strides = array<i32>} : memref<256x64xf32, #tpu.memory_space<vmem>>, vector<1x16xf32>,
        %parallel_loop3A_642 = vector.shape_cast %parallel_loop3A_641 : vector<1x16xf32> to vector<16xf32>
        %parallel_loop3A_643 = arith.addf %parallel_loop3A_636, %parallel_loop3A_642 : vector<16xf32>
        %parallel_loop3A_644 = arith.constant 0 : i32
        %parallel_loop3A_645 = arith.index_cast %parallel_loop3A_644 : i32 to index
        %parallel_loop3A_646 = arith.index_cast %parallel_loop3A_570 : i32 to index
        %parallel_loop3A_647 = arith.constant 48 : index
        %parallel_loop3A_648 = tpu.vector_load %arg7[%parallel_loop3A_645, %parallel_loop3A_646, %parallel_loop3A_647] {strides = array<i32>} : memref<4x128x64xf32, #tpu.memory_space<vmem>>, vector<1x1x16xf32>,
        %parallel_loop3A_649 = vector.shape_cast %parallel_loop3A_648 : vector<1x1x16xf32> to vector<16xf32>
        %parallel_loop3A_650 = vector.shape_cast %parallel_loop3A_643 : vector<16xf32> to vector<1x1x16xf32>
        tpu.vector_store %arg7[%parallel_loop3A_645, %parallel_loop3A_646, %parallel_loop3A_647], %parallel_loop3A_650 {strides = array<i32>} : memref<4x128x64xf32, #tpu.memory_space<vmem>>, vector<1x1x16xf32>,
      } {sc.loop_unroll_factor = 8 : i64, sc.parallel_access}
      %jit3A_249 = arith.constant 2 : i32
      %div3A_250 = arith.divsi %add3A_226, %jit3A_249 : i32
      %sign3A_251 = arith.constant 0 : i32
      %sign3A_252 = arith.cmpi sgt, %add3A_226, %sign3A_251 : i32
      %sign3A_253 = arith.extui %sign3A_252 : i1 to i32
      %sign3A_254 = arith.constant 0 : i32
      %sign3A_255 = arith.cmpi slt, %add3A_226, %sign3A_254 : i32
      %sign3A_256 = arith.extui %sign3A_255 : i1 to i32
      %sign3A_257 = arith.subi %sign3A_253, %sign3A_256 : i32
      %sign3A_258 = arith.constant 0 : i32
      %sign3A_259 = arith.cmpi sgt, %jit3A_249, %sign3A_258 : i32
      %sign3A_260 = arith.extui %sign3A_259 : i1 to i32
      %sign3A_261 = arith.constant 0 : i32
      %sign3A_262 = arith.cmpi slt, %jit3A_249, %sign3A_261 : i32
      %sign3A_263 = arith.extui %sign3A_262 : i1 to i32
      %sign3A_264 = arith.subi %sign3A_260, %sign3A_263 : i32
      %ne3A_265 = arith.cmpi ne, %sign3A_257, %sign3A_264 : i32
      %rem3A_266 = arith.remsi %add3A_226, %jit3A_249 : i32
      %ne3A_267 = arith.constant 0 : i32
      %ne3A_268 = arith.cmpi ne, %rem3A_266, %ne3A_267 : i32
      %and3A_269 = arith.andi %ne3A_265, %ne3A_268 : i1
      %sub3A_270 = arith.constant 1 : i32
      %sub3A_271 = arith.subi %div3A_250, %sub3A_270 : i32
      %select_n3A_272 = arith.select %and3A_269, %sub3A_271, %div3A_250 : i32
      %add3A_273 = arith.addi %mul3A_32, %select_n3A_272 : i32
      %jit3A_274 = arith.constant 2 : i32
      %eq3A_275 = arith.constant 0 : i32
      %eq3A_276 = arith.cmpi eq, %jit3A_274, %eq3A_275 : i32
      %jit3A_277 = arith.constant 1 : i32
      %select_n3A_278 = arith.select %eq3A_276, %jit3A_277, %jit3A_274 : i32
      %rem3A_279 = arith.remsi %add3A_226, %select_n3A_278 : i32
      %ne3A_280 = arith.constant 0 : i32
      %ne3A_281 = arith.cmpi ne, %rem3A_279, %ne3A_280 : i32
      %lt3A_282 = arith.constant 0 : i32
      %lt3A_283 = arith.cmpi slt, %rem3A_279, %lt3A_282 : i32
      %lt3A_284 = arith.constant 0 : i32
      %lt3A_285 = arith.cmpi slt, %select_n3A_278, %lt3A_284 : i32
      %ne3A_286 = arith.xori %lt3A_283, %lt3A_285 : i1
      %and3A_287 = arith.andi %ne3A_286, %ne3A_281 : i1
      %add3A_288 = arith.addi %rem3A_279, %select_n3A_278 : i32
      %select_n3A_289 = arith.select %and3A_287, %add3A_288, %rem3A_279 : i32
      %mul3A_290 = arith.constant 128 : i32
      %mul3A_291 = arith.muli %select_n3A_289, %mul3A_290 : i32
      %multiple_of3A_292 = tpu.assume_multiple %mul3A_291, 128 : i32
      %dma_start3A_293 = arith.constant 0 : i32
      %dma_start3A_294 = arith.constant 0 : i32
      %dma_start3A_295 = arith.constant 0 : i32
      %dma_start3A_296 = tpu.memref_slice %arg7[%dma_start3A_293, %dma_start3A_294, %dma_start3A_295] : memref<4x128x64xf32, #tpu.memory_space<vmem>> -> memref<1x128x64xf32, #tpu.memory_space<vmem>>
      %dma_start3A_297 = tpu.memref_squeeze %dma_start3A_296 : memref<1x128x64xf32, #tpu.memory_space<vmem>> -> memref<128x64xf32, #tpu.memory_space<vmem>>
      %dma_start3A_298 = arith.constant 0 : i32
      %dma_start3A_299 = tpu.memref_slice %arg5[%select_n3A, %add3A_273, %multiple_of3A_292, %dma_start3A_298] : memref<16x50x256x64xf32, #tpu.memory_space<hbm>> -> memref<1x1x128x64xf32, #tpu.memory_space<hbm>>
      %dma_start3A_300 = tpu.memref_squeeze %dma_start3A_299 : memref<1x1x128x64xf32, #tpu.memory_space<hbm>> -> memref<128x64xf32, #tpu.memory_space<hbm>>
      %dma_start3A_301 = arith.constant 0 : i32
      %dma_start3A_302 = tpu.memref_slice %arg5[%select_n3A, %add3A_273, %multiple_of3A_292, %dma_start3A_301] : memref<16x50x256x64xf32, #tpu.memory_space<hbm>> -> memref<1x1x128x64xf32, #tpu.memory_space<hbm>>
      %dma_start3A_303 = tpu.memref_squeeze %dma_start3A_302 : memref<1x1x128x64xf32, #tpu.memory_space<hbm>> -> memref<128x64xf32, #tpu.memory_space<hbm>>
      %dma_start3A_304 = arith.constant 0 : i32
      %dma_start3A_305 = arith.constant 0 : i32
      %dma_start3A_306 = tpu.memref_slice %arg7[%dma_start3A_293, %dma_start3A_304, %dma_start3A_305] : memref<4x128x64xf32, #tpu.memory_space<vmem>> -> memref<1x128x64xf32, #tpu.memory_space<vmem>>
      %dma_start3A_307 = tpu.memref_squeeze %dma_start3A_306 : memref<1x128x64xf32, #tpu.memory_space<vmem>> -> memref<128x64xf32, #tpu.memory_space<vmem>>
      tpu.enqueue_dma source(%dma_start3A_307 : memref<128x64xf32, #tpu.memory_space<vmem>>) target(%dma_start3A_303 : memref<128x64xf32, #tpu.memory_space<hbm>>) target_semaphore(%arg13 : memref<!tpu.dma_semaphore, #tpu.memory_space<semaphore_mem>>)
      %mul3A_308 = arith.constant 4 : i32
      %mul3A_309 = arith.muli %mul3A_308, %scan3A_221 : i32
      %add3A_310 = arith.constant 1 : i32
      %add3A_311 = arith.addi %mul3A_309, %add3A_310 : i32
      %add3A_312 = arith.constant 4 : i32
      %add3A_313 = arith.addi %add3A_311, %add3A_312 : i32
      %sub3A_314 = arith.constant 1 : i32
      %sub3A_315 = arith.subi %add3A_313, %sub3A_314 : i32
      %lt3A_316 = arith.constant 50 : i32
      %lt3A_317 = arith.cmpi slt, %sub3A_315, %lt3A_316 : i32
      %convert_element_type3A_318 = arith.extui %lt3A_317 : i1 to i32
      %cond3A_319 = arith.constant 0 : i32
      %cond3A_320 = arith.cmpi ne, %convert_element_type3A_318, %cond3A_319 : i32
      scf.if %cond3A_320 {
        %ge3A = arith.constant 1 : i32
        %ge3A_570 = arith.cmpi sge, %add3A_311, %ge3A : i32
        %convert_element_type3A_571 = arith.extui %ge3A_570 : i1 to i32
        %cond3A_572 = arith.constant 0 : i32
        %cond3A_573 = arith.cmpi ne, %convert_element_type3A_571, %cond3A_572 : i32
        scf.if %cond3A_573 {
          %dma_wait3A_635 = arith.constant 0 : i32
          %dma_wait3A_636 = arith.constant 0 : i32
          %dma_wait3A_637 = arith.constant 0 : i32
          %dma_wait3A_638 = tpu.memref_slice %arg7[%dma_wait3A_635, %dma_wait3A_636, %dma_wait3A_637] : memref<4x128x64xf32, #tpu.memory_space<vmem>> -> memref<1x128x64xf32, #tpu.memory_space<vmem>>
          %dma_wait3A_639 = tpu.memref_squeeze %dma_wait3A_638 : memref<1x128x64xf32, #tpu.memory_space<vmem>> -> memref<128x64xf32, #tpu.memory_space<vmem>>
          %dma_wait3A_640 = arith.constant 0 : i32
          %dma_wait3A_641 = arith.constant 0 : i32
          %dma_wait3A_642 = tpu.memref_slice %arg5[%select_n3A, %mul3A_32, %dma_wait3A_640, %dma_wait3A_641] : memref<16x50x256x64xf32, #tpu.memory_space<hbm>> -> memref<1x1x128x64xf32, #tpu.memory_space<hbm>>
          %dma_wait3A_643 = tpu.memref_squeeze %dma_wait3A_642 : memref<1x1x128x64xf32, #tpu.memory_space<hbm>> -> memref<128x64xf32, #tpu.memory_space<hbm>>
          %dma_wait3A_644 = arith.constant 0 : i32
          %dma_wait3A_645 = arith.constant 0 : i32
          %dma_wait3A_646 = tpu.memref_slice %arg5[%select_n3A, %mul3A_32, %dma_wait3A_644, %dma_wait3A_645] : memref<16x50x256x64xf32, #tpu.memory_space<hbm>> -> memref<1x1x128x64xf32, #tpu.memory_space<hbm>>
          %dma_wait3A_647 = tpu.memref_squeeze %dma_wait3A_646 : memref<1x1x128x64xf32, #tpu.memory_space<hbm>> -> memref<128x64xf32, #tpu.memory_space<hbm>>
          %dma_wait3A_648 = arith.constant 0 : i32
          %dma_wait3A_649 = arith.constant 0 : i32
          %dma_wait3A_650 = tpu.memref_slice %arg7[%dma_wait3A_635, %dma_wait3A_648, %dma_wait3A_649] : memref<4x128x64xf32, #tpu.memory_space<vmem>> -> memref<1x128x64xf32, #tpu.memory_space<vmem>>
          %dma_wait3A_651 = tpu.memref_squeeze %dma_wait3A_650 : memref<1x128x64xf32, #tpu.memory_space<vmem>> -> memref<128x64xf32, #tpu.memory_space<vmem>>
          tpu.wait_dma2 semaphore(%arg13 : memref<!tpu.dma_semaphore, #tpu.memory_space<semaphore_mem>>) src(%dma_wait3A_651 : memref<128x64xf32, #tpu.memory_space<vmem>>) dst(%dma_wait3A_647 : memref<128x64xf32, #tpu.memory_space<hbm>>)
        } else {
        }
        %add3A_574 = arith.constant 4 : i32
        %add3A_575 = arith.addi %add3A_311, %add3A_574 : i32
        %sub3A_576 = arith.constant 1 : i32
        %sub3A_577 = arith.subi %add3A_575, %sub3A_576 : i32
        %jit3A_578 = arith.constant 2 : i32
        %div3A_579 = arith.divsi %sub3A_577, %jit3A_578 : i32
        %sign3A_580 = arith.constant 0 : i32
        %sign3A_581 = arith.cmpi sgt, %sub3A_577, %sign3A_580 : i32
        %sign3A_582 = arith.extui %sign3A_581 : i1 to i32
        %sign3A_583 = arith.constant 0 : i32
        %sign3A_584 = arith.cmpi slt, %sub3A_577, %sign3A_583 : i32
        %sign3A_585 = arith.extui %sign3A_584 : i1 to i32
        %sign3A_586 = arith.subi %sign3A_582, %sign3A_585 : i32
        %sign3A_587 = arith.constant 0 : i32
        %sign3A_588 = arith.cmpi sgt, %jit3A_578, %sign3A_587 : i32
        %sign3A_589 = arith.extui %sign3A_588 : i1 to i32
        %sign3A_590 = arith.constant 0 : i32
        %sign3A_591 = arith.cmpi slt, %jit3A_578, %sign3A_590 : i32
        %sign3A_592 = arith.extui %sign3A_591 : i1 to i32
        %sign3A_593 = arith.subi %sign3A_589, %sign3A_592 : i32
        %ne3A_594 = arith.cmpi ne, %sign3A_586, %sign3A_593 : i32
        %rem3A_595 = arith.remsi %sub3A_577, %jit3A_578 : i32
        %ne3A_596 = arith.constant 0 : i32
        %ne3A_597 = arith.cmpi ne, %rem3A_595, %ne3A_596 : i32
        %and3A_598 = arith.andi %ne3A_594, %ne3A_597 : i1
        %sub3A_599 = arith.constant 1 : i32
        %sub3A_600 = arith.subi %div3A_579, %sub3A_599 : i32
        %select_n3A_601 = arith.select %and3A_598, %sub3A_600, %div3A_579 : i32
        %add3A_602 = arith.addi %mul3A_32, %select_n3A_601 : i32
        %jit3A_603 = arith.constant 2 : i32
        %eq3A_604 = arith.constant 0 : i32
        %eq3A_605 = arith.cmpi eq, %jit3A_603, %eq3A_604 : i32
        %jit3A_606 = arith.constant 1 : i32
        %select_n3A_607 = arith.select %eq3A_605, %jit3A_606, %jit3A_603 : i32
        %rem3A_608 = arith.remsi %sub3A_577, %select_n3A_607 : i32
        %ne3A_609 = arith.constant 0 : i32
        %ne3A_610 = arith.cmpi ne, %rem3A_608, %ne3A_609 : i32
        %lt3A_611 = arith.constant 0 : i32
        %lt3A_612 = arith.cmpi slt, %rem3A_608, %lt3A_611 : i32
        %lt3A_613 = arith.constant 0 : i32
        %lt3A_614 = arith.cmpi slt, %select_n3A_607, %lt3A_613 : i32
        %ne3A_615 = arith.xori %lt3A_612, %lt3A_614 : i1
        %and3A_616 = arith.andi %ne3A_615, %ne3A_610 : i1
        %add3A_617 = arith.addi %rem3A_608, %select_n3A_607 : i32
        %select_n3A_618 = arith.select %and3A_616, %add3A_617, %rem3A_608 : i32
        %mul3A_619 = arith.constant 128 : i32
        %mul3A_620 = arith.muli %select_n3A_618, %mul3A_619 : i32
        %multiple_of3A_621 = tpu.assume_multiple %mul3A_620, 128 : i32
        %run_scoped3A_622 = arith.constant 0 : i32
        "tpu.region"() ({
          %run_scoped3A_635 = tpu.sem_alloc : memref<!tpu.dma_semaphore, #tpu.memory_space<semaphore_mem>>
          %dma_start3A_636 = arith.constant 0 : i32
          %dma_start3A_637 = tpu.memref_slice %arg6[%run_scoped3A_622, %dma_start3A_636] : memref<4x128xi32, #tpu.memory_space<vmem>> -> memref<1x128xi32, #tpu.memory_space<vmem>>
          %dma_start3A_638 = tpu.memref_squeeze %dma_start3A_637 : memref<1x128xi32, #tpu.memory_space<vmem>> -> memref<128xi32, #tpu.memory_space<vmem>>
          %dma_start3A_639 = tpu.memref_slice %arg2[%select_n3A, %add3A_602, %multiple_of3A_621] : memref<16x50x256xi32, #tpu.memory_space<hbm>> -> memref<1x1x128xi32, #tpu.memory_space<hbm>>
          %dma_start3A_640 = tpu.memref_squeeze %dma_start3A_639 : memref<1x1x128xi32, #tpu.memory_space<hbm>> -> memref<128xi32, #tpu.memory_space<hbm>>
          %dma_start3A_641 = arith.constant 0 : i32
          %dma_start3A_642 = tpu.memref_slice %arg6[%run_scoped3A_622, %dma_start3A_641] : memref<4x128xi32, #tpu.memory_space<vmem>> -> memref<1x128xi32, #tpu.memory_space<vmem>>
          %dma_start3A_643 = tpu.memref_squeeze %dma_start3A_642 : memref<1x128xi32, #tpu.memory_space<vmem>> -> memref<128xi32, #tpu.memory_space<vmem>>
          %dma_start3A_644 = tpu.memref_slice %arg2[%select_n3A, %add3A_602, %multiple_of3A_621] : memref<16x50x256xi32, #tpu.memory_space<hbm>> -> memref<1x1x128xi32, #tpu.memory_space<hbm>>
          %dma_start3A_645 = tpu.memref_squeeze %dma_start3A_644 : memref<1x1x128xi32, #tpu.memory_space<hbm>> -> memref<128xi32, #tpu.memory_space<hbm>>
          tpu.enqueue_dma source(%dma_start3A_645 : memref<128xi32, #tpu.memory_space<hbm>>) target(%dma_start3A_643 : memref<128xi32, #tpu.memory_space<vmem>>) target_semaphore(%run_scoped3A_635 : memref<!tpu.dma_semaphore, #tpu.memory_space<semaphore_mem>>)
          %dma_wait3A_646 = arith.constant 0 : i32
          %dma_wait3A_647 = tpu.memref_slice %arg6[%run_scoped3A_622, %dma_wait3A_646] : memref<4x128xi32, #tpu.memory_space<vmem>> -> memref<1x128xi32, #tpu.memory_space<vmem>>
          %dma_wait3A_648 = tpu.memref_squeeze %dma_wait3A_647 : memref<1x128xi32, #tpu.memory_space<vmem>> -> memref<128xi32, #tpu.memory_space<vmem>>
          %dma_wait3A_649 = tpu.memref_slice %arg2[%select_n3A, %add3A_602, %multiple_of3A_621] : memref<16x50x256xi32, #tpu.memory_space<hbm>> -> memref<1x1x128xi32, #tpu.memory_space<hbm>>
          %dma_wait3A_650 = tpu.memref_squeeze %dma_wait3A_649 : memref<1x1x128xi32, #tpu.memory_space<hbm>> -> memref<128xi32, #tpu.memory_space<hbm>>
          %dma_wait3A_651 = arith.constant 0 : i32
          %dma_wait3A_652 = tpu.memref_slice %arg6[%run_scoped3A_622, %dma_wait3A_651] : memref<4x128xi32, #tpu.memory_space<vmem>> -> memref<1x128xi32, #tpu.memory_space<vmem>>
          %dma_wait3A_653 = tpu.memref_squeeze %dma_wait3A_652 : memref<1x128xi32, #tpu.memory_space<vmem>> -> memref<128xi32, #tpu.memory_space<vmem>>
          %dma_wait3A_654 = tpu.memref_slice %arg2[%select_n3A, %add3A_602, %multiple_of3A_621] : memref<16x50x256xi32, #tpu.memory_space<hbm>> -> memref<1x1x128xi32, #tpu.memory_space<hbm>>
          %dma_wait3A_655 = tpu.memref_squeeze %dma_wait3A_654 : memref<1x1x128xi32, #tpu.memory_space<hbm>> -> memref<128xi32, #tpu.memory_space<hbm>>
          tpu.wait_dma2 semaphore(%run_scoped3A_635 : memref<!tpu.dma_semaphore, #tpu.memory_space<semaphore_mem>>) src(%dma_wait3A_655 : memref<128xi32, #tpu.memory_space<hbm>>) dst(%dma_wait3A_653 : memref<128xi32, #tpu.memory_space<vmem>>)
          tpu.yield
        }) : () -> ()
        %dma_start3A_623 = arith.constant 0 : i32
        %dma_start3A_624 = arith.constant 0 : i32
        %dma_start3A_625 = arith.constant 0 : i32
        %dma_start3A_626 = arith.constant 0 : i32
        %dma_start3A_627 = tpu.memref_slice %arg7[%dma_start3A_624, %dma_start3A_625, %dma_start3A_626] : memref<4x128x64xf32, #tpu.memory_space<vmem>> -> memref<1x128x64xf32, #tpu.memory_space<vmem>>
        %dma_start3A_628 = tpu.memref_squeeze %dma_start3A_627 : memref<1x128x64xf32, #tpu.memory_space<vmem>> -> memref<128x64xf32, #tpu.memory_space<vmem>>
        %dma_start3A_629 = arith.constant 0 : i32
        %dma_start3A_630 = tpu.memref_slice %arg6[%dma_start3A_623, %dma_start3A_629] : memref<4x128xi32, #tpu.memory_space<vmem>> -> memref<1x128xi32, #tpu.memory_space<vmem>>
        %dma_start3A_631 = tpu.memref_squeeze %dma_start3A_630 : memref<1x128xi32, #tpu.memory_space<vmem>> -> memref<128xi32, #tpu.memory_space<vmem>>
        %dma_start3A_632 = arith.constant 0 : i32
        %dma_start3A_633 = arith.constant 0 : i32
        %dma_start3A_634 = tpu.memref_slice %arg3[%dma_start3A_632, %dma_start3A_633] : memref<100000x64xf32, #tpu.memory_space<hbm>> -> memref<100000x64xf32, #tpu.memory_space<hbm>>
        tpu.enqueue_indirect_dma source(%dma_start3A_634 : memref<100000x64xf32, #tpu.memory_space<hbm>>) target(%dma_start3A_628 : memref<128x64xf32, #tpu.memory_space<vmem>>) offsets(%dma_start3A_631 : memref<128xi32, #tpu.memory_space<vmem>>) semaphore(%arg9 : memref<!tpu.dma_semaphore, #tpu.memory_space<semaphore_mem>>)
      } else {
      }
      %dma_wait3A_321 = arith.constant 1 : i32
      %dma_wait3A_322 = arith.constant 1 : i32
      %dma_wait3A_323 = arith.constant 0 : i32
      %dma_wait3A_324 = arith.constant 0 : i32
      %dma_wait3A_325 = tpu.memref_slice %arg7[%dma_wait3A_322, %dma_wait3A_323, %dma_wait3A_324] : memref<4x128x64xf32, #tpu.memory_space<vmem>> -> memref<1x128x64xf32, #tpu.memory_space<vmem>>
      %dma_wait3A_326 = tpu.memref_squeeze %dma_wait3A_325 : memref<1x128x64xf32, #tpu.memory_space<vmem>> -> memref<128x64xf32, #tpu.memory_space<vmem>>
      %dma_wait3A_327 = arith.constant 0 : i32
      %dma_wait3A_328 = tpu.memref_slice %arg6[%dma_wait3A_321, %dma_wait3A_327] : memref<4x128xi32, #tpu.memory_space<vmem>> -> memref<1x128xi32, #tpu.memory_space<vmem>>
      %dma_wait3A_329 = tpu.memref_squeeze %dma_wait3A_328 : memref<1x128xi32, #tpu.memory_space<vmem>> -> memref<128xi32, #tpu.memory_space<vmem>>
      %dma_wait3A_330 = arith.constant 0 : i32
      %dma_wait3A_331 = arith.constant 0 : i32
      %dma_wait3A_332 = tpu.memref_slice %arg3[%dma_wait3A_330, %dma_wait3A_331] : memref<100000x64xf32, #tpu.memory_space<hbm>> -> memref<100000x64xf32, #tpu.memory_space<hbm>>
      tpu.wait_indirect_dma semaphore(%arg10 : memref<!tpu.dma_semaphore, #tpu.memory_space<semaphore_mem>>) src(%dma_wait3A_332 : memref<100000x64xf32, #tpu.memory_space<hbm>>) dst(%dma_wait3A_326 : memref<128x64xf32, #tpu.memory_space<vmem>>)
      %parallel_loop3A_333 = arith.constant 0 : i32
      %parallel_loop3A_334 = arith.constant 128 : i32
      %parallel_loop3A_335 = arith.constant 1 : i32
      scf.for %parallel_loop3A_570 = %parallel_loop3A_333 to %parallel_loop3A_334 step %parallel_loop3A_335  : i32 {
        %parallel_loop3A_571 = arith.constant 1 : i32
        %parallel_loop3A_572 = arith.index_cast %parallel_loop3A_571 : i32 to index
        %parallel_loop3A_573 = arith.index_cast %parallel_loop3A_570 : i32 to index
        %parallel_loop3A_574 = arith.constant 0 : index
        %parallel_loop3A_575 = tpu.vector_load %arg7[%parallel_loop3A_572, %parallel_loop3A_573, %parallel_loop3A_574] {strides = array<i32>} : memref<4x128x64xf32, #tpu.memory_space<vmem>>, vector<1x1x16xf32>,
        %parallel_loop3A_576 = vector.shape_cast %parallel_loop3A_575 : vector<1x1x16xf32> to vector<16xf32>
        %parallel_loop3A_577 = arith.constant 128 : i32
        %parallel_loop3A_578 = arith.addi %parallel_loop3A_577, %parallel_loop3A_570 : i32
        %parallel_loop3A_579 = arith.index_cast %parallel_loop3A_578 : i32 to index
        %parallel_loop3A_580 = arith.constant 0 : index
        %parallel_loop3A_581 = tpu.vector_load %arg8[%parallel_loop3A_579, %parallel_loop3A_580] {strides = array<i32>} : memref<256x64xf32, #tpu.memory_space<vmem>>, vector<1x16xf32>,
        %parallel_loop3A_582 = vector.shape_cast %parallel_loop3A_581 : vector<1x16xf32> to vector<16xf32>
        %parallel_loop3A_583 = arith.addf %parallel_loop3A_576, %parallel_loop3A_582 : vector<16xf32>
        %parallel_loop3A_584 = arith.constant 1 : i32
        %parallel_loop3A_585 = arith.index_cast %parallel_loop3A_584 : i32 to index
        %parallel_loop3A_586 = arith.index_cast %parallel_loop3A_570 : i32 to index
        %parallel_loop3A_587 = arith.constant 0 : index
        %parallel_loop3A_588 = tpu.vector_load %arg7[%parallel_loop3A_585, %parallel_loop3A_586, %parallel_loop3A_587] {strides = array<i32>} : memref<4x128x64xf32, #tpu.memory_space<vmem>>, vector<1x1x16xf32>,
        %parallel_loop3A_589 = vector.shape_cast %parallel_loop3A_588 : vector<1x1x16xf32> to vector<16xf32>
        %parallel_loop3A_590 = vector.shape_cast %parallel_loop3A_583 : vector<16xf32> to vector<1x1x16xf32>
        tpu.vector_store %arg7[%parallel_loop3A_585, %parallel_loop3A_586, %parallel_loop3A_587], %parallel_loop3A_590 {strides = array<i32>} : memref<4x128x64xf32, #tpu.memory_space<vmem>>, vector<1x1x16xf32>,
        %parallel_loop3A_591 = arith.constant 1 : i32
        %parallel_loop3A_592 = arith.index_cast %parallel_loop3A_591 : i32 to index
        %parallel_loop3A_593 = arith.index_cast %parallel_loop3A_570 : i32 to index
        %parallel_loop3A_594 = arith.constant 16 : index
        %parallel_loop3A_595 = tpu.vector_load %arg7[%parallel_loop3A_592, %parallel_loop3A_593, %parallel_loop3A_594] {strides = array<i32>} : memref<4x128x64xf32, #tpu.memory_space<vmem>>, vector<1x1x16xf32>,
        %parallel_loop3A_596 = vector.shape_cast %parallel_loop3A_595 : vector<1x1x16xf32> to vector<16xf32>
        %parallel_loop3A_597 = arith.constant 128 : i32
        %parallel_loop3A_598 = arith.addi %parallel_loop3A_597, %parallel_loop3A_570 : i32
        %parallel_loop3A_599 = arith.index_cast %parallel_loop3A_598 : i32 to index
        %parallel_loop3A_600 = arith.constant 16 : index
        %parallel_loop3A_601 = tpu.vector_load %arg8[%parallel_loop3A_599, %parallel_loop3A_600] {strides = array<i32>} : memref<256x64xf32, #tpu.memory_space<vmem>>, vector<1x16xf32>,
        %parallel_loop3A_602 = vector.shape_cast %parallel_loop3A_601 : vector<1x16xf32> to vector<16xf32>
        %parallel_loop3A_603 = arith.addf %parallel_loop3A_596, %parallel_loop3A_602 : vector<16xf32>
        %parallel_loop3A_604 = arith.constant 1 : i32
        %parallel_loop3A_605 = arith.index_cast %parallel_loop3A_604 : i32 to index
        %parallel_loop3A_606 = arith.index_cast %parallel_loop3A_570 : i32 to index
        %parallel_loop3A_607 = arith.constant 16 : index
        %parallel_loop3A_608 = tpu.vector_load %arg7[%parallel_loop3A_605, %parallel_loop3A_606, %parallel_loop3A_607] {strides = array<i32>} : memref<4x128x64xf32, #tpu.memory_space<vmem>>, vector<1x1x16xf32>,
        %parallel_loop3A_609 = vector.shape_cast %parallel_loop3A_608 : vector<1x1x16xf32> to vector<16xf32>
        %parallel_loop3A_610 = vector.shape_cast %parallel_loop3A_603 : vector<16xf32> to vector<1x1x16xf32>
        tpu.vector_store %arg7[%parallel_loop3A_605, %parallel_loop3A_606, %parallel_loop3A_607], %parallel_loop3A_610 {strides = array<i32>} : memref<4x128x64xf32, #tpu.memory_space<vmem>>, vector<1x1x16xf32>,
        %parallel_loop3A_611 = arith.constant 1 : i32
        %parallel_loop3A_612 = arith.index_cast %parallel_loop3A_611 : i32 to index
        %parallel_loop3A_613 = arith.index_cast %parallel_loop3A_570 : i32 to index
        %parallel_loop3A_614 = arith.constant 32 : index
        %parallel_loop3A_615 = tpu.vector_load %arg7[%parallel_loop3A_612, %parallel_loop3A_613, %parallel_loop3A_614] {strides = array<i32>} : memref<4x128x64xf32, #tpu.memory_space<vmem>>, vector<1x1x16xf32>,
        %parallel_loop3A_616 = vector.shape_cast %parallel_loop3A_615 : vector<1x1x16xf32> to vector<16xf32>
        %parallel_loop3A_617 = arith.constant 128 : i32
        %parallel_loop3A_618 = arith.addi %parallel_loop3A_617, %parallel_loop3A_570 : i32
        %parallel_loop3A_619 = arith.index_cast %parallel_loop3A_618 : i32 to index
        %parallel_loop3A_620 = arith.constant 32 : index
        %parallel_loop3A_621 = tpu.vector_load %arg8[%parallel_loop3A_619, %parallel_loop3A_620] {strides = array<i32>} : memref<256x64xf32, #tpu.memory_space<vmem>>, vector<1x16xf32>,
        %parallel_loop3A_622 = vector.shape_cast %parallel_loop3A_621 : vector<1x16xf32> to vector<16xf32>
        %parallel_loop3A_623 = arith.addf %parallel_loop3A_616, %parallel_loop3A_622 : vector<16xf32>
        %parallel_loop3A_624 = arith.constant 1 : i32
        %parallel_loop3A_625 = arith.index_cast %parallel_loop3A_624 : i32 to index
        %parallel_loop3A_626 = arith.index_cast %parallel_loop3A_570 : i32 to index
        %parallel_loop3A_627 = arith.constant 32 : index
        %parallel_loop3A_628 = tpu.vector_load %arg7[%parallel_loop3A_625, %parallel_loop3A_626, %parallel_loop3A_627] {strides = array<i32>} : memref<4x128x64xf32, #tpu.memory_space<vmem>>, vector<1x1x16xf32>,
        %parallel_loop3A_629 = vector.shape_cast %parallel_loop3A_628 : vector<1x1x16xf32> to vector<16xf32>
        %parallel_loop3A_630 = vector.shape_cast %parallel_loop3A_623 : vector<16xf32> to vector<1x1x16xf32>
        tpu.vector_store %arg7[%parallel_loop3A_625, %parallel_loop3A_626, %parallel_loop3A_627], %parallel_loop3A_630 {strides = array<i32>} : memref<4x128x64xf32, #tpu.memory_space<vmem>>, vector<1x1x16xf32>,
        %parallel_loop3A_631 = arith.constant 1 : i32
        %parallel_loop3A_632 = arith.index_cast %parallel_loop3A_631 : i32 to index
        %parallel_loop3A_633 = arith.index_cast %parallel_loop3A_570 : i32 to index
        %parallel_loop3A_634 = arith.constant 48 : index
        %parallel_loop3A_635 = tpu.vector_load %arg7[%parallel_loop3A_632, %parallel_loop3A_633, %parallel_loop3A_634] {strides = array<i32>} : memref<4x128x64xf32, #tpu.memory_space<vmem>>, vector<1x1x16xf32>,
        %parallel_loop3A_636 = vector.shape_cast %parallel_loop3A_635 : vector<1x1x16xf32> to vector<16xf32>
        %parallel_loop3A_637 = arith.constant 128 : i32
        %parallel_loop3A_638 = arith.addi %parallel_loop3A_637, %parallel_loop3A_570 : i32
        %parallel_loop3A_639 = arith.index_cast %parallel_loop3A_638 : i32 to index
        %parallel_loop3A_640 = arith.constant 48 : index
        %parallel_loop3A_641 = tpu.vector_load %arg8[%parallel_loop3A_639, %parallel_loop3A_640] {strides = array<i32>} : memref<256x64xf32, #tpu.memory_space<vmem>>, vector<1x16xf32>,
        %parallel_loop3A_642 = vector.shape_cast %parallel_loop3A_641 : vector<1x16xf32> to vector<16xf32>
        %parallel_loop3A_643 = arith.addf %parallel_loop3A_636, %parallel_loop3A_642 : vector<16xf32>
        %parallel_loop3A_644 = arith.constant 1 : i32
        %parallel_loop3A_645 = arith.index_cast %parallel_loop3A_644 : i32 to index
        %parallel_loop3A_646 = arith.index_cast %parallel_loop3A_570 : i32 to index
        %parallel_loop3A_647 = arith.constant 48 : index
        %parallel_loop3A_648 = tpu.vector_load %arg7[%parallel_loop3A_645, %parallel_loop3A_646, %parallel_loop3A_647] {strides = array<i32>} : memref<4x128x64xf32, #tpu.memory_space<vmem>>, vector<1x1x16xf32>,
        %parallel_loop3A_649 = vector.shape_cast %parallel_loop3A_648 : vector<1x1x16xf32> to vector<16xf32>
        %parallel_loop3A_650 = vector.shape_cast %parallel_loop3A_643 : vector<16xf32> to vector<1x1x16xf32>
        tpu.vector_store %arg7[%parallel_loop3A_645, %parallel_loop3A_646, %parallel_loop3A_647], %parallel_loop3A_650 {strides = array<i32>} : memref<4x128x64xf32, #tpu.memory_space<vmem>>, vector<1x1x16xf32>,
      } {sc.loop_unroll_factor = 8 : i64, sc.parallel_access}
      %jit3A_336 = arith.constant 2 : i32
      %div3A_337 = arith.divsi %add3A_311, %jit3A_336 : i32
      %sign3A_338 = arith.constant 0 : i32
      %sign3A_339 = arith.cmpi sgt, %add3A_311, %sign3A_338 : i32
      %sign3A_340 = arith.extui %sign3A_339 : i1 to i32
      %sign3A_341 = arith.constant 0 : i32
      %sign3A_342 = arith.cmpi slt, %add3A_311, %sign3A_341 : i32
      %sign3A_343 = arith.extui %sign3A_342 : i1 to i32
      %sign3A_344 = arith.subi %sign3A_340, %sign3A_343 : i32
      %sign3A_345 = arith.constant 0 : i32
      %sign3A_346 = arith.cmpi sgt, %jit3A_336, %sign3A_345 : i32
      %sign3A_347 = arith.extui %sign3A_346 : i1 to i32
      %sign3A_348 = arith.constant 0 : i32
      %sign3A_349 = arith.cmpi slt, %jit3A_336, %sign3A_348 : i32
      %sign3A_350 = arith.extui %sign3A_349 : i1 to i32
      %sign3A_351 = arith.subi %sign3A_347, %sign3A_350 : i32
      %ne3A_352 = arith.cmpi ne, %sign3A_344, %sign3A_351 : i32
      %rem3A_353 = arith.remsi %add3A_311, %jit3A_336 : i32
      %ne3A_354 = arith.constant 0 : i32
      %ne3A_355 = arith.cmpi ne, %rem3A_353, %ne3A_354 : i32
      %and3A_356 = arith.andi %ne3A_352, %ne3A_355 : i1
      %sub3A_357 = arith.constant 1 : i32
      %sub3A_358 = arith.subi %div3A_337, %sub3A_357 : i32
      %select_n3A_359 = arith.select %and3A_356, %sub3A_358, %div3A_337 : i32
      %add3A_360 = arith.addi %mul3A_32, %select_n3A_359 : i32
      %jit3A_361 = arith.constant 2 : i32
      %eq3A_362 = arith.constant 0 : i32
      %eq3A_363 = arith.cmpi eq, %jit3A_361, %eq3A_362 : i32
      %jit3A_364 = arith.constant 1 : i32
      %select_n3A_365 = arith.select %eq3A_363, %jit3A_364, %jit3A_361 : i32
      %rem3A_366 = arith.remsi %add3A_311, %select_n3A_365 : i32
      %ne3A_367 = arith.constant 0 : i32
      %ne3A_368 = arith.cmpi ne, %rem3A_366, %ne3A_367 : i32
      %lt3A_369 = arith.constant 0 : i32
      %lt3A_370 = arith.cmpi slt, %rem3A_366, %lt3A_369 : i32
      %lt3A_371 = arith.constant 0 : i32
      %lt3A_372 = arith.cmpi slt, %select_n3A_365, %lt3A_371 : i32
      %ne3A_373 = arith.xori %lt3A_370, %lt3A_372 : i1
      %and3A_374 = arith.andi %ne3A_373, %ne3A_368 : i1
      %add3A_375 = arith.addi %rem3A_366, %select_n3A_365 : i32
      %select_n3A_376 = arith.select %and3A_374, %add3A_375, %rem3A_366 : i32
      %mul3A_377 = arith.constant 128 : i32
      %mul3A_378 = arith.muli %select_n3A_376, %mul3A_377 : i32
      %multiple_of3A_379 = tpu.assume_multiple %mul3A_378, 128 : i32
      %dma_start3A_380 = arith.constant 1 : i32
      %dma_start3A_381 = arith.constant 0 : i32
      %dma_start3A_382 = arith.constant 0 : i32
      %dma_start3A_383 = tpu.memref_slice %arg7[%dma_start3A_380, %dma_start3A_381, %dma_start3A_382] : memref<4x128x64xf32, #tpu.memory_space<vmem>> -> memref<1x128x64xf32, #tpu.memory_space<vmem>>
      %dma_start3A_384 = tpu.memref_squeeze %dma_start3A_383 : memref<1x128x64xf32, #tpu.memory_space<vmem>> -> memref<128x64xf32, #tpu.memory_space<vmem>>
      %dma_start3A_385 = arith.constant 0 : i32
      %dma_start3A_386 = tpu.memref_slice %arg5[%select_n3A, %add3A_360, %multiple_of3A_379, %dma_start3A_385] : memref<16x50x256x64xf32, #tpu.memory_space<hbm>> -> memref<1x1x128x64xf32, #tpu.memory_space<hbm>>
      %dma_start3A_387 = tpu.memref_squeeze %dma_start3A_386 : memref<1x1x128x64xf32, #tpu.memory_space<hbm>> -> memref<128x64xf32, #tpu.memory_space<hbm>>
      %dma_start3A_388 = arith.constant 0 : i32
      %dma_start3A_389 = tpu.memref_slice %arg5[%select_n3A, %add3A_360, %multiple_of3A_379, %dma_start3A_388] : memref<16x50x256x64xf32, #tpu.memory_space<hbm>> -> memref<1x1x128x64xf32, #tpu.memory_space<hbm>>
      %dma_start3A_390 = tpu.memref_squeeze %dma_start3A_389 : memref<1x1x128x64xf32, #tpu.memory_space<hbm>> -> memref<128x64xf32, #tpu.memory_space<hbm>>
      %dma_start3A_391 = arith.constant 0 : i32
      %dma_start3A_392 = arith.constant 0 : i32
      %dma_start3A_393 = tpu.memref_slice %arg7[%dma_start3A_380, %dma_start3A_391, %dma_start3A_392] : memref<4x128x64xf32, #tpu.memory_space<vmem>> -> memref<1x128x64xf32, #tpu.memory_space<vmem>>
      %dma_start3A_394 = tpu.memref_squeeze %dma_start3A_393 : memref<1x128x64xf32, #tpu.memory_space<vmem>> -> memref<128x64xf32, #tpu.memory_space<vmem>>
      tpu.enqueue_dma source(%dma_start3A_394 : memref<128x64xf32, #tpu.memory_space<vmem>>) target(%dma_start3A_390 : memref<128x64xf32, #tpu.memory_space<hbm>>) target_semaphore(%arg14 : memref<!tpu.dma_semaphore, #tpu.memory_space<semaphore_mem>>)
      %mul3A_395 = arith.constant 4 : i32
      %mul3A_396 = arith.muli %mul3A_395, %scan3A_221 : i32
      %add3A_397 = arith.constant 2 : i32
      %add3A_398 = arith.addi %mul3A_396, %add3A_397 : i32
      %add3A_399 = arith.constant 4 : i32
      %add3A_400 = arith.addi %add3A_398, %add3A_399 : i32
      %sub3A_401 = arith.constant 1 : i32
      %sub3A_402 = arith.subi %add3A_400, %sub3A_401 : i32
      %lt3A_403 = arith.constant 50 : i32
      %lt3A_404 = arith.cmpi slt, %sub3A_402, %lt3A_403 : i32
      %convert_element_type3A_405 = arith.extui %lt3A_404 : i1 to i32
      %cond3A_406 = arith.constant 0 : i32
      %cond3A_407 = arith.cmpi ne, %convert_element_type3A_405, %cond3A_406 : i32
      scf.if %cond3A_407 {
        %ge3A = arith.constant 1 : i32
        %ge3A_570 = arith.cmpi sge, %add3A_398, %ge3A : i32
        %convert_element_type3A_571 = arith.extui %ge3A_570 : i1 to i32
        %cond3A_572 = arith.constant 0 : i32
        %cond3A_573 = arith.cmpi ne, %convert_element_type3A_571, %cond3A_572 : i32
        scf.if %cond3A_573 {
          %dma_wait3A_635 = arith.constant 1 : i32
          %dma_wait3A_636 = arith.constant 0 : i32
          %dma_wait3A_637 = arith.constant 0 : i32
          %dma_wait3A_638 = tpu.memref_slice %arg7[%dma_wait3A_635, %dma_wait3A_636, %dma_wait3A_637] : memref<4x128x64xf32, #tpu.memory_space<vmem>> -> memref<1x128x64xf32, #tpu.memory_space<vmem>>
          %dma_wait3A_639 = tpu.memref_squeeze %dma_wait3A_638 : memref<1x128x64xf32, #tpu.memory_space<vmem>> -> memref<128x64xf32, #tpu.memory_space<vmem>>
          %dma_wait3A_640 = arith.constant 0 : i32
          %dma_wait3A_641 = arith.constant 0 : i32
          %dma_wait3A_642 = tpu.memref_slice %arg5[%select_n3A, %mul3A_32, %dma_wait3A_640, %dma_wait3A_641] : memref<16x50x256x64xf32, #tpu.memory_space<hbm>> -> memref<1x1x128x64xf32, #tpu.memory_space<hbm>>
          %dma_wait3A_643 = tpu.memref_squeeze %dma_wait3A_642 : memref<1x1x128x64xf32, #tpu.memory_space<hbm>> -> memref<128x64xf32, #tpu.memory_space<hbm>>
          %dma_wait3A_644 = arith.constant 0 : i32
          %dma_wait3A_645 = arith.constant 0 : i32
          %dma_wait3A_646 = tpu.memref_slice %arg5[%select_n3A, %mul3A_32, %dma_wait3A_644, %dma_wait3A_645] : memref<16x50x256x64xf32, #tpu.memory_space<hbm>> -> memref<1x1x128x64xf32, #tpu.memory_space<hbm>>
          %dma_wait3A_647 = tpu.memref_squeeze %dma_wait3A_646 : memref<1x1x128x64xf32, #tpu.memory_space<hbm>> -> memref<128x64xf32, #tpu.memory_space<hbm>>
          %dma_wait3A_648 = arith.constant 0 : i32
          %dma_wait3A_649 = arith.constant 0 : i32
          %dma_wait3A_650 = tpu.memref_slice %arg7[%dma_wait3A_635, %dma_wait3A_648, %dma_wait3A_649] : memref<4x128x64xf32, #tpu.memory_space<vmem>> -> memref<1x128x64xf32, #tpu.memory_space<vmem>>
          %dma_wait3A_651 = tpu.memref_squeeze %dma_wait3A_650 : memref<1x128x64xf32, #tpu.memory_space<vmem>> -> memref<128x64xf32, #tpu.memory_space<vmem>>
          tpu.wait_dma2 semaphore(%arg14 : memref<!tpu.dma_semaphore, #tpu.memory_space<semaphore_mem>>) src(%dma_wait3A_651 : memref<128x64xf32, #tpu.memory_space<vmem>>) dst(%dma_wait3A_647 : memref<128x64xf32, #tpu.memory_space<hbm>>)
        } else {
        }
        %add3A_574 = arith.constant 4 : i32
        %add3A_575 = arith.addi %add3A_398, %add3A_574 : i32
        %sub3A_576 = arith.constant 1 : i32
        %sub3A_577 = arith.subi %add3A_575, %sub3A_576 : i32
        %jit3A_578 = arith.constant 2 : i32
        %div3A_579 = arith.divsi %sub3A_577, %jit3A_578 : i32
        %sign3A_580 = arith.constant 0 : i32
        %sign3A_581 = arith.cmpi sgt, %sub3A_577, %sign3A_580 : i32
        %sign3A_582 = arith.extui %sign3A_581 : i1 to i32
        %sign3A_583 = arith.constant 0 : i32
        %sign3A_584 = arith.cmpi slt, %sub3A_577, %sign3A_583 : i32
        %sign3A_585 = arith.extui %sign3A_584 : i1 to i32
        %sign3A_586 = arith.subi %sign3A_582, %sign3A_585 : i32
        %sign3A_587 = arith.constant 0 : i32
        %sign3A_588 = arith.cmpi sgt, %jit3A_578, %sign3A_587 : i32
        %sign3A_589 = arith.extui %sign3A_588 : i1 to i32
        %sign3A_590 = arith.constant 0 : i32
        %sign3A_591 = arith.cmpi slt, %jit3A_578, %sign3A_590 : i32
        %sign3A_592 = arith.extui %sign3A_591 : i1 to i32
        %sign3A_593 = arith.subi %sign3A_589, %sign3A_592 : i32
        %ne3A_594 = arith.cmpi ne, %sign3A_586, %sign3A_593 : i32
        %rem3A_595 = arith.remsi %sub3A_577, %jit3A_578 : i32
        %ne3A_596 = arith.constant 0 : i32
        %ne3A_597 = arith.cmpi ne, %rem3A_595, %ne3A_596 : i32
        %and3A_598 = arith.andi %ne3A_594, %ne3A_597 : i1
        %sub3A_599 = arith.constant 1 : i32
        %sub3A_600 = arith.subi %div3A_579, %sub3A_599 : i32
        %select_n3A_601 = arith.select %and3A_598, %sub3A_600, %div3A_579 : i32
        %add3A_602 = arith.addi %mul3A_32, %select_n3A_601 : i32
        %jit3A_603 = arith.constant 2 : i32
        %eq3A_604 = arith.constant 0 : i32
        %eq3A_605 = arith.cmpi eq, %jit3A_603, %eq3A_604 : i32
        %jit3A_606 = arith.constant 1 : i32
        %select_n3A_607 = arith.select %eq3A_605, %jit3A_606, %jit3A_603 : i32
        %rem3A_608 = arith.remsi %sub3A_577, %select_n3A_607 : i32
        %ne3A_609 = arith.constant 0 : i32
        %ne3A_610 = arith.cmpi ne, %rem3A_608, %ne3A_609 : i32
        %lt3A_611 = arith.constant 0 : i32
        %lt3A_612 = arith.cmpi slt, %rem3A_608, %lt3A_611 : i32
        %lt3A_613 = arith.constant 0 : i32
        %lt3A_614 = arith.cmpi slt, %select_n3A_607, %lt3A_613 : i32
        %ne3A_615 = arith.xori %lt3A_612, %lt3A_614 : i1
        %and3A_616 = arith.andi %ne3A_615, %ne3A_610 : i1
        %add3A_617 = arith.addi %rem3A_608, %select_n3A_607 : i32
        %select_n3A_618 = arith.select %and3A_616, %add3A_617, %rem3A_608 : i32
        %mul3A_619 = arith.constant 128 : i32
        %mul3A_620 = arith.muli %select_n3A_618, %mul3A_619 : i32
        %multiple_of3A_621 = tpu.assume_multiple %mul3A_620, 128 : i32
        %run_scoped3A_622 = arith.constant 1 : i32
        "tpu.region"() ({
          %run_scoped3A_635 = tpu.sem_alloc : memref<!tpu.dma_semaphore, #tpu.memory_space<semaphore_mem>>
          %dma_start3A_636 = arith.constant 0 : i32
          %dma_start3A_637 = tpu.memref_slice %arg6[%run_scoped3A_622, %dma_start3A_636] : memref<4x128xi32, #tpu.memory_space<vmem>> -> memref<1x128xi32, #tpu.memory_space<vmem>>
          %dma_start3A_638 = tpu.memref_squeeze %dma_start3A_637 : memref<1x128xi32, #tpu.memory_space<vmem>> -> memref<128xi32, #tpu.memory_space<vmem>>
          %dma_start3A_639 = tpu.memref_slice %arg2[%select_n3A, %add3A_602, %multiple_of3A_621] : memref<16x50x256xi32, #tpu.memory_space<hbm>> -> memref<1x1x128xi32, #tpu.memory_space<hbm>>
          %dma_start3A_640 = tpu.memref_squeeze %dma_start3A_639 : memref<1x1x128xi32, #tpu.memory_space<hbm>> -> memref<128xi32, #tpu.memory_space<hbm>>
          %dma_start3A_641 = arith.constant 0 : i32
          %dma_start3A_642 = tpu.memref_slice %arg6[%run_scoped3A_622, %dma_start3A_641] : memref<4x128xi32, #tpu.memory_space<vmem>> -> memref<1x128xi32, #tpu.memory_space<vmem>>
          %dma_start3A_643 = tpu.memref_squeeze %dma_start3A_642 : memref<1x128xi32, #tpu.memory_space<vmem>> -> memref<128xi32, #tpu.memory_space<vmem>>
          %dma_start3A_644 = tpu.memref_slice %arg2[%select_n3A, %add3A_602, %multiple_of3A_621] : memref<16x50x256xi32, #tpu.memory_space<hbm>> -> memref<1x1x128xi32, #tpu.memory_space<hbm>>
          %dma_start3A_645 = tpu.memref_squeeze %dma_start3A_644 : memref<1x1x128xi32, #tpu.memory_space<hbm>> -> memref<128xi32, #tpu.memory_space<hbm>>
          tpu.enqueue_dma source(%dma_start3A_645 : memref<128xi32, #tpu.memory_space<hbm>>) target(%dma_start3A_643 : memref<128xi32, #tpu.memory_space<vmem>>) target_semaphore(%run_scoped3A_635 : memref<!tpu.dma_semaphore, #tpu.memory_space<semaphore_mem>>)
          %dma_wait3A_646 = arith.constant 0 : i32
          %dma_wait3A_647 = tpu.memref_slice %arg6[%run_scoped3A_622, %dma_wait3A_646] : memref<4x128xi32, #tpu.memory_space<vmem>> -> memref<1x128xi32, #tpu.memory_space<vmem>>
          %dma_wait3A_648 = tpu.memref_squeeze %dma_wait3A_647 : memref<1x128xi32, #tpu.memory_space<vmem>> -> memref<128xi32, #tpu.memory_space<vmem>>
          %dma_wait3A_649 = tpu.memref_slice %arg2[%select_n3A, %add3A_602, %multiple_of3A_621] : memref<16x50x256xi32, #tpu.memory_space<hbm>> -> memref<1x1x128xi32, #tpu.memory_space<hbm>>
          %dma_wait3A_650 = tpu.memref_squeeze %dma_wait3A_649 : memref<1x1x128xi32, #tpu.memory_space<hbm>> -> memref<128xi32, #tpu.memory_space<hbm>>
          %dma_wait3A_651 = arith.constant 0 : i32
          %dma_wait3A_652 = tpu.memref_slice %arg6[%run_scoped3A_622, %dma_wait3A_651] : memref<4x128xi32, #tpu.memory_space<vmem>> -> memref<1x128xi32, #tpu.memory_space<vmem>>
          %dma_wait3A_653 = tpu.memref_squeeze %dma_wait3A_652 : memref<1x128xi32, #tpu.memory_space<vmem>> -> memref<128xi32, #tpu.memory_space<vmem>>
          %dma_wait3A_654 = tpu.memref_slice %arg2[%select_n3A, %add3A_602, %multiple_of3A_621] : memref<16x50x256xi32, #tpu.memory_space<hbm>> -> memref<1x1x128xi32, #tpu.memory_space<hbm>>
          %dma_wait3A_655 = tpu.memref_squeeze %dma_wait3A_654 : memref<1x1x128xi32, #tpu.memory_space<hbm>> -> memref<128xi32, #tpu.memory_space<hbm>>
          tpu.wait_dma2 semaphore(%run_scoped3A_635 : memref<!tpu.dma_semaphore, #tpu.memory_space<semaphore_mem>>) src(%dma_wait3A_655 : memref<128xi32, #tpu.memory_space<hbm>>) dst(%dma_wait3A_653 : memref<128xi32, #tpu.memory_space<vmem>>)
          tpu.yield
        }) : () -> ()
        %dma_start3A_623 = arith.constant 1 : i32
        %dma_start3A_624 = arith.constant 1 : i32
        %dma_start3A_625 = arith.constant 0 : i32
        %dma_start3A_626 = arith.constant 0 : i32
        %dma_start3A_627 = tpu.memref_slice %arg7[%dma_start3A_624, %dma_start3A_625, %dma_start3A_626] : memref<4x128x64xf32, #tpu.memory_space<vmem>> -> memref<1x128x64xf32, #tpu.memory_space<vmem>>
        %dma_start3A_628 = tpu.memref_squeeze %dma_start3A_627 : memref<1x128x64xf32, #tpu.memory_space<vmem>> -> memref<128x64xf32, #tpu.memory_space<vmem>>
        %dma_start3A_629 = arith.constant 0 : i32
        %dma_start3A_630 = tpu.memref_slice %arg6[%dma_start3A_623, %dma_start3A_629] : memref<4x128xi32, #tpu.memory_space<vmem>> -> memref<1x128xi32, #tpu.memory_space<vmem>>
        %dma_start3A_631 = tpu.memref_squeeze %dma_start3A_630 : memref<1x128xi32, #tpu.memory_space<vmem>> -> memref<128xi32, #tpu.memory_space<vmem>>
        %dma_start3A_632 = arith.constant 0 : i32
        %dma_start3A_633 = arith.constant 0 : i32
        %dma_start3A_634 = tpu.memref_slice %arg3[%dma_start3A_632, %dma_start3A_633] : memref<100000x64xf32, #tpu.memory_space<hbm>> -> memref<100000x64xf32, #tpu.memory_space<hbm>>
        tpu.enqueue_indirect_dma source(%dma_start3A_634 : memref<100000x64xf32, #tpu.memory_space<hbm>>) target(%dma_start3A_628 : memref<128x64xf32, #tpu.memory_space<vmem>>) offsets(%dma_start3A_631 : memref<128xi32, #tpu.memory_space<vmem>>) semaphore(%arg10 : memref<!tpu.dma_semaphore, #tpu.memory_space<semaphore_mem>>)
      } else {
      }
      %dma_wait3A_408 = arith.constant 2 : i32
      %dma_wait3A_409 = arith.constant 2 : i32
      %dma_wait3A_410 = arith.constant 0 : i32
      %dma_wait3A_411 = arith.constant 0 : i32
      %dma_wait3A_412 = tpu.memref_slice %arg7[%dma_wait3A_409, %dma_wait3A_410, %dma_wait3A_411] : memref<4x128x64xf32, #tpu.memory_space<vmem>> -> memref<1x128x64xf32, #tpu.memory_space<vmem>>
      %dma_wait3A_413 = tpu.memref_squeeze %dma_wait3A_412 : memref<1x128x64xf32, #tpu.memory_space<vmem>> -> memref<128x64xf32, #tpu.memory_space<vmem>>
      %dma_wait3A_414 = arith.constant 0 : i32
      %dma_wait3A_415 = tpu.memref_slice %arg6[%dma_wait3A_408, %dma_wait3A_414] : memref<4x128xi32, #tpu.memory_space<vmem>> -> memref<1x128xi32, #tpu.memory_space<vmem>>
      %dma_wait3A_416 = tpu.memref_squeeze %dma_wait3A_415 : memref<1x128xi32, #tpu.memory_space<vmem>> -> memref<128xi32, #tpu.memory_space<vmem>>
      %dma_wait3A_417 = arith.constant 0 : i32
      %dma_wait3A_418 = arith.constant 0 : i32
      %dma_wait3A_419 = tpu.memref_slice %arg3[%dma_wait3A_417, %dma_wait3A_418] : memref<100000x64xf32, #tpu.memory_space<hbm>> -> memref<100000x64xf32, #tpu.memory_space<hbm>>
      tpu.wait_indirect_dma semaphore(%arg11 : memref<!tpu.dma_semaphore, #tpu.memory_space<semaphore_mem>>) src(%dma_wait3A_419 : memref<100000x64xf32, #tpu.memory_space<hbm>>) dst(%dma_wait3A_413 : memref<128x64xf32, #tpu.memory_space<vmem>>)
      %parallel_loop3A_420 = arith.constant 0 : i32
      %parallel_loop3A_421 = arith.constant 128 : i32
      %parallel_loop3A_422 = arith.constant 1 : i32
      scf.for %parallel_loop3A_570 = %parallel_loop3A_420 to %parallel_loop3A_421 step %parallel_loop3A_422  : i32 {
        %parallel_loop3A_571 = arith.constant 2 : i32
        %parallel_loop3A_572 = arith.index_cast %parallel_loop3A_571 : i32 to index
        %parallel_loop3A_573 = arith.index_cast %parallel_loop3A_570 : i32 to index
        %parallel_loop3A_574 = arith.constant 0 : index
        %parallel_loop3A_575 = tpu.vector_load %arg7[%parallel_loop3A_572, %parallel_loop3A_573, %parallel_loop3A_574] {strides = array<i32>} : memref<4x128x64xf32, #tpu.memory_space<vmem>>, vector<1x1x16xf32>,
        %parallel_loop3A_576 = vector.shape_cast %parallel_loop3A_575 : vector<1x1x16xf32> to vector<16xf32>
        %parallel_loop3A_577 = arith.constant 0 : i32
        %parallel_loop3A_578 = arith.addi %parallel_loop3A_577, %parallel_loop3A_570 : i32
        %parallel_loop3A_579 = arith.index_cast %parallel_loop3A_578 : i32 to index
        %parallel_loop3A_580 = arith.constant 0 : index
        %parallel_loop3A_581 = tpu.vector_load %arg8[%parallel_loop3A_579, %parallel_loop3A_580] {strides = array<i32>} : memref<256x64xf32, #tpu.memory_space<vmem>>, vector<1x16xf32>,
        %parallel_loop3A_582 = vector.shape_cast %parallel_loop3A_581 : vector<1x16xf32> to vector<16xf32>
        %parallel_loop3A_583 = arith.addf %parallel_loop3A_576, %parallel_loop3A_582 : vector<16xf32>
        %parallel_loop3A_584 = arith.constant 2 : i32
        %parallel_loop3A_585 = arith.index_cast %parallel_loop3A_584 : i32 to index
        %parallel_loop3A_586 = arith.index_cast %parallel_loop3A_570 : i32 to index
        %parallel_loop3A_587 = arith.constant 0 : index
        %parallel_loop3A_588 = tpu.vector_load %arg7[%parallel_loop3A_585, %parallel_loop3A_586, %parallel_loop3A_587] {strides = array<i32>} : memref<4x128x64xf32, #tpu.memory_space<vmem>>, vector<1x1x16xf32>,
        %parallel_loop3A_589 = vector.shape_cast %parallel_loop3A_588 : vector<1x1x16xf32> to vector<16xf32>
        %parallel_loop3A_590 = vector.shape_cast %parallel_loop3A_583 : vector<16xf32> to vector<1x1x16xf32>
        tpu.vector_store %arg7[%parallel_loop3A_585, %parallel_loop3A_586, %parallel_loop3A_587], %parallel_loop3A_590 {strides = array<i32>} : memref<4x128x64xf32, #tpu.memory_space<vmem>>, vector<1x1x16xf32>,
        %parallel_loop3A_591 = arith.constant 2 : i32
        %parallel_loop3A_592 = arith.index_cast %parallel_loop3A_591 : i32 to index
        %parallel_loop3A_593 = arith.index_cast %parallel_loop3A_570 : i32 to index
        %parallel_loop3A_594 = arith.constant 16 : index
        %parallel_loop3A_595 = tpu.vector_load %arg7[%parallel_loop3A_592, %parallel_loop3A_593, %parallel_loop3A_594] {strides = array<i32>} : memref<4x128x64xf32, #tpu.memory_space<vmem>>, vector<1x1x16xf32>,
        %parallel_loop3A_596 = vector.shape_cast %parallel_loop3A_595 : vector<1x1x16xf32> to vector<16xf32>
        %parallel_loop3A_597 = arith.constant 0 : i32
        %parallel_loop3A_598 = arith.addi %parallel_loop3A_597, %parallel_loop3A_570 : i32
        %parallel_loop3A_599 = arith.index_cast %parallel_loop3A_598 : i32 to index
        %parallel_loop3A_600 = arith.constant 16 : index
        %parallel_loop3A_601 = tpu.vector_load %arg8[%parallel_loop3A_599, %parallel_loop3A_600] {strides = array<i32>} : memref<256x64xf32, #tpu.memory_space<vmem>>, vector<1x16xf32>,
        %parallel_loop3A_602 = vector.shape_cast %parallel_loop3A_601 : vector<1x16xf32> to vector<16xf32>
        %parallel_loop3A_603 = arith.addf %parallel_loop3A_596, %parallel_loop3A_602 : vector<16xf32>
        %parallel_loop3A_604 = arith.constant 2 : i32
        %parallel_loop3A_605 = arith.index_cast %parallel_loop3A_604 : i32 to index
        %parallel_loop3A_606 = arith.index_cast %parallel_loop3A_570 : i32 to index
        %parallel_loop3A_607 = arith.constant 16 : index
        %parallel_loop3A_608 = tpu.vector_load %arg7[%parallel_loop3A_605, %parallel_loop3A_606, %parallel_loop3A_607] {strides = array<i32>} : memref<4x128x64xf32, #tpu.memory_space<vmem>>, vector<1x1x16xf32>,
        %parallel_loop3A_609 = vector.shape_cast %parallel_loop3A_608 : vector<1x1x16xf32> to vector<16xf32>
        %parallel_loop3A_610 = vector.shape_cast %parallel_loop3A_603 : vector<16xf32> to vector<1x1x16xf32>
        tpu.vector_store %arg7[%parallel_loop3A_605, %parallel_loop3A_606, %parallel_loop3A_607], %parallel_loop3A_610 {strides = array<i32>} : memref<4x128x64xf32, #tpu.memory_space<vmem>>, vector<1x1x16xf32>,
        %parallel_loop3A_611 = arith.constant 2 : i32
        %parallel_loop3A_612 = arith.index_cast %parallel_loop3A_611 : i32 to index
        %parallel_loop3A_613 = arith.index_cast %parallel_loop3A_570 : i32 to index
        %parallel_loop3A_614 = arith.constant 32 : index
        %parallel_loop3A_615 = tpu.vector_load %arg7[%parallel_loop3A_612, %parallel_loop3A_613, %parallel_loop3A_614] {strides = array<i32>} : memref<4x128x64xf32, #tpu.memory_space<vmem>>, vector<1x1x16xf32>,
        %parallel_loop3A_616 = vector.shape_cast %parallel_loop3A_615 : vector<1x1x16xf32> to vector<16xf32>
        %parallel_loop3A_617 = arith.constant 0 : i32
        %parallel_loop3A_618 = arith.addi %parallel_loop3A_617, %parallel_loop3A_570 : i32
        %parallel_loop3A_619 = arith.index_cast %parallel_loop3A_618 : i32 to index
        %parallel_loop3A_620 = arith.constant 32 : index
        %parallel_loop3A_621 = tpu.vector_load %arg8[%parallel_loop3A_619, %parallel_loop3A_620] {strides = array<i32>} : memref<256x64xf32, #tpu.memory_space<vmem>>, vector<1x16xf32>,
        %parallel_loop3A_622 = vector.shape_cast %parallel_loop3A_621 : vector<1x16xf32> to vector<16xf32>
        %parallel_loop3A_623 = arith.addf %parallel_loop3A_616, %parallel_loop3A_622 : vector<16xf32>
        %parallel_loop3A_624 = arith.constant 2 : i32
        %parallel_loop3A_625 = arith.index_cast %parallel_loop3A_624 : i32 to index
        %parallel_loop3A_626 = arith.index_cast %parallel_loop3A_570 : i32 to index
        %parallel_loop3A_627 = arith.constant 32 : index
        %parallel_loop3A_628 = tpu.vector_load %arg7[%parallel_loop3A_625, %parallel_loop3A_626, %parallel_loop3A_627] {strides = array<i32>} : memref<4x128x64xf32, #tpu.memory_space<vmem>>, vector<1x1x16xf32>,
        %parallel_loop3A_629 = vector.shape_cast %parallel_loop3A_628 : vector<1x1x16xf32> to vector<16xf32>
        %parallel_loop3A_630 = vector.shape_cast %parallel_loop3A_623 : vector<16xf32> to vector<1x1x16xf32>
        tpu.vector_store %arg7[%parallel_loop3A_625, %parallel_loop3A_626, %parallel_loop3A_627], %parallel_loop3A_630 {strides = array<i32>} : memref<4x128x64xf32, #tpu.memory_space<vmem>>, vector<1x1x16xf32>,
        %parallel_loop3A_631 = arith.constant 2 : i32
        %parallel_loop3A_632 = arith.index_cast %parallel_loop3A_631 : i32 to index
        %parallel_loop3A_633 = arith.index_cast %parallel_loop3A_570 : i32 to index
        %parallel_loop3A_634 = arith.constant 48 : index
        %parallel_loop3A_635 = tpu.vector_load %arg7[%parallel_loop3A_632, %parallel_loop3A_633, %parallel_loop3A_634] {strides = array<i32>} : memref<4x128x64xf32, #tpu.memory_space<vmem>>, vector<1x1x16xf32>,
        %parallel_loop3A_636 = vector.shape_cast %parallel_loop3A_635 : vector<1x1x16xf32> to vector<16xf32>
        %parallel_loop3A_637 = arith.constant 0 : i32
        %parallel_loop3A_638 = arith.addi %parallel_loop3A_637, %parallel_loop3A_570 : i32
        %parallel_loop3A_639 = arith.index_cast %parallel_loop3A_638 : i32 to index
        %parallel_loop3A_640 = arith.constant 48 : index
        %parallel_loop3A_641 = tpu.vector_load %arg8[%parallel_loop3A_639, %parallel_loop3A_640] {strides = array<i32>} : memref<256x64xf32, #tpu.memory_space<vmem>>, vector<1x16xf32>,
        %parallel_loop3A_642 = vector.shape_cast %parallel_loop3A_641 : vector<1x16xf32> to vector<16xf32>
        %parallel_loop3A_643 = arith.addf %parallel_loop3A_636, %parallel_loop3A_642 : vector<16xf32>
        %parallel_loop3A_644 = arith.constant 2 : i32
        %parallel_loop3A_645 = arith.index_cast %parallel_loop3A_644 : i32 to index
        %parallel_loop3A_646 = arith.index_cast %parallel_loop3A_570 : i32 to index
        %parallel_loop3A_647 = arith.constant 48 : index
        %parallel_loop3A_648 = tpu.vector_load %arg7[%parallel_loop3A_645, %parallel_loop3A_646, %parallel_loop3A_647] {strides = array<i32>} : memref<4x128x64xf32, #tpu.memory_space<vmem>>, vector<1x1x16xf32>,
        %parallel_loop3A_649 = vector.shape_cast %parallel_loop3A_648 : vector<1x1x16xf32> to vector<16xf32>
        %parallel_loop3A_650 = vector.shape_cast %parallel_loop3A_643 : vector<16xf32> to vector<1x1x16xf32>
        tpu.vector_store %arg7[%parallel_loop3A_645, %parallel_loop3A_646, %parallel_loop3A_647], %parallel_loop3A_650 {strides = array<i32>} : memref<4x128x64xf32, #tpu.memory_space<vmem>>, vector<1x1x16xf32>,
      } {sc.loop_unroll_factor = 8 : i64, sc.parallel_access}
      %jit3A_423 = arith.constant 2 : i32
      %div3A_424 = arith.divsi %add3A_398, %jit3A_423 : i32
      %sign3A_425 = arith.constant 0 : i32
      %sign3A_426 = arith.cmpi sgt, %add3A_398, %sign3A_425 : i32
      %sign3A_427 = arith.extui %sign3A_426 : i1 to i32
      %sign3A_428 = arith.constant 0 : i32
      %sign3A_429 = arith.cmpi slt, %add3A_398, %sign3A_428 : i32
      %sign3A_430 = arith.extui %sign3A_429 : i1 to i32
      %sign3A_431 = arith.subi %sign3A_427, %sign3A_430 : i32
      %sign3A_432 = arith.constant 0 : i32
      %sign3A_433 = arith.cmpi sgt, %jit3A_423, %sign3A_432 : i32
      %sign3A_434 = arith.extui %sign3A_433 : i1 to i32
      %sign3A_435 = arith.constant 0 : i32
      %sign3A_436 = arith.cmpi slt, %jit3A_423, %sign3A_435 : i32
      %sign3A_437 = arith.extui %sign3A_436 : i1 to i32
      %sign3A_438 = arith.subi %sign3A_434, %sign3A_437 : i32
      %ne3A_439 = arith.cmpi ne, %sign3A_431, %sign3A_438 : i32
      %rem3A_440 = arith.remsi %add3A_398, %jit3A_423 : i32
      %ne3A_441 = arith.constant 0 : i32
      %ne3A_442 = arith.cmpi ne, %rem3A_440, %ne3A_441 : i32
      %and3A_443 = arith.andi %ne3A_439, %ne3A_442 : i1
      %sub3A_444 = arith.constant 1 : i32
      %sub3A_445 = arith.subi %div3A_424, %sub3A_444 : i32
      %select_n3A_446 = arith.select %and3A_443, %sub3A_445, %div3A_424 : i32
      %add3A_447 = arith.addi %mul3A_32, %select_n3A_446 : i32
      %jit3A_448 = arith.constant 2 : i32
      %eq3A_449 = arith.constant 0 : i32
      %eq3A_450 = arith.cmpi eq, %jit3A_448, %eq3A_449 : i32
      %jit3A_451 = arith.constant 1 : i32
      %select_n3A_452 = arith.select %eq3A_450, %jit3A_451, %jit3A_448 : i32
      %rem3A_453 = arith.remsi %add3A_398, %select_n3A_452 : i32
      %ne3A_454 = arith.constant 0 : i32
      %ne3A_455 = arith.cmpi ne, %rem3A_453, %ne3A_454 : i32
      %lt3A_456 = arith.constant 0 : i32
      %lt3A_457 = arith.cmpi slt, %rem3A_453, %lt3A_456 : i32
      %lt3A_458 = arith.constant 0 : i32
      %lt3A_459 = arith.cmpi slt, %select_n3A_452, %lt3A_458 : i32
      %ne3A_460 = arith.xori %lt3A_457, %lt3A_459 : i1
      %and3A_461 = arith.andi %ne3A_460, %ne3A_455 : i1
      %add3A_462 = arith.addi %rem3A_453, %select_n3A_452 : i32
      %select_n3A_463 = arith.select %and3A_461, %add3A_462, %rem3A_453 : i32
      %mul3A_464 = arith.constant 128 : i32
      %mul3A_465 = arith.muli %select_n3A_463, %mul3A_464 : i32
      %multiple_of3A_466 = tpu.assume_multiple %mul3A_465, 128 : i32
      %dma_start3A_467 = arith.constant 2 : i32
      %dma_start3A_468 = arith.constant 0 : i32
      %dma_start3A_469 = arith.constant 0 : i32
      %dma_start3A_470 = tpu.memref_slice %arg7[%dma_start3A_467, %dma_start3A_468, %dma_start3A_469] : memref<4x128x64xf32, #tpu.memory_space<vmem>> -> memref<1x128x64xf32, #tpu.memory_space<vmem>>
      %dma_start3A_471 = tpu.memref_squeeze %dma_start3A_470 : memref<1x128x64xf32, #tpu.memory_space<vmem>> -> memref<128x64xf32, #tpu.memory_space<vmem>>
      %dma_start3A_472 = arith.constant 0 : i32
      %dma_start3A_473 = tpu.memref_slice %arg5[%select_n3A, %add3A_447, %multiple_of3A_466, %dma_start3A_472] : memref<16x50x256x64xf32, #tpu.memory_space<hbm>> -> memref<1x1x128x64xf32, #tpu.memory_space<hbm>>
      %dma_start3A_474 = tpu.memref_squeeze %dma_start3A_473 : memref<1x1x128x64xf32, #tpu.memory_space<hbm>> -> memref<128x64xf32, #tpu.memory_space<hbm>>
      %dma_start3A_475 = arith.constant 0 : i32
      %dma_start3A_476 = tpu.memref_slice %arg5[%select_n3A, %add3A_447, %multiple_of3A_466, %dma_start3A_475] : memref<16x50x256x64xf32, #tpu.memory_space<hbm>> -> memref<1x1x128x64xf32, #tpu.memory_space<hbm>>
      %dma_start3A_477 = tpu.memref_squeeze %dma_start3A_476 : memref<1x1x128x64xf32, #tpu.memory_space<hbm>> -> memref<128x64xf32, #tpu.memory_space<hbm>>
      %dma_start3A_478 = arith.constant 0 : i32
      %dma_start3A_479 = arith.constant 0 : i32
      %dma_start3A_480 = tpu.memref_slice %arg7[%dma_start3A_467, %dma_start3A_478, %dma_start3A_479] : memref<4x128x64xf32, #tpu.memory_space<vmem>> -> memref<1x128x64xf32, #tpu.memory_space<vmem>>
      %dma_start3A_481 = tpu.memref_squeeze %dma_start3A_480 : memref<1x128x64xf32, #tpu.memory_space<vmem>> -> memref<128x64xf32, #tpu.memory_space<vmem>>
      tpu.enqueue_dma source(%dma_start3A_481 : memref<128x64xf32, #tpu.memory_space<vmem>>) target(%dma_start3A_477 : memref<128x64xf32, #tpu.memory_space<hbm>>) target_semaphore(%arg15 : memref<!tpu.dma_semaphore, #tpu.memory_space<semaphore_mem>>)
      %mul3A_482 = arith.constant 4 : i32
      %mul3A_483 = arith.muli %mul3A_482, %scan3A_221 : i32
      %add3A_484 = arith.constant 3 : i32
      %add3A_485 = arith.addi %mul3A_483, %add3A_484 : i32
      %add3A_486 = arith.constant 4 : i32
      %add3A_487 = arith.addi %add3A_485, %add3A_486 : i32
      %sub3A_488 = arith.constant 1 : i32
      %sub3A_489 = arith.subi %add3A_487, %sub3A_488 : i32
      %lt3A_490 = arith.constant 50 : i32
      %lt3A_491 = arith.cmpi slt, %sub3A_489, %lt3A_490 : i32
      %convert_element_type3A_492 = arith.extui %lt3A_491 : i1 to i32
      %cond3A_493 = arith.constant 0 : i32
      %cond3A_494 = arith.cmpi ne, %convert_element_type3A_492, %cond3A_493 : i32
      scf.if %cond3A_494 {
        %ge3A = arith.constant 1 : i32
        %ge3A_570 = arith.cmpi sge, %add3A_485, %ge3A : i32
        %convert_element_type3A_571 = arith.extui %ge3A_570 : i1 to i32
        %cond3A_572 = arith.constant 0 : i32
        %cond3A_573 = arith.cmpi ne, %convert_element_type3A_571, %cond3A_572 : i32
        scf.if %cond3A_573 {
          %dma_wait3A_635 = arith.constant 2 : i32
          %dma_wait3A_636 = arith.constant 0 : i32
          %dma_wait3A_637 = arith.constant 0 : i32
          %dma_wait3A_638 = tpu.memref_slice %arg7[%dma_wait3A_635, %dma_wait3A_636, %dma_wait3A_637] : memref<4x128x64xf32, #tpu.memory_space<vmem>> -> memref<1x128x64xf32, #tpu.memory_space<vmem>>
          %dma_wait3A_639 = tpu.memref_squeeze %dma_wait3A_638 : memref<1x128x64xf32, #tpu.memory_space<vmem>> -> memref<128x64xf32, #tpu.memory_space<vmem>>
          %dma_wait3A_640 = arith.constant 0 : i32
          %dma_wait3A_641 = arith.constant 0 : i32
          %dma_wait3A_642 = tpu.memref_slice %arg5[%select_n3A, %mul3A_32, %dma_wait3A_640, %dma_wait3A_641] : memref<16x50x256x64xf32, #tpu.memory_space<hbm>> -> memref<1x1x128x64xf32, #tpu.memory_space<hbm>>
          %dma_wait3A_643 = tpu.memref_squeeze %dma_wait3A_642 : memref<1x1x128x64xf32, #tpu.memory_space<hbm>> -> memref<128x64xf32, #tpu.memory_space<hbm>>
          %dma_wait3A_644 = arith.constant 0 : i32
          %dma_wait3A_645 = arith.constant 0 : i32
          %dma_wait3A_646 = tpu.memref_slice %arg5[%select_n3A, %mul3A_32, %dma_wait3A_644, %dma_wait3A_645] : memref<16x50x256x64xf32, #tpu.memory_space<hbm>> -> memref<1x1x128x64xf32, #tpu.memory_space<hbm>>
          %dma_wait3A_647 = tpu.memref_squeeze %dma_wait3A_646 : memref<1x1x128x64xf32, #tpu.memory_space<hbm>> -> memref<128x64xf32, #tpu.memory_space<hbm>>
          %dma_wait3A_648 = arith.constant 0 : i32
          %dma_wait3A_649 = arith.constant 0 : i32
          %dma_wait3A_650 = tpu.memref_slice %arg7[%dma_wait3A_635, %dma_wait3A_648, %dma_wait3A_649] : memref<4x128x64xf32, #tpu.memory_space<vmem>> -> memref<1x128x64xf32, #tpu.memory_space<vmem>>
          %dma_wait3A_651 = tpu.memref_squeeze %dma_wait3A_650 : memref<1x128x64xf32, #tpu.memory_space<vmem>> -> memref<128x64xf32, #tpu.memory_space<vmem>>
          tpu.wait_dma2 semaphore(%arg15 : memref<!tpu.dma_semaphore, #tpu.memory_space<semaphore_mem>>) src(%dma_wait3A_651 : memref<128x64xf32, #tpu.memory_space<vmem>>) dst(%dma_wait3A_647 : memref<128x64xf32, #tpu.memory_space<hbm>>)
        } else {
        }
        %add3A_574 = arith.constant 4 : i32
        %add3A_575 = arith.addi %add3A_485, %add3A_574 : i32
        %sub3A_576 = arith.constant 1 : i32
        %sub3A_577 = arith.subi %add3A_575, %sub3A_576 : i32
        %jit3A_578 = arith.constant 2 : i32
        %div3A_579 = arith.divsi %sub3A_577, %jit3A_578 : i32
        %sign3A_580 = arith.constant 0 : i32
        %sign3A_581 = arith.cmpi sgt, %sub3A_577, %sign3A_580 : i32
        %sign3A_582 = arith.extui %sign3A_581 : i1 to i32
        %sign3A_583 = arith.constant 0 : i32
        %sign3A_584 = arith.cmpi slt, %sub3A_577, %sign3A_583 : i32
        %sign3A_585 = arith.extui %sign3A_584 : i1 to i32
        %sign3A_586 = arith.subi %sign3A_582, %sign3A_585 : i32
        %sign3A_587 = arith.constant 0 : i32
        %sign3A_588 = arith.cmpi sgt, %jit3A_578, %sign3A_587 : i32
        %sign3A_589 = arith.extui %sign3A_588 : i1 to i32
        %sign3A_590 = arith.constant 0 : i32
        %sign3A_591 = arith.cmpi slt, %jit3A_578, %sign3A_590 : i32
        %sign3A_592 = arith.extui %sign3A_591 : i1 to i32
        %sign3A_593 = arith.subi %sign3A_589, %sign3A_592 : i32
        %ne3A_594 = arith.cmpi ne, %sign3A_586, %sign3A_593 : i32
        %rem3A_595 = arith.remsi %sub3A_577, %jit3A_578 : i32
        %ne3A_596 = arith.constant 0 : i32
        %ne3A_597 = arith.cmpi ne, %rem3A_595, %ne3A_596 : i32
        %and3A_598 = arith.andi %ne3A_594, %ne3A_597 : i1
        %sub3A_599 = arith.constant 1 : i32
        %sub3A_600 = arith.subi %div3A_579, %sub3A_599 : i32
        %select_n3A_601 = arith.select %and3A_598, %sub3A_600, %div3A_579 : i32
        %add3A_602 = arith.addi %mul3A_32, %select_n3A_601 : i32
        %jit3A_603 = arith.constant 2 : i32
        %eq3A_604 = arith.constant 0 : i32
        %eq3A_605 = arith.cmpi eq, %jit3A_603, %eq3A_604 : i32
        %jit3A_606 = arith.constant 1 : i32
        %select_n3A_607 = arith.select %eq3A_605, %jit3A_606, %jit3A_603 : i32
        %rem3A_608 = arith.remsi %sub3A_577, %select_n3A_607 : i32
        %ne3A_609 = arith.constant 0 : i32
        %ne3A_610 = arith.cmpi ne, %rem3A_608, %ne3A_609 : i32
        %lt3A_611 = arith.constant 0 : i32
        %lt3A_612 = arith.cmpi slt, %rem3A_608, %lt3A_611 : i32
        %lt3A_613 = arith.constant 0 : i32
        %lt3A_614 = arith.cmpi slt, %select_n3A_607, %lt3A_613 : i32
        %ne3A_615 = arith.xori %lt3A_612, %lt3A_614 : i1
        %and3A_616 = arith.andi %ne3A_615, %ne3A_610 : i1
        %add3A_617 = arith.addi %rem3A_608, %select_n3A_607 : i32
        %select_n3A_618 = arith.select %and3A_616, %add3A_617, %rem3A_608 : i32
        %mul3A_619 = arith.constant 128 : i32
        %mul3A_620 = arith.muli %select_n3A_618, %mul3A_619 : i32
        %multiple_of3A_621 = tpu.assume_multiple %mul3A_620, 128 : i32
        %run_scoped3A_622 = arith.constant 2 : i32
        "tpu.region"() ({
          %run_scoped3A_635 = tpu.sem_alloc : memref<!tpu.dma_semaphore, #tpu.memory_space<semaphore_mem>>
          %dma_start3A_636 = arith.constant 0 : i32
          %dma_start3A_637 = tpu.memref_slice %arg6[%run_scoped3A_622, %dma_start3A_636] : memref<4x128xi32, #tpu.memory_space<vmem>> -> memref<1x128xi32, #tpu.memory_space<vmem>>
          %dma_start3A_638 = tpu.memref_squeeze %dma_start3A_637 : memref<1x128xi32, #tpu.memory_space<vmem>> -> memref<128xi32, #tpu.memory_space<vmem>>
          %dma_start3A_639 = tpu.memref_slice %arg2[%select_n3A, %add3A_602, %multiple_of3A_621] : memref<16x50x256xi32, #tpu.memory_space<hbm>> -> memref<1x1x128xi32, #tpu.memory_space<hbm>>
          %dma_start3A_640 = tpu.memref_squeeze %dma_start3A_639 : memref<1x1x128xi32, #tpu.memory_space<hbm>> -> memref<128xi32, #tpu.memory_space<hbm>>
          %dma_start3A_641 = arith.constant 0 : i32
          %dma_start3A_642 = tpu.memref_slice %arg6[%run_scoped3A_622, %dma_start3A_641] : memref<4x128xi32, #tpu.memory_space<vmem>> -> memref<1x128xi32, #tpu.memory_space<vmem>>
          %dma_start3A_643 = tpu.memref_squeeze %dma_start3A_642 : memref<1x128xi32, #tpu.memory_space<vmem>> -> memref<128xi32, #tpu.memory_space<vmem>>
          %dma_start3A_644 = tpu.memref_slice %arg2[%select_n3A, %add3A_602, %multiple_of3A_621] : memref<16x50x256xi32, #tpu.memory_space<hbm>> -> memref<1x1x128xi32, #tpu.memory_space<hbm>>
          %dma_start3A_645 = tpu.memref_squeeze %dma_start3A_644 : memref<1x1x128xi32, #tpu.memory_space<hbm>> -> memref<128xi32, #tpu.memory_space<hbm>>
          tpu.enqueue_dma source(%dma_start3A_645 : memref<128xi32, #tpu.memory_space<hbm>>) target(%dma_start3A_643 : memref<128xi32, #tpu.memory_space<vmem>>) target_semaphore(%run_scoped3A_635 : memref<!tpu.dma_semaphore, #tpu.memory_space<semaphore_mem>>)
          %dma_wait3A_646 = arith.constant 0 : i32
          %dma_wait3A_647 = tpu.memref_slice %arg6[%run_scoped3A_622, %dma_wait3A_646] : memref<4x128xi32, #tpu.memory_space<vmem>> -> memref<1x128xi32, #tpu.memory_space<vmem>>
          %dma_wait3A_648 = tpu.memref_squeeze %dma_wait3A_647 : memref<1x128xi32, #tpu.memory_space<vmem>> -> memref<128xi32, #tpu.memory_space<vmem>>
          %dma_wait3A_649 = tpu.memref_slice %arg2[%select_n3A, %add3A_602, %multiple_of3A_621] : memref<16x50x256xi32, #tpu.memory_space<hbm>> -> memref<1x1x128xi32, #tpu.memory_space<hbm>>
          %dma_wait3A_650 = tpu.memref_squeeze %dma_wait3A_649 : memref<1x1x128xi32, #tpu.memory_space<hbm>> -> memref<128xi32, #tpu.memory_space<hbm>>
          %dma_wait3A_651 = arith.constant 0 : i32
          %dma_wait3A_652 = tpu.memref_slice %arg6[%run_scoped3A_622, %dma_wait3A_651] : memref<4x128xi32, #tpu.memory_space<vmem>> -> memref<1x128xi32, #tpu.memory_space<vmem>>
          %dma_wait3A_653 = tpu.memref_squeeze %dma_wait3A_652 : memref<1x128xi32, #tpu.memory_space<vmem>> -> memref<128xi32, #tpu.memory_space<vmem>>
          %dma_wait3A_654 = tpu.memref_slice %arg2[%select_n3A, %add3A_602, %multiple_of3A_621] : memref<16x50x256xi32, #tpu.memory_space<hbm>> -> memref<1x1x128xi32, #tpu.memory_space<hbm>>
          %dma_wait3A_655 = tpu.memref_squeeze %dma_wait3A_654 : memref<1x1x128xi32, #tpu.memory_space<hbm>> -> memref<128xi32, #tpu.memory_space<hbm>>
          tpu.wait_dma2 semaphore(%run_scoped3A_635 : memref<!tpu.dma_semaphore, #tpu.memory_space<semaphore_mem>>) src(%dma_wait3A_655 : memref<128xi32, #tpu.memory_space<hbm>>) dst(%dma_wait3A_653 : memref<128xi32, #tpu.memory_space<vmem>>)
          tpu.yield
        }) : () -> ()
        %dma_start3A_623 = arith.constant 2 : i32
        %dma_start3A_624 = arith.constant 2 : i32
        %dma_start3A_625 = arith.constant 0 : i32
        %dma_start3A_626 = arith.constant 0 : i32
        %dma_start3A_627 = tpu.memref_slice %arg7[%dma_start3A_624, %dma_start3A_625, %dma_start3A_626] : memref<4x128x64xf32, #tpu.memory_space<vmem>> -> memref<1x128x64xf32, #tpu.memory_space<vmem>>
        %dma_start3A_628 = tpu.memref_squeeze %dma_start3A_627 : memref<1x128x64xf32, #tpu.memory_space<vmem>> -> memref<128x64xf32, #tpu.memory_space<vmem>>
        %dma_start3A_629 = arith.constant 0 : i32
        %dma_start3A_630 = tpu.memref_slice %arg6[%dma_start3A_623, %dma_start3A_629] : memref<4x128xi32, #tpu.memory_space<vmem>> -> memref<1x128xi32, #tpu.memory_space<vmem>>
        %dma_start3A_631 = tpu.memref_squeeze %dma_start3A_630 : memref<1x128xi32, #tpu.memory_space<vmem>> -> memref<128xi32, #tpu.memory_space<vmem>>
        %dma_start3A_632 = arith.constant 0 : i32
        %dma_start3A_633 = arith.constant 0 : i32
        %dma_start3A_634 = tpu.memref_slice %arg3[%dma_start3A_632, %dma_start3A_633] : memref<100000x64xf32, #tpu.memory_space<hbm>> -> memref<100000x64xf32, #tpu.memory_space<hbm>>
        tpu.enqueue_indirect_dma source(%dma_start3A_634 : memref<100000x64xf32, #tpu.memory_space<hbm>>) target(%dma_start3A_628 : memref<128x64xf32, #tpu.memory_space<vmem>>) offsets(%dma_start3A_631 : memref<128xi32, #tpu.memory_space<vmem>>) semaphore(%arg11 : memref<!tpu.dma_semaphore, #tpu.memory_space<semaphore_mem>>)
      } else {
      }
      %dma_wait3A_495 = arith.constant 3 : i32
      %dma_wait3A_496 = arith.constant 3 : i32
      %dma_wait3A_497 = arith.constant 0 : i32
      %dma_wait3A_498 = arith.constant 0 : i32
      %dma_wait3A_499 = tpu.memref_slice %arg7[%dma_wait3A_496, %dma_wait3A_497, %dma_wait3A_498] : memref<4x128x64xf32, #tpu.memory_space<vmem>> -> memref<1x128x64xf32, #tpu.memory_space<vmem>>
      %dma_wait3A_500 = tpu.memref_squeeze %dma_wait3A_499 : memref<1x128x64xf32, #tpu.memory_space<vmem>> -> memref<128x64xf32, #tpu.memory_space<vmem>>
      %dma_wait3A_501 = arith.constant 0 : i32
      %dma_wait3A_502 = tpu.memref_slice %arg6[%dma_wait3A_495, %dma_wait3A_501] : memref<4x128xi32, #tpu.memory_space<vmem>> -> memref<1x128xi32, #tpu.memory_space<vmem>>
      %dma_wait3A_503 = tpu.memref_squeeze %dma_wait3A_502 : memref<1x128xi32, #tpu.memory_space<vmem>> -> memref<128xi32, #tpu.memory_space<vmem>>
      %dma_wait3A_504 = arith.constant 0 : i32
      %dma_wait3A_505 = arith.constant 0 : i32
      %dma_wait3A_506 = tpu.memref_slice %arg3[%dma_wait3A_504, %dma_wait3A_505] : memref<100000x64xf32, #tpu.memory_space<hbm>> -> memref<100000x64xf32, #tpu.memory_space<hbm>>
      tpu.wait_indirect_dma semaphore(%arg12 : memref<!tpu.dma_semaphore, #tpu.memory_space<semaphore_mem>>) src(%dma_wait3A_506 : memref<100000x64xf32, #tpu.memory_space<hbm>>) dst(%dma_wait3A_500 : memref<128x64xf32, #tpu.memory_space<vmem>>)
      %parallel_loop3A_507 = arith.constant 0 : i32
      %parallel_loop3A_508 = arith.constant 128 : i32
      %parallel_loop3A_509 = arith.constant 1 : i32
      scf.for %parallel_loop3A_570 = %parallel_loop3A_507 to %parallel_loop3A_508 step %parallel_loop3A_509  : i32 {
        %parallel_loop3A_571 = arith.constant 3 : i32
        %parallel_loop3A_572 = arith.index_cast %parallel_loop3A_571 : i32 to index
        %parallel_loop3A_573 = arith.index_cast %parallel_loop3A_570 : i32 to index
        %parallel_loop3A_574 = arith.constant 0 : index
        %parallel_loop3A_575 = tpu.vector_load %arg7[%parallel_loop3A_572, %parallel_loop3A_573, %parallel_loop3A_574] {strides = array<i32>} : memref<4x128x64xf32, #tpu.memory_space<vmem>>, vector<1x1x16xf32>,
        %parallel_loop3A_576 = vector.shape_cast %parallel_loop3A_575 : vector<1x1x16xf32> to vector<16xf32>
        %parallel_loop3A_577 = arith.constant 128 : i32
        %parallel_loop3A_578 = arith.addi %parallel_loop3A_577, %parallel_loop3A_570 : i32
        %parallel_loop3A_579 = arith.index_cast %parallel_loop3A_578 : i32 to index
        %parallel_loop3A_580 = arith.constant 0 : index
        %parallel_loop3A_581 = tpu.vector_load %arg8[%parallel_loop3A_579, %parallel_loop3A_580] {strides = array<i32>} : memref<256x64xf32, #tpu.memory_space<vmem>>, vector<1x16xf32>,
        %parallel_loop3A_582 = vector.shape_cast %parallel_loop3A_581 : vector<1x16xf32> to vector<16xf32>
        %parallel_loop3A_583 = arith.addf %parallel_loop3A_576, %parallel_loop3A_582 : vector<16xf32>
        %parallel_loop3A_584 = arith.constant 3 : i32
        %parallel_loop3A_585 = arith.index_cast %parallel_loop3A_584 : i32 to index
        %parallel_loop3A_586 = arith.index_cast %parallel_loop3A_570 : i32 to index
        %parallel_loop3A_587 = arith.constant 0 : index
        %parallel_loop3A_588 = tpu.vector_load %arg7[%parallel_loop3A_585, %parallel_loop3A_586, %parallel_loop3A_587] {strides = array<i32>} : memref<4x128x64xf32, #tpu.memory_space<vmem>>, vector<1x1x16xf32>,
        %parallel_loop3A_589 = vector.shape_cast %parallel_loop3A_588 : vector<1x1x16xf32> to vector<16xf32>
        %parallel_loop3A_590 = vector.shape_cast %parallel_loop3A_583 : vector<16xf32> to vector<1x1x16xf32>
        tpu.vector_store %arg7[%parallel_loop3A_585, %parallel_loop3A_586, %parallel_loop3A_587], %parallel_loop3A_590 {strides = array<i32>} : memref<4x128x64xf32, #tpu.memory_space<vmem>>, vector<1x1x16xf32>,
        %parallel_loop3A_591 = arith.constant 3 : i32
        %parallel_loop3A_592 = arith.index_cast %parallel_loop3A_591 : i32 to index
        %parallel_loop3A_593 = arith.index_cast %parallel_loop3A_570 : i32 to index
        %parallel_loop3A_594 = arith.constant 16 : index
        %parallel_loop3A_595 = tpu.vector_load %arg7[%parallel_loop3A_592, %parallel_loop3A_593, %parallel_loop3A_594] {strides = array<i32>} : memref<4x128x64xf32, #tpu.memory_space<vmem>>, vector<1x1x16xf32>,
        %parallel_loop3A_596 = vector.shape_cast %parallel_loop3A_595 : vector<1x1x16xf32> to vector<16xf32>
        %parallel_loop3A_597 = arith.constant 128 : i32
        %parallel_loop3A_598 = arith.addi %parallel_loop3A_597, %parallel_loop3A_570 : i32
        %parallel_loop3A_599 = arith.index_cast %parallel_loop3A_598 : i32 to index
        %parallel_loop3A_600 = arith.constant 16 : index
        %parallel_loop3A_601 = tpu.vector_load %arg8[%parallel_loop3A_599, %parallel_loop3A_600] {strides = array<i32>} : memref<256x64xf32, #tpu.memory_space<vmem>>, vector<1x16xf32>,
        %parallel_loop3A_602 = vector.shape_cast %parallel_loop3A_601 : vector<1x16xf32> to vector<16xf32>
        %parallel_loop3A_603 = arith.addf %parallel_loop3A_596, %parallel_loop3A_602 : vector<16xf32>
        %parallel_loop3A_604 = arith.constant 3 : i32
        %parallel_loop3A_605 = arith.index_cast %parallel_loop3A_604 : i32 to index
        %parallel_loop3A_606 = arith.index_cast %parallel_loop3A_570 : i32 to index
        %parallel_loop3A_607 = arith.constant 16 : index
        %parallel_loop3A_608 = tpu.vector_load %arg7[%parallel_loop3A_605, %parallel_loop3A_606, %parallel_loop3A_607] {strides = array<i32>} : memref<4x128x64xf32, #tpu.memory_space<vmem>>, vector<1x1x16xf32>,
        %parallel_loop3A_609 = vector.shape_cast %parallel_loop3A_608 : vector<1x1x16xf32> to vector<16xf32>
        %parallel_loop3A_610 = vector.shape_cast %parallel_loop3A_603 : vector<16xf32> to vector<1x1x16xf32>
        tpu.vector_store %arg7[%parallel_loop3A_605, %parallel_loop3A_606, %parallel_loop3A_607], %parallel_loop3A_610 {strides = array<i32>} : memref<4x128x64xf32, #tpu.memory_space<vmem>>, vector<1x1x16xf32>,
        %parallel_loop3A_611 = arith.constant 3 : i32
        %parallel_loop3A_612 = arith.index_cast %parallel_loop3A_611 : i32 to index
        %parallel_loop3A_613 = arith.index_cast %parallel_loop3A_570 : i32 to index
        %parallel_loop3A_614 = arith.constant 32 : index
        %parallel_loop3A_615 = tpu.vector_load %arg7[%parallel_loop3A_612, %parallel_loop3A_613, %parallel_loop3A_614] {strides = array<i32>} : memref<4x128x64xf32, #tpu.memory_space<vmem>>, vector<1x1x16xf32>,
        %parallel_loop3A_616 = vector.shape_cast %parallel_loop3A_615 : vector<1x1x16xf32> to vector<16xf32>
        %parallel_loop3A_617 = arith.constant 128 : i32
        %parallel_loop3A_618 = arith.addi %parallel_loop3A_617, %parallel_loop3A_570 : i32
        %parallel_loop3A_619 = arith.index_cast %parallel_loop3A_618 : i32 to index
        %parallel_loop3A_620 = arith.constant 32 : index
        %parallel_loop3A_621 = tpu.vector_load %arg8[%parallel_loop3A_619, %parallel_loop3A_620] {strides = array<i32>} : memref<256x64xf32, #tpu.memory_space<vmem>>, vector<1x16xf32>,
        %parallel_loop3A_622 = vector.shape_cast %parallel_loop3A_621 : vector<1x16xf32> to vector<16xf32>
        %parallel_loop3A_623 = arith.addf %parallel_loop3A_616, %parallel_loop3A_622 : vector<16xf32>
        %parallel_loop3A_624 = arith.constant 3 : i32
        %parallel_loop3A_625 = arith.index_cast %parallel_loop3A_624 : i32 to index
        %parallel_loop3A_626 = arith.index_cast %parallel_loop3A_570 : i32 to index
        %parallel_loop3A_627 = arith.constant 32 : index
        %parallel_loop3A_628 = tpu.vector_load %arg7[%parallel_loop3A_625, %parallel_loop3A_626, %parallel_loop3A_627] {strides = array<i32>} : memref<4x128x64xf32, #tpu.memory_space<vmem>>, vector<1x1x16xf32>,
        %parallel_loop3A_629 = vector.shape_cast %parallel_loop3A_628 : vector<1x1x16xf32> to vector<16xf32>
        %parallel_loop3A_630 = vector.shape_cast %parallel_loop3A_623 : vector<16xf32> to vector<1x1x16xf32>
        tpu.vector_store %arg7[%parallel_loop3A_625, %parallel_loop3A_626, %parallel_loop3A_627], %parallel_loop3A_630 {strides = array<i32>} : memref<4x128x64xf32, #tpu.memory_space<vmem>>, vector<1x1x16xf32>,
        %parallel_loop3A_631 = arith.constant 3 : i32
        %parallel_loop3A_632 = arith.index_cast %parallel_loop3A_631 : i32 to index
        %parallel_loop3A_633 = arith.index_cast %parallel_loop3A_570 : i32 to index
        %parallel_loop3A_634 = arith.constant 48 : index
        %parallel_loop3A_635 = tpu.vector_load %arg7[%parallel_loop3A_632, %parallel_loop3A_633, %parallel_loop3A_634] {strides = array<i32>} : memref<4x128x64xf32, #tpu.memory_space<vmem>>, vector<1x1x16xf32>,
        %parallel_loop3A_636 = vector.shape_cast %parallel_loop3A_635 : vector<1x1x16xf32> to vector<16xf32>
        %parallel_loop3A_637 = arith.constant 128 : i32
        %parallel_loop3A_638 = arith.addi %parallel_loop3A_637, %parallel_loop3A_570 : i32
        %parallel_loop3A_639 = arith.index_cast %parallel_loop3A_638 : i32 to index
        %parallel_loop3A_640 = arith.constant 48 : index
        %parallel_loop3A_641 = tpu.vector_load %arg8[%parallel_loop3A_639, %parallel_loop3A_640] {strides = array<i32>} : memref<256x64xf32, #tpu.memory_space<vmem>>, vector<1x16xf32>,
        %parallel_loop3A_642 = vector.shape_cast %parallel_loop3A_641 : vector<1x16xf32> to vector<16xf32>
        %parallel_loop3A_643 = arith.addf %parallel_loop3A_636, %parallel_loop3A_642 : vector<16xf32>
        %parallel_loop3A_644 = arith.constant 3 : i32
        %parallel_loop3A_645 = arith.index_cast %parallel_loop3A_644 : i32 to index
        %parallel_loop3A_646 = arith.index_cast %parallel_loop3A_570 : i32 to index
        %parallel_loop3A_647 = arith.constant 48 : index
        %parallel_loop3A_648 = tpu.vector_load %arg7[%parallel_loop3A_645, %parallel_loop3A_646, %parallel_loop3A_647] {strides = array<i32>} : memref<4x128x64xf32, #tpu.memory_space<vmem>>, vector<1x1x16xf32>,
        %parallel_loop3A_649 = vector.shape_cast %parallel_loop3A_648 : vector<1x1x16xf32> to vector<16xf32>
        %parallel_loop3A_650 = vector.shape_cast %parallel_loop3A_643 : vector<16xf32> to vector<1x1x16xf32>
        tpu.vector_store %arg7[%parallel_loop3A_645, %parallel_loop3A_646, %parallel_loop3A_647], %parallel_loop3A_650 {strides = array<i32>} : memref<4x128x64xf32, #tpu.memory_space<vmem>>, vector<1x1x16xf32>,
      } {sc.loop_unroll_factor = 8 : i64, sc.parallel_access}
      %jit3A_510 = arith.constant 2 : i32
      %div3A_511 = arith.divsi %add3A_485, %jit3A_510 : i32
      %sign3A_512 = arith.constant 0 : i32
      %sign3A_513 = arith.cmpi sgt, %add3A_485, %sign3A_512 : i32
      %sign3A_514 = arith.extui %sign3A_513 : i1 to i32
      %sign3A_515 = arith.constant 0 : i32
      %sign3A_516 = arith.cmpi slt, %add3A_485, %sign3A_515 : i32
      %sign3A_517 = arith.extui %sign3A_516 : i1 to i32
      %sign3A_518 = arith.subi %sign3A_514, %sign3A_517 : i32
      %sign3A_519 = arith.constant 0 : i32
      %sign3A_520 = arith.cmpi sgt, %jit3A_510, %sign3A_519 : i32
      %sign3A_521 = arith.extui %sign3A_520 : i1 to i32
      %sign3A_522 = arith.constant 0 : i32
      %sign3A_523 = arith.cmpi slt, %jit3A_510, %sign3A_522 : i32
      %sign3A_524 = arith.extui %sign3A_523 : i1 to i32
      %sign3A_525 = arith.subi %sign3A_521, %sign3A_524 : i32
      %ne3A_526 = arith.cmpi ne, %sign3A_518, %sign3A_525 : i32
      %rem3A_527 = arith.remsi %add3A_485, %jit3A_510 : i32
      %ne3A_528 = arith.constant 0 : i32
      %ne3A_529 = arith.cmpi ne, %rem3A_527, %ne3A_528 : i32
      %and3A_530 = arith.andi %ne3A_526, %ne3A_529 : i1
      %sub3A_531 = arith.constant 1 : i32
      %sub3A_532 = arith.subi %div3A_511, %sub3A_531 : i32
      %select_n3A_533 = arith.select %and3A_530, %sub3A_532, %div3A_511 : i32
      %add3A_534 = arith.addi %mul3A_32, %select_n3A_533 : i32
      %jit3A_535 = arith.constant 2 : i32
      %eq3A_536 = arith.constant 0 : i32
      %eq3A_537 = arith.cmpi eq, %jit3A_535, %eq3A_536 : i32
      %jit3A_538 = arith.constant 1 : i32
      %select_n3A_539 = arith.select %eq3A_537, %jit3A_538, %jit3A_535 : i32
      %rem3A_540 = arith.remsi %add3A_485, %select_n3A_539 : i32
      %ne3A_541 = arith.constant 0 : i32
      %ne3A_542 = arith.cmpi ne, %rem3A_540, %ne3A_541 : i32
      %lt3A_543 = arith.constant 0 : i32
      %lt3A_544 = arith.cmpi slt, %rem3A_540, %lt3A_543 : i32
      %lt3A_545 = arith.constant 0 : i32
      %lt3A_546 = arith.cmpi slt, %select_n3A_539, %lt3A_545 : i32
      %ne3A_547 = arith.xori %lt3A_544, %lt3A_546 : i1
      %and3A_548 = arith.andi %ne3A_547, %ne3A_542 : i1
      %add3A_549 = arith.addi %rem3A_540, %select_n3A_539 : i32
      %select_n3A_550 = arith.select %and3A_548, %add3A_549, %rem3A_540 : i32
      %mul3A_551 = arith.constant 128 : i32
      %mul3A_552 = arith.muli %select_n3A_550, %mul3A_551 : i32
      %multiple_of3A_553 = tpu.assume_multiple %mul3A_552, 128 : i32
      %dma_start3A_554 = arith.constant 3 : i32
      %dma_start3A_555 = arith.constant 0 : i32
      %dma_start3A_556 = arith.constant 0 : i32
      %dma_start3A_557 = tpu.memref_slice %arg7[%dma_start3A_554, %dma_start3A_555, %dma_start3A_556] : memref<4x128x64xf32, #tpu.memory_space<vmem>> -> memref<1x128x64xf32, #tpu.memory_space<vmem>>
      %dma_start3A_558 = tpu.memref_squeeze %dma_start3A_557 : memref<1x128x64xf32, #tpu.memory_space<vmem>> -> memref<128x64xf32, #tpu.memory_space<vmem>>
      %dma_start3A_559 = arith.constant 0 : i32
      %dma_start3A_560 = tpu.memref_slice %arg5[%select_n3A, %add3A_534, %multiple_of3A_553, %dma_start3A_559] : memref<16x50x256x64xf32, #tpu.memory_space<hbm>> -> memref<1x1x128x64xf32, #tpu.memory_space<hbm>>
      %dma_start3A_561 = tpu.memref_squeeze %dma_start3A_560 : memref<1x1x128x64xf32, #tpu.memory_space<hbm>> -> memref<128x64xf32, #tpu.memory_space<hbm>>
      %dma_start3A_562 = arith.constant 0 : i32
      %dma_start3A_563 = tpu.memref_slice %arg5[%select_n3A, %add3A_534, %multiple_of3A_553, %dma_start3A_562] : memref<16x50x256x64xf32, #tpu.memory_space<hbm>> -> memref<1x1x128x64xf32, #tpu.memory_space<hbm>>
      %dma_start3A_564 = tpu.memref_squeeze %dma_start3A_563 : memref<1x1x128x64xf32, #tpu.memory_space<hbm>> -> memref<128x64xf32, #tpu.memory_space<hbm>>
      %dma_start3A_565 = arith.constant 0 : i32
      %dma_start3A_566 = arith.constant 0 : i32
      %dma_start3A_567 = tpu.memref_slice %arg7[%dma_start3A_554, %dma_start3A_565, %dma_start3A_566] : memref<4x128x64xf32, #tpu.memory_space<vmem>> -> memref<1x128x64xf32, #tpu.memory_space<vmem>>
      %dma_start3A_568 = tpu.memref_squeeze %dma_start3A_567 : memref<1x128x64xf32, #tpu.memory_space<vmem>> -> memref<128x64xf32, #tpu.memory_space<vmem>>
      tpu.enqueue_dma source(%dma_start3A_568 : memref<128x64xf32, #tpu.memory_space<vmem>>) target(%dma_start3A_564 : memref<128x64xf32, #tpu.memory_space<hbm>>) target_semaphore(%arg16 : memref<!tpu.dma_semaphore, #tpu.memory_space<semaphore_mem>>)
      %scan3A_569 = arith.constant 0 : i32
      scf.yield %scan3A_569 : i32
    }
    %scan3A_86 = arith.constant 12 : i32
    %dma_wait3A = arith.constant 0 : i32
    %dma_wait3A_87 = arith.constant 0 : i32
    %dma_wait3A_88 = arith.constant 0 : i32
    %dma_wait3A_89 = arith.constant 0 : i32
    %dma_wait3A_90 = tpu.memref_slice %arg7[%dma_wait3A_87, %dma_wait3A_88, %dma_wait3A_89] : memref<4x128x64xf32, #tpu.memory_space<vmem>> -> memref<1x128x64xf32, #tpu.memory_space<vmem>>
    %dma_wait3A_91 = tpu.memref_squeeze %dma_wait3A_90 : memref<1x128x64xf32, #tpu.memory_space<vmem>> -> memref<128x64xf32, #tpu.memory_space<vmem>>
    %dma_wait3A_92 = arith.constant 0 : i32
    %dma_wait3A_93 = tpu.memref_slice %arg6[%dma_wait3A, %dma_wait3A_92] : memref<4x128xi32, #tpu.memory_space<vmem>> -> memref<1x128xi32, #tpu.memory_space<vmem>>
    %dma_wait3A_94 = tpu.memref_squeeze %dma_wait3A_93 : memref<1x128xi32, #tpu.memory_space<vmem>> -> memref<128xi32, #tpu.memory_space<vmem>>
    %dma_wait3A_95 = arith.constant 0 : i32
    %dma_wait3A_96 = arith.constant 0 : i32
    %dma_wait3A_97 = tpu.memref_slice %arg3[%dma_wait3A_95, %dma_wait3A_96] : memref<100000x64xf32, #tpu.memory_space<hbm>> -> memref<100000x64xf32, #tpu.memory_space<hbm>>
    tpu.wait_indirect_dma semaphore(%arg9 : memref<!tpu.dma_semaphore, #tpu.memory_space<semaphore_mem>>) src(%dma_wait3A_97 : memref<100000x64xf32, #tpu.memory_space<hbm>>) dst(%dma_wait3A_91 : memref<128x64xf32, #tpu.memory_space<vmem>>)
    %parallel_loop3A = arith.constant 0 : i32
    %parallel_loop3A_98 = arith.constant 128 : i32
    %parallel_loop3A_99 = arith.constant 1 : i32
    scf.for %parallel_loop3A_221 = %parallel_loop3A to %parallel_loop3A_98 step %parallel_loop3A_99  : i32 {
      %parallel_loop3A_222 = arith.constant 0 : i32
      %parallel_loop3A_223 = arith.index_cast %parallel_loop3A_222 : i32 to index
      %parallel_loop3A_224 = arith.index_cast %parallel_loop3A_221 : i32 to index
      %parallel_loop3A_225 = arith.constant 0 : index
      %parallel_loop3A_226 = tpu.vector_load %arg7[%parallel_loop3A_223, %parallel_loop3A_224, %parallel_loop3A_225] {strides = array<i32>} : memref<4x128x64xf32, #tpu.memory_space<vmem>>, vector<1x1x16xf32>,
      %parallel_loop3A_227 = vector.shape_cast %parallel_loop3A_226 : vector<1x1x16xf32> to vector<16xf32>
      %parallel_loop3A_228 = arith.constant 0 : i32
      %parallel_loop3A_229 = arith.addi %parallel_loop3A_228, %parallel_loop3A_221 : i32
      %parallel_loop3A_230 = arith.index_cast %parallel_loop3A_229 : i32 to index
      %parallel_loop3A_231 = arith.constant 0 : index
      %parallel_loop3A_232 = tpu.vector_load %arg8[%parallel_loop3A_230, %parallel_loop3A_231] {strides = array<i32>} : memref<256x64xf32, #tpu.memory_space<vmem>>, vector<1x16xf32>,
      %parallel_loop3A_233 = vector.shape_cast %parallel_loop3A_232 : vector<1x16xf32> to vector<16xf32>
      %parallel_loop3A_234 = arith.addf %parallel_loop3A_227, %parallel_loop3A_233 : vector<16xf32>
      %parallel_loop3A_235 = arith.constant 0 : i32
      %parallel_loop3A_236 = arith.index_cast %parallel_loop3A_235 : i32 to index
      %parallel_loop3A_237 = arith.index_cast %parallel_loop3A_221 : i32 to index
      %parallel_loop3A_238 = arith.constant 0 : index
      %parallel_loop3A_239 = tpu.vector_load %arg7[%parallel_loop3A_236, %parallel_loop3A_237, %parallel_loop3A_238] {strides = array<i32>} : memref<4x128x64xf32, #tpu.memory_space<vmem>>, vector<1x1x16xf32>,
      %parallel_loop3A_240 = vector.shape_cast %parallel_loop3A_239 : vector<1x1x16xf32> to vector<16xf32>
      %parallel_loop3A_241 = vector.shape_cast %parallel_loop3A_234 : vector<16xf32> to vector<1x1x16xf32>
      tpu.vector_store %arg7[%parallel_loop3A_236, %parallel_loop3A_237, %parallel_loop3A_238], %parallel_loop3A_241 {strides = array<i32>} : memref<4x128x64xf32, #tpu.memory_space<vmem>>, vector<1x1x16xf32>,
      %parallel_loop3A_242 = arith.constant 0 : i32
      %parallel_loop3A_243 = arith.index_cast %parallel_loop3A_242 : i32 to index
      %parallel_loop3A_244 = arith.index_cast %parallel_loop3A_221 : i32 to index
      %parallel_loop3A_245 = arith.constant 16 : index
      %parallel_loop3A_246 = tpu.vector_load %arg7[%parallel_loop3A_243, %parallel_loop3A_244, %parallel_loop3A_245] {strides = array<i32>} : memref<4x128x64xf32, #tpu.memory_space<vmem>>, vector<1x1x16xf32>,
      %parallel_loop3A_247 = vector.shape_cast %parallel_loop3A_246 : vector<1x1x16xf32> to vector<16xf32>
      %parallel_loop3A_248 = arith.constant 0 : i32
      %parallel_loop3A_249 = arith.addi %parallel_loop3A_248, %parallel_loop3A_221 : i32
      %parallel_loop3A_250 = arith.index_cast %parallel_loop3A_249 : i32 to index
      %parallel_loop3A_251 = arith.constant 16 : index
      %parallel_loop3A_252 = tpu.vector_load %arg8[%parallel_loop3A_250, %parallel_loop3A_251] {strides = array<i32>} : memref<256x64xf32, #tpu.memory_space<vmem>>, vector<1x16xf32>,
      %parallel_loop3A_253 = vector.shape_cast %parallel_loop3A_252 : vector<1x16xf32> to vector<16xf32>
      %parallel_loop3A_254 = arith.addf %parallel_loop3A_247, %parallel_loop3A_253 : vector<16xf32>
      %parallel_loop3A_255 = arith.constant 0 : i32
      %parallel_loop3A_256 = arith.index_cast %parallel_loop3A_255 : i32 to index
      %parallel_loop3A_257 = arith.index_cast %parallel_loop3A_221 : i32 to index
      %parallel_loop3A_258 = arith.constant 16 : index
      %parallel_loop3A_259 = tpu.vector_load %arg7[%parallel_loop3A_256, %parallel_loop3A_257, %parallel_loop3A_258] {strides = array<i32>} : memref<4x128x64xf32, #tpu.memory_space<vmem>>, vector<1x1x16xf32>,
      %parallel_loop3A_260 = vector.shape_cast %parallel_loop3A_259 : vector<1x1x16xf32> to vector<16xf32>
      %parallel_loop3A_261 = vector.shape_cast %parallel_loop3A_254 : vector<16xf32> to vector<1x1x16xf32>
      tpu.vector_store %arg7[%parallel_loop3A_256, %parallel_loop3A_257, %parallel_loop3A_258], %parallel_loop3A_261 {strides = array<i32>} : memref<4x128x64xf32, #tpu.memory_space<vmem>>, vector<1x1x16xf32>,
      %parallel_loop3A_262 = arith.constant 0 : i32
      %parallel_loop3A_263 = arith.index_cast %parallel_loop3A_262 : i32 to index
      %parallel_loop3A_264 = arith.index_cast %parallel_loop3A_221 : i32 to index
      %parallel_loop3A_265 = arith.constant 32 : index
      %parallel_loop3A_266 = tpu.vector_load %arg7[%parallel_loop3A_263, %parallel_loop3A_264, %parallel_loop3A_265] {strides = array<i32>} : memref<4x128x64xf32, #tpu.memory_space<vmem>>, vector<1x1x16xf32>,
      %parallel_loop3A_267 = vector.shape_cast %parallel_loop3A_266 : vector<1x1x16xf32> to vector<16xf32>
      %parallel_loop3A_268 = arith.constant 0 : i32
      %parallel_loop3A_269 = arith.addi %parallel_loop3A_268, %parallel_loop3A_221 : i32
      %parallel_loop3A_270 = arith.index_cast %parallel_loop3A_269 : i32 to index
      %parallel_loop3A_271 = arith.constant 32 : index
      %parallel_loop3A_272 = tpu.vector_load %arg8[%parallel_loop3A_270, %parallel_loop3A_271] {strides = array<i32>} : memref<256x64xf32, #tpu.memory_space<vmem>>, vector<1x16xf32>,
      %parallel_loop3A_273 = vector.shape_cast %parallel_loop3A_272 : vector<1x16xf32> to vector<16xf32>
      %parallel_loop3A_274 = arith.addf %parallel_loop3A_267, %parallel_loop3A_273 : vector<16xf32>
      %parallel_loop3A_275 = arith.constant 0 : i32
      %parallel_loop3A_276 = arith.index_cast %parallel_loop3A_275 : i32 to index
      %parallel_loop3A_277 = arith.index_cast %parallel_loop3A_221 : i32 to index
      %parallel_loop3A_278 = arith.constant 32 : index
      %parallel_loop3A_279 = tpu.vector_load %arg7[%parallel_loop3A_276, %parallel_loop3A_277, %parallel_loop3A_278] {strides = array<i32>} : memref<4x128x64xf32, #tpu.memory_space<vmem>>, vector<1x1x16xf32>,
      %parallel_loop3A_280 = vector.shape_cast %parallel_loop3A_279 : vector<1x1x16xf32> to vector<16xf32>
      %parallel_loop3A_281 = vector.shape_cast %parallel_loop3A_274 : vector<16xf32> to vector<1x1x16xf32>
      tpu.vector_store %arg7[%parallel_loop3A_276, %parallel_loop3A_277, %parallel_loop3A_278], %parallel_loop3A_281 {strides = array<i32>} : memref<4x128x64xf32, #tpu.memory_space<vmem>>, vector<1x1x16xf32>,
      %parallel_loop3A_282 = arith.constant 0 : i32
      %parallel_loop3A_283 = arith.index_cast %parallel_loop3A_282 : i32 to index
      %parallel_loop3A_284 = arith.index_cast %parallel_loop3A_221 : i32 to index
      %parallel_loop3A_285 = arith.constant 48 : index
      %parallel_loop3A_286 = tpu.vector_load %arg7[%parallel_loop3A_283, %parallel_loop3A_284, %parallel_loop3A_285] {strides = array<i32>} : memref<4x128x64xf32, #tpu.memory_space<vmem>>, vector<1x1x16xf32>,
      %parallel_loop3A_287 = vector.shape_cast %parallel_loop3A_286 : vector<1x1x16xf32> to vector<16xf32>
      %parallel_loop3A_288 = arith.constant 0 : i32
      %parallel_loop3A_289 = arith.addi %parallel_loop3A_288, %parallel_loop3A_221 : i32
      %parallel_loop3A_290 = arith.index_cast %parallel_loop3A_289 : i32 to index
      %parallel_loop3A_291 = arith.constant 48 : index
      %parallel_loop3A_292 = tpu.vector_load %arg8[%parallel_loop3A_290, %parallel_loop3A_291] {strides = array<i32>} : memref<256x64xf32, #tpu.memory_space<vmem>>, vector<1x16xf32>,
      %parallel_loop3A_293 = vector.shape_cast %parallel_loop3A_292 : vector<1x16xf32> to vector<16xf32>
      %parallel_loop3A_294 = arith.addf %parallel_loop3A_287, %parallel_loop3A_293 : vector<16xf32>
      %parallel_loop3A_295 = arith.constant 0 : i32
      %parallel_loop3A_296 = arith.index_cast %parallel_loop3A_295 : i32 to index
      %parallel_loop3A_297 = arith.index_cast %parallel_loop3A_221 : i32 to index
      %parallel_loop3A_298 = arith.constant 48 : index
      %parallel_loop3A_299 = tpu.vector_load %arg7[%parallel_loop3A_296, %parallel_loop3A_297, %parallel_loop3A_298] {strides = array<i32>} : memref<4x128x64xf32, #tpu.memory_space<vmem>>, vector<1x1x16xf32>,
      %parallel_loop3A_300 = vector.shape_cast %parallel_loop3A_299 : vector<1x1x16xf32> to vector<16xf32>
      %parallel_loop3A_301 = vector.shape_cast %parallel_loop3A_294 : vector<16xf32> to vector<1x1x16xf32>
      tpu.vector_store %arg7[%parallel_loop3A_296, %parallel_loop3A_297, %parallel_loop3A_298], %parallel_loop3A_301 {strides = array<i32>} : memref<4x128x64xf32, #tpu.memory_space<vmem>>, vector<1x1x16xf32>,
    } {sc.loop_unroll_factor = 8 : i64, sc.parallel_access}
    %add3A_100 = arith.constant 24 : i32
    %add3A_101 = arith.addi %mul3A_32, %add3A_100 : i32
    %multiple_of3A_102 = arith.constant 0 : i32
    %multiple_of3A_103 = tpu.assume_multiple %multiple_of3A_102, 128 : i32
    %dma_start3A_104 = arith.constant 0 : i32
    %dma_start3A_105 = arith.constant 0 : i32
    %dma_start3A_106 = arith.constant 0 : i32
    %dma_start3A_107 = tpu.memref_slice %arg7[%dma_start3A_104, %dma_start3A_105, %dma_start3A_106] : memref<4x128x64xf32, #tpu.memory_space<vmem>> -> memref<1x128x64xf32, #tpu.memory_space<vmem>>
    %dma_start3A_108 = tpu.memref_squeeze %dma_start3A_107 : memref<1x128x64xf32, #tpu.memory_space<vmem>> -> memref<128x64xf32, #tpu.memory_space<vmem>>
    %dma_start3A_109 = arith.constant 0 : i32
    %dma_start3A_110 = tpu.memref_slice %arg5[%select_n3A, %add3A_101, %multiple_of3A_103, %dma_start3A_109] : memref<16x50x256x64xf32, #tpu.memory_space<hbm>> -> memref<1x1x128x64xf32, #tpu.memory_space<hbm>>
    %dma_start3A_111 = tpu.memref_squeeze %dma_start3A_110 : memref<1x1x128x64xf32, #tpu.memory_space<hbm>> -> memref<128x64xf32, #tpu.memory_space<hbm>>
    %dma_start3A_112 = arith.constant 0 : i32
    %dma_start3A_113 = tpu.memref_slice %arg5[%select_n3A, %add3A_101, %multiple_of3A_103, %dma_start3A_112] : memref<16x50x256x64xf32, #tpu.memory_space<hbm>> -> memref<1x1x128x64xf32, #tpu.memory_space<hbm>>
    %dma_start3A_114 = tpu.memref_squeeze %dma_start3A_113 : memref<1x1x128x64xf32, #tpu.memory_space<hbm>> -> memref<128x64xf32, #tpu.memory_space<hbm>>
    %dma_start3A_115 = arith.constant 0 : i32
    %dma_start3A_116 = arith.constant 0 : i32
    %dma_start3A_117 = tpu.memref_slice %arg7[%dma_start3A_104, %dma_start3A_115, %dma_start3A_116] : memref<4x128x64xf32, #tpu.memory_space<vmem>> -> memref<1x128x64xf32, #tpu.memory_space<vmem>>
    %dma_start3A_118 = tpu.memref_squeeze %dma_start3A_117 : memref<1x128x64xf32, #tpu.memory_space<vmem>> -> memref<128x64xf32, #tpu.memory_space<vmem>>
    tpu.enqueue_dma source(%dma_start3A_118 : memref<128x64xf32, #tpu.memory_space<vmem>>) target(%dma_start3A_114 : memref<128x64xf32, #tpu.memory_space<hbm>>) target_semaphore(%arg13 : memref<!tpu.dma_semaphore, #tpu.memory_space<semaphore_mem>>)
    %dma_wait3A_119 = arith.constant 1 : i32
    %dma_wait3A_120 = arith.constant 1 : i32
    %dma_wait3A_121 = arith.constant 0 : i32
    %dma_wait3A_122 = arith.constant 0 : i32
    %dma_wait3A_123 = tpu.memref_slice %arg7[%dma_wait3A_120, %dma_wait3A_121, %dma_wait3A_122] : memref<4x128x64xf32, #tpu.memory_space<vmem>> -> memref<1x128x64xf32, #tpu.memory_space<vmem>>
    %dma_wait3A_124 = tpu.memref_squeeze %dma_wait3A_123 : memref<1x128x64xf32, #tpu.memory_space<vmem>> -> memref<128x64xf32, #tpu.memory_space<vmem>>
    %dma_wait3A_125 = arith.constant 0 : i32
    %dma_wait3A_126 = tpu.memref_slice %arg6[%dma_wait3A_119, %dma_wait3A_125] : memref<4x128xi32, #tpu.memory_space<vmem>> -> memref<1x128xi32, #tpu.memory_space<vmem>>
    %dma_wait3A_127 = tpu.memref_squeeze %dma_wait3A_126 : memref<1x128xi32, #tpu.memory_space<vmem>> -> memref<128xi32, #tpu.memory_space<vmem>>
    %dma_wait3A_128 = arith.constant 0 : i32
    %dma_wait3A_129 = arith.constant 0 : i32
    %dma_wait3A_130 = tpu.memref_slice %arg3[%dma_wait3A_128, %dma_wait3A_129] : memref<100000x64xf32, #tpu.memory_space<hbm>> -> memref<100000x64xf32, #tpu.memory_space<hbm>>
    tpu.wait_indirect_dma semaphore(%arg10 : memref<!tpu.dma_semaphore, #tpu.memory_space<semaphore_mem>>) src(%dma_wait3A_130 : memref<100000x64xf32, #tpu.memory_space<hbm>>) dst(%dma_wait3A_124 : memref<128x64xf32, #tpu.memory_space<vmem>>)
    %parallel_loop3A_131 = arith.constant 0 : i32
    %parallel_loop3A_132 = arith.constant 128 : i32
    %parallel_loop3A_133 = arith.constant 1 : i32
    scf.for %parallel_loop3A_221 = %parallel_loop3A_131 to %parallel_loop3A_132 step %parallel_loop3A_133  : i32 {
      %parallel_loop3A_222 = arith.constant 1 : i32
      %parallel_loop3A_223 = arith.index_cast %parallel_loop3A_222 : i32 to index
      %parallel_loop3A_224 = arith.index_cast %parallel_loop3A_221 : i32 to index
      %parallel_loop3A_225 = arith.constant 0 : index
      %parallel_loop3A_226 = tpu.vector_load %arg7[%parallel_loop3A_223, %parallel_loop3A_224, %parallel_loop3A_225] {strides = array<i32>} : memref<4x128x64xf32, #tpu.memory_space<vmem>>, vector<1x1x16xf32>,
      %parallel_loop3A_227 = vector.shape_cast %parallel_loop3A_226 : vector<1x1x16xf32> to vector<16xf32>
      %parallel_loop3A_228 = arith.constant 128 : i32
      %parallel_loop3A_229 = arith.addi %parallel_loop3A_228, %parallel_loop3A_221 : i32
      %parallel_loop3A_230 = arith.index_cast %parallel_loop3A_229 : i32 to index
      %parallel_loop3A_231 = arith.constant 0 : index
      %parallel_loop3A_232 = tpu.vector_load %arg8[%parallel_loop3A_230, %parallel_loop3A_231] {strides = array<i32>} : memref<256x64xf32, #tpu.memory_space<vmem>>, vector<1x16xf32>,
      %parallel_loop3A_233 = vector.shape_cast %parallel_loop3A_232 : vector<1x16xf32> to vector<16xf32>
      %parallel_loop3A_234 = arith.addf %parallel_loop3A_227, %parallel_loop3A_233 : vector<16xf32>
      %parallel_loop3A_235 = arith.constant 1 : i32
      %parallel_loop3A_236 = arith.index_cast %parallel_loop3A_235 : i32 to index
      %parallel_loop3A_237 = arith.index_cast %parallel_loop3A_221 : i32 to index
      %parallel_loop3A_238 = arith.constant 0 : index
      %parallel_loop3A_239 = tpu.vector_load %arg7[%parallel_loop3A_236, %parallel_loop3A_237, %parallel_loop3A_238] {strides = array<i32>} : memref<4x128x64xf32, #tpu.memory_space<vmem>>, vector<1x1x16xf32>,
      %parallel_loop3A_240 = vector.shape_cast %parallel_loop3A_239 : vector<1x1x16xf32> to vector<16xf32>
      %parallel_loop3A_241 = vector.shape_cast %parallel_loop3A_234 : vector<16xf32> to vector<1x1x16xf32>
      tpu.vector_store %arg7[%parallel_loop3A_236, %parallel_loop3A_237, %parallel_loop3A_238], %parallel_loop3A_241 {strides = array<i32>} : memref<4x128x64xf32, #tpu.memory_space<vmem>>, vector<1x1x16xf32>,
      %parallel_loop3A_242 = arith.constant 1 : i32
      %parallel_loop3A_243 = arith.index_cast %parallel_loop3A_242 : i32 to index
      %parallel_loop3A_244 = arith.index_cast %parallel_loop3A_221 : i32 to index
      %parallel_loop3A_245 = arith.constant 16 : index
      %parallel_loop3A_246 = tpu.vector_load %arg7[%parallel_loop3A_243, %parallel_loop3A_244, %parallel_loop3A_245] {strides = array<i32>} : memref<4x128x64xf32, #tpu.memory_space<vmem>>, vector<1x1x16xf32>,
      %parallel_loop3A_247 = vector.shape_cast %parallel_loop3A_246 : vector<1x1x16xf32> to vector<16xf32>
      %parallel_loop3A_248 = arith.constant 128 : i32
      %parallel_loop3A_249 = arith.addi %parallel_loop3A_248, %parallel_loop3A_221 : i32
      %parallel_loop3A_250 = arith.index_cast %parallel_loop3A_249 : i32 to index
      %parallel_loop3A_251 = arith.constant 16 : index
      %parallel_loop3A_252 = tpu.vector_load %arg8[%parallel_loop3A_250, %parallel_loop3A_251] {strides = array<i32>} : memref<256x64xf32, #tpu.memory_space<vmem>>, vector<1x16xf32>,
      %parallel_loop3A_253 = vector.shape_cast %parallel_loop3A_252 : vector<1x16xf32> to vector<16xf32>
      %parallel_loop3A_254 = arith.addf %parallel_loop3A_247, %parallel_loop3A_253 : vector<16xf32>
      %parallel_loop3A_255 = arith.constant 1 : i32
      %parallel_loop3A_256 = arith.index_cast %parallel_loop3A_255 : i32 to index
      %parallel_loop3A_257 = arith.index_cast %parallel_loop3A_221 : i32 to index
      %parallel_loop3A_258 = arith.constant 16 : index
      %parallel_loop3A_259 = tpu.vector_load %arg7[%parallel_loop3A_256, %parallel_loop3A_257, %parallel_loop3A_258] {strides = array<i32>} : memref<4x128x64xf32, #tpu.memory_space<vmem>>, vector<1x1x16xf32>,
      %parallel_loop3A_260 = vector.shape_cast %parallel_loop3A_259 : vector<1x1x16xf32> to vector<16xf32>
      %parallel_loop3A_261 = vector.shape_cast %parallel_loop3A_254 : vector<16xf32> to vector<1x1x16xf32>
      tpu.vector_store %arg7[%parallel_loop3A_256, %parallel_loop3A_257, %parallel_loop3A_258], %parallel_loop3A_261 {strides = array<i32>} : memref<4x128x64xf32, #tpu.memory_space<vmem>>, vector<1x1x16xf32>,
      %parallel_loop3A_262 = arith.constant 1 : i32
      %parallel_loop3A_263 = arith.index_cast %parallel_loop3A_262 : i32 to index
      %parallel_loop3A_264 = arith.index_cast %parallel_loop3A_221 : i32 to index
      %parallel_loop3A_265 = arith.constant 32 : index
      %parallel_loop3A_266 = tpu.vector_load %arg7[%parallel_loop3A_263, %parallel_loop3A_264, %parallel_loop3A_265] {strides = array<i32>} : memref<4x128x64xf32, #tpu.memory_space<vmem>>, vector<1x1x16xf32>,
      %parallel_loop3A_267 = vector.shape_cast %parallel_loop3A_266 : vector<1x1x16xf32> to vector<16xf32>
      %parallel_loop3A_268 = arith.constant 128 : i32
      %parallel_loop3A_269 = arith.addi %parallel_loop3A_268, %parallel_loop3A_221 : i32
      %parallel_loop3A_270 = arith.index_cast %parallel_loop3A_269 : i32 to index
      %parallel_loop3A_271 = arith.constant 32 : index
      %parallel_loop3A_272 = tpu.vector_load %arg8[%parallel_loop3A_270, %parallel_loop3A_271] {strides = array<i32>} : memref<256x64xf32, #tpu.memory_space<vmem>>, vector<1x16xf32>,
      %parallel_loop3A_273 = vector.shape_cast %parallel_loop3A_272 : vector<1x16xf32> to vector<16xf32>
      %parallel_loop3A_274 = arith.addf %parallel_loop3A_267, %parallel_loop3A_273 : vector<16xf32>
      %parallel_loop3A_275 = arith.constant 1 : i32
      %parallel_loop3A_276 = arith.index_cast %parallel_loop3A_275 : i32 to index
      %parallel_loop3A_277 = arith.index_cast %parallel_loop3A_221 : i32 to index
      %parallel_loop3A_278 = arith.constant 32 : index
      %parallel_loop3A_279 = tpu.vector_load %arg7[%parallel_loop3A_276, %parallel_loop3A_277, %parallel_loop3A_278] {strides = array<i32>} : memref<4x128x64xf32, #tpu.memory_space<vmem>>, vector<1x1x16xf32>,
      %parallel_loop3A_280 = vector.shape_cast %parallel_loop3A_279 : vector<1x1x16xf32> to vector<16xf32>
      %parallel_loop3A_281 = vector.shape_cast %parallel_loop3A_274 : vector<16xf32> to vector<1x1x16xf32>
      tpu.vector_store %arg7[%parallel_loop3A_276, %parallel_loop3A_277, %parallel_loop3A_278], %parallel_loop3A_281 {strides = array<i32>} : memref<4x128x64xf32, #tpu.memory_space<vmem>>, vector<1x1x16xf32>,
      %parallel_loop3A_282 = arith.constant 1 : i32
      %parallel_loop3A_283 = arith.index_cast %parallel_loop3A_282 : i32 to index
      %parallel_loop3A_284 = arith.index_cast %parallel_loop3A_221 : i32 to index
      %parallel_loop3A_285 = arith.constant 48 : index
      %parallel_loop3A_286 = tpu.vector_load %arg7[%parallel_loop3A_283, %parallel_loop3A_284, %parallel_loop3A_285] {strides = array<i32>} : memref<4x128x64xf32, #tpu.memory_space<vmem>>, vector<1x1x16xf32>,
      %parallel_loop3A_287 = vector.shape_cast %parallel_loop3A_286 : vector<1x1x16xf32> to vector<16xf32>
      %parallel_loop3A_288 = arith.constant 128 : i32
      %parallel_loop3A_289 = arith.addi %parallel_loop3A_288, %parallel_loop3A_221 : i32
      %parallel_loop3A_290 = arith.index_cast %parallel_loop3A_289 : i32 to index
      %parallel_loop3A_291 = arith.constant 48 : index
      %parallel_loop3A_292 = tpu.vector_load %arg8[%parallel_loop3A_290, %parallel_loop3A_291] {strides = array<i32>} : memref<256x64xf32, #tpu.memory_space<vmem>>, vector<1x16xf32>,
      %parallel_loop3A_293 = vector.shape_cast %parallel_loop3A_292 : vector<1x16xf32> to vector<16xf32>
      %parallel_loop3A_294 = arith.addf %parallel_loop3A_287, %parallel_loop3A_293 : vector<16xf32>
      %parallel_loop3A_295 = arith.constant 1 : i32
      %parallel_loop3A_296 = arith.index_cast %parallel_loop3A_295 : i32 to index
      %parallel_loop3A_297 = arith.index_cast %parallel_loop3A_221 : i32 to index
      %parallel_loop3A_298 = arith.constant 48 : index
      %parallel_loop3A_299 = tpu.vector_load %arg7[%parallel_loop3A_296, %parallel_loop3A_297, %parallel_loop3A_298] {strides = array<i32>} : memref<4x128x64xf32, #tpu.memory_space<vmem>>, vector<1x1x16xf32>,
      %parallel_loop3A_300 = vector.shape_cast %parallel_loop3A_299 : vector<1x1x16xf32> to vector<16xf32>
      %parallel_loop3A_301 = vector.shape_cast %parallel_loop3A_294 : vector<16xf32> to vector<1x1x16xf32>
      tpu.vector_store %arg7[%parallel_loop3A_296, %parallel_loop3A_297, %parallel_loop3A_298], %parallel_loop3A_301 {strides = array<i32>} : memref<4x128x64xf32, #tpu.memory_space<vmem>>, vector<1x1x16xf32>,
    } {sc.loop_unroll_factor = 8 : i64, sc.parallel_access}
    %add3A_134 = arith.constant 24 : i32
    %add3A_135 = arith.addi %mul3A_32, %add3A_134 : i32
    %multiple_of3A_136 = arith.constant 128 : i32
    %multiple_of3A_137 = tpu.assume_multiple %multiple_of3A_136, 128 : i32
    %dma_start3A_138 = arith.constant 1 : i32
    %dma_start3A_139 = arith.constant 0 : i32
    %dma_start3A_140 = arith.constant 0 : i32
    %dma_start3A_141 = tpu.memref_slice %arg7[%dma_start3A_138, %dma_start3A_139, %dma_start3A_140] : memref<4x128x64xf32, #tpu.memory_space<vmem>> -> memref<1x128x64xf32, #tpu.memory_space<vmem>>
    %dma_start3A_142 = tpu.memref_squeeze %dma_start3A_141 : memref<1x128x64xf32, #tpu.memory_space<vmem>> -> memref<128x64xf32, #tpu.memory_space<vmem>>
    %dma_start3A_143 = arith.constant 0 : i32
    %dma_start3A_144 = tpu.memref_slice %arg5[%select_n3A, %add3A_135, %multiple_of3A_137, %dma_start3A_143] : memref<16x50x256x64xf32, #tpu.memory_space<hbm>> -> memref<1x1x128x64xf32, #tpu.memory_space<hbm>>
    %dma_start3A_145 = tpu.memref_squeeze %dma_start3A_144 : memref<1x1x128x64xf32, #tpu.memory_space<hbm>> -> memref<128x64xf32, #tpu.memory_space<hbm>>
    %dma_start3A_146 = arith.constant 0 : i32
    %dma_start3A_147 = tpu.memref_slice %arg5[%select_n3A, %add3A_135, %multiple_of3A_137, %dma_start3A_146] : memref<16x50x256x64xf32, #tpu.memory_space<hbm>> -> memref<1x1x128x64xf32, #tpu.memory_space<hbm>>
    %dma_start3A_148 = tpu.memref_squeeze %dma_start3A_147 : memref<1x1x128x64xf32, #tpu.memory_space<hbm>> -> memref<128x64xf32, #tpu.memory_space<hbm>>
    %dma_start3A_149 = arith.constant 0 : i32
    %dma_start3A_150 = arith.constant 0 : i32
    %dma_start3A_151 = tpu.memref_slice %arg7[%dma_start3A_138, %dma_start3A_149, %dma_start3A_150] : memref<4x128x64xf32, #tpu.memory_space<vmem>> -> memref<1x128x64xf32, #tpu.memory_space<vmem>>
    %dma_start3A_152 = tpu.memref_squeeze %dma_start3A_151 : memref<1x128x64xf32, #tpu.memory_space<vmem>> -> memref<128x64xf32, #tpu.memory_space<vmem>>
    tpu.enqueue_dma source(%dma_start3A_152 : memref<128x64xf32, #tpu.memory_space<vmem>>) target(%dma_start3A_148 : memref<128x64xf32, #tpu.memory_space<hbm>>) target_semaphore(%arg14 : memref<!tpu.dma_semaphore, #tpu.memory_space<semaphore_mem>>)
    %dma_wait3A_153 = arith.constant 0 : i32
    %dma_wait3A_154 = arith.constant 0 : i32
    %dma_wait3A_155 = arith.constant 0 : i32
    %dma_wait3A_156 = tpu.memref_slice %arg7[%dma_wait3A_153, %dma_wait3A_154, %dma_wait3A_155] : memref<4x128x64xf32, #tpu.memory_space<vmem>> -> memref<1x128x64xf32, #tpu.memory_space<vmem>>
    %dma_wait3A_157 = tpu.memref_squeeze %dma_wait3A_156 : memref<1x128x64xf32, #tpu.memory_space<vmem>> -> memref<128x64xf32, #tpu.memory_space<vmem>>
    %dma_wait3A_158 = arith.constant 0 : i32
    %dma_wait3A_159 = arith.constant 0 : i32
    %dma_wait3A_160 = tpu.memref_slice %arg5[%select_n3A, %mul3A_32, %dma_wait3A_158, %dma_wait3A_159] : memref<16x50x256x64xf32, #tpu.memory_space<hbm>> -> memref<1x1x128x64xf32, #tpu.memory_space<hbm>>
    %dma_wait3A_161 = tpu.memref_squeeze %dma_wait3A_160 : memref<1x1x128x64xf32, #tpu.memory_space<hbm>> -> memref<128x64xf32, #tpu.memory_space<hbm>>
    %dma_wait3A_162 = arith.constant 0 : i32
    %dma_wait3A_163 = arith.constant 0 : i32
    %dma_wait3A_164 = tpu.memref_slice %arg5[%select_n3A, %mul3A_32, %dma_wait3A_162, %dma_wait3A_163] : memref<16x50x256x64xf32, #tpu.memory_space<hbm>> -> memref<1x1x128x64xf32, #tpu.memory_space<hbm>>
    %dma_wait3A_165 = tpu.memref_squeeze %dma_wait3A_164 : memref<1x1x128x64xf32, #tpu.memory_space<hbm>> -> memref<128x64xf32, #tpu.memory_space<hbm>>
    %dma_wait3A_166 = arith.constant 0 : i32
    %dma_wait3A_167 = arith.constant 0 : i32
    %dma_wait3A_168 = tpu.memref_slice %arg7[%dma_wait3A_153, %dma_wait3A_166, %dma_wait3A_167] : memref<4x128x64xf32, #tpu.memory_space<vmem>> -> memref<1x128x64xf32, #tpu.memory_space<vmem>>
    %dma_wait3A_169 = tpu.memref_squeeze %dma_wait3A_168 : memref<1x128x64xf32, #tpu.memory_space<vmem>> -> memref<128x64xf32, #tpu.memory_space<vmem>>
    tpu.wait_dma2 semaphore(%arg13 : memref<!tpu.dma_semaphore, #tpu.memory_space<semaphore_mem>>) src(%dma_wait3A_169 : memref<128x64xf32, #tpu.memory_space<vmem>>) dst(%dma_wait3A_165 : memref<128x64xf32, #tpu.memory_space<hbm>>)
    %dma_wait3A_170 = arith.constant 1 : i32
    %dma_wait3A_171 = arith.constant 0 : i32
    %dma_wait3A_172 = arith.constant 0 : i32
    %dma_wait3A_173 = tpu.memref_slice %arg7[%dma_wait3A_170, %dma_wait3A_171, %dma_wait3A_172] : memref<4x128x64xf32, #tpu.memory_space<vmem>> -> memref<1x128x64xf32, #tpu.memory_space<vmem>>
    %dma_wait3A_174 = tpu.memref_squeeze %dma_wait3A_173 : memref<1x128x64xf32, #tpu.memory_space<vmem>> -> memref<128x64xf32, #tpu.memory_space<vmem>>
    %dma_wait3A_175 = arith.constant 0 : i32
    %dma_wait3A_176 = arith.constant 0 : i32
    %dma_wait3A_177 = tpu.memref_slice %arg5[%select_n3A, %mul3A_32, %dma_wait3A_175, %dma_wait3A_176] : memref<16x50x256x64xf32, #tpu.memory_space<hbm>> -> memref<1x1x128x64xf32, #tpu.memory_space<hbm>>
    %dma_wait3A_178 = tpu.memref_squeeze %dma_wait3A_177 : memref<1x1x128x64xf32, #tpu.memory_space<hbm>> -> memref<128x64xf32, #tpu.memory_space<hbm>>
    %dma_wait3A_179 = arith.constant 0 : i32
    %dma_wait3A_180 = arith.constant 0 : i32
    %dma_wait3A_181 = tpu.memref_slice %arg5[%select_n3A, %mul3A_32, %dma_wait3A_179, %dma_wait3A_180] : memref<16x50x256x64xf32, #tpu.memory_space<hbm>> -> memref<1x1x128x64xf32, #tpu.memory_space<hbm>>
    %dma_wait3A_182 = tpu.memref_squeeze %dma_wait3A_181 : memref<1x1x128x64xf32, #tpu.memory_space<hbm>> -> memref<128x64xf32, #tpu.memory_space<hbm>>
    %dma_wait3A_183 = arith.constant 0 : i32
    %dma_wait3A_184 = arith.constant 0 : i32
    %dma_wait3A_185 = tpu.memref_slice %arg7[%dma_wait3A_170, %dma_wait3A_183, %dma_wait3A_184] : memref<4x128x64xf32, #tpu.memory_space<vmem>> -> memref<1x128x64xf32, #tpu.memory_space<vmem>>
    %dma_wait3A_186 = tpu.memref_squeeze %dma_wait3A_185 : memref<1x128x64xf32, #tpu.memory_space<vmem>> -> memref<128x64xf32, #tpu.memory_space<vmem>>
    tpu.wait_dma2 semaphore(%arg14 : memref<!tpu.dma_semaphore, #tpu.memory_space<semaphore_mem>>) src(%dma_wait3A_186 : memref<128x64xf32, #tpu.memory_space<vmem>>) dst(%dma_wait3A_182 : memref<128x64xf32, #tpu.memory_space<hbm>>)
    %dma_wait3A_187 = arith.constant 2 : i32
    %dma_wait3A_188 = arith.constant 0 : i32
    %dma_wait3A_189 = arith.constant 0 : i32
    %dma_wait3A_190 = tpu.memref_slice %arg7[%dma_wait3A_187, %dma_wait3A_188, %dma_wait3A_189] : memref<4x128x64xf32, #tpu.memory_space<vmem>> -> memref<1x128x64xf32, #tpu.memory_space<vmem>>
    %dma_wait3A_191 = tpu.memref_squeeze %dma_wait3A_190 : memref<1x128x64xf32, #tpu.memory_space<vmem>> -> memref<128x64xf32, #tpu.memory_space<vmem>>
    %dma_wait3A_192 = arith.constant 0 : i32
    %dma_wait3A_193 = arith.constant 0 : i32
    %dma_wait3A_194 = tpu.memref_slice %arg5[%select_n3A, %mul3A_32, %dma_wait3A_192, %dma_wait3A_193] : memref<16x50x256x64xf32, #tpu.memory_space<hbm>> -> memref<1x1x128x64xf32, #tpu.memory_space<hbm>>
    %dma_wait3A_195 = tpu.memref_squeeze %dma_wait3A_194 : memref<1x1x128x64xf32, #tpu.memory_space<hbm>> -> memref<128x64xf32, #tpu.memory_space<hbm>>
    %dma_wait3A_196 = arith.constant 0 : i32
    %dma_wait3A_197 = arith.constant 0 : i32
    %dma_wait3A_198 = tpu.memref_slice %arg5[%select_n3A, %mul3A_32, %dma_wait3A_196, %dma_wait3A_197] : memref<16x50x256x64xf32, #tpu.memory_space<hbm>> -> memref<1x1x128x64xf32, #tpu.memory_space<hbm>>
    %dma_wait3A_199 = tpu.memref_squeeze %dma_wait3A_198 : memref<1x1x128x64xf32, #tpu.memory_space<hbm>> -> memref<128x64xf32, #tpu.memory_space<hbm>>
    %dma_wait3A_200 = arith.constant 0 : i32
    %dma_wait3A_201 = arith.constant 0 : i32
    %dma_wait3A_202 = tpu.memref_slice %arg7[%dma_wait3A_187, %dma_wait3A_200, %dma_wait3A_201] : memref<4x128x64xf32, #tpu.memory_space<vmem>> -> memref<1x128x64xf32, #tpu.memory_space<vmem>>
    %dma_wait3A_203 = tpu.memref_squeeze %dma_wait3A_202 : memref<1x128x64xf32, #tpu.memory_space<vmem>> -> memref<128x64xf32, #tpu.memory_space<vmem>>
    tpu.wait_dma2 semaphore(%arg15 : memref<!tpu.dma_semaphore, #tpu.memory_space<semaphore_mem>>) src(%dma_wait3A_203 : memref<128x64xf32, #tpu.memory_space<vmem>>) dst(%dma_wait3A_199 : memref<128x64xf32, #tpu.memory_space<hbm>>)
    %dma_wait3A_204 = arith.constant 3 : i32
    %dma_wait3A_205 = arith.constant 0 : i32
    %dma_wait3A_206 = arith.constant 0 : i32
    %dma_wait3A_207 = tpu.memref_slice %arg7[%dma_wait3A_204, %dma_wait3A_205, %dma_wait3A_206] : memref<4x128x64xf32, #tpu.memory_space<vmem>> -> memref<1x128x64xf32, #tpu.memory_space<vmem>>
    %dma_wait3A_208 = tpu.memref_squeeze %dma_wait3A_207 : memref<1x128x64xf32, #tpu.memory_space<vmem>> -> memref<128x64xf32, #tpu.memory_space<vmem>>
    %dma_wait3A_209 = arith.constant 0 : i32
    %dma_wait3A_210 = arith.constant 0 : i32
    %dma_wait3A_211 = tpu.memref_slice %arg5[%select_n3A, %mul3A_32, %dma_wait3A_209, %dma_wait3A_210] : memref<16x50x256x64xf32, #tpu.memory_space<hbm>> -> memref<1x1x128x64xf32, #tpu.memory_space<hbm>>
    %dma_wait3A_212 = tpu.memref_squeeze %dma_wait3A_211 : memref<1x1x128x64xf32, #tpu.memory_space<hbm>> -> memref<128x64xf32, #tpu.memory_space<hbm>>
    %dma_wait3A_213 = arith.constant 0 : i32
    %dma_wait3A_214 = arith.constant 0 : i32
    %dma_wait3A_215 = tpu.memref_slice %arg5[%select_n3A, %mul3A_32, %dma_wait3A_213, %dma_wait3A_214] : memref<16x50x256x64xf32, #tpu.memory_space<hbm>> -> memref<1x1x128x64xf32, #tpu.memory_space<hbm>>
    %dma_wait3A_216 = tpu.memref_squeeze %dma_wait3A_215 : memref<1x1x128x64xf32, #tpu.memory_space<hbm>> -> memref<128x64xf32, #tpu.memory_space<hbm>>
    %dma_wait3A_217 = arith.constant 0 : i32
    %dma_wait3A_218 = arith.constant 0 : i32
    %dma_wait3A_219 = tpu.memref_slice %arg7[%dma_wait3A_204, %dma_wait3A_217, %dma_wait3A_218] : memref<4x128x64xf32, #tpu.memory_space<vmem>> -> memref<1x128x64xf32, #tpu.memory_space<vmem>>
    %dma_wait3A_220 = tpu.memref_squeeze %dma_wait3A_219 : memref<1x128x64xf32, #tpu.memory_space<vmem>> -> memref<128x64xf32, #tpu.memory_space<vmem>>
    tpu.wait_dma2 semaphore(%arg16 : memref<!tpu.dma_semaphore, #tpu.memory_space<semaphore_mem>>) src(%dma_wait3A_220 : memref<128x64xf32, #tpu.memory_space<vmem>>) dst(%dma_wait3A_216 : memref<128x64xf32, #tpu.memory_space<hbm>>)
    return
  }
}

</mosaic_0001>

<sc_bundles>
// kernel: kernel.3.cloned.1.call-start
scs
__scs_entry_jumppad:
0x0: {  	(pc) =	sbr.rel $0x88, $3  }
0x1: {  	(tag) =	ssettag $0x0;
	lr =	simm.s32 $0x1  }
0x2: {  	[smem:$0x3F9E] =	sst lr;
	_ =	strace $0xD0000000  }
0x3: {  	_ = 	snop  }
0x4: {  	_ = 	snop  }
0x5: {  	_ = 	snop  }
0x6: {  	_ = 	snop  }
0x7: {  	_ = 	snop  }
__scs_overlays_trampoline_lowered:
0x8: {  	[smem:$0x3FAD] =	sst s0  }
0x9: {  	[smem:$0x3FAE] =	sst s1  }
0xa: {  	[smem:$0x3FAF] =	sst s2  }
0xb: {  	[smem:$0x3FB0] =	sst s3  }
0xc: {  	[smem:$0x3FB1] =	sst s4  }
0xd: {  	[smem:$0x3FB2] =	sst s5  }
0xe: {  	[smem:$0x3FB3] =	sst s6  }
0xf: {  	[smem:$0x3FB4] =	sst s7  }
0x10: {  	[smem:$0x3FB5] =	sst s8  }
0x11: {  	[smem:$0x3FB6] =	sst s9;
	s0 =	simm.s32 @!p0 $0x0  }
0x12: {  	s1 =	sld [smem:$0x3F9C];
	s0 =	simm.s32 @p0 $0x1  }
0x13: {  	[smem:$0x3FB7] =	sst s0;
	s0 =	simm.s32 @!p1 $0x0  }
0x14: {  	s2 =	sld [smem:$0x3F9B];
	s0 =	simm.s32 @p1 $0x1  }
0x15: {  	[smem:$0x3FB8] =	sst s0;
	s0 =	simm.s32 @!p2 $0x0  }
0x16: {  	s3 =	sld [smem:$0x3FDB];
	s0 =	simm.s32 @p2 $0x1  }
0x17: {  	s4 =	simm.s32 $0x1BF5;
	[smem:$0x3FBA] =	sst s0  }
0x18: {  	s0 =	sld [smem:$0x3F9D];
	_ =	swait.ge [sflag:s4], $0x0  }
0x19: {  	s7 =	sld [smem:$0x3F9E]  }
0x1a: {  	s8 =	sadd.s32 $0xFFFFE003, lr  }
0x1b: {  	s9 =	sadd.s32 $0xFFFFFEF7, lr;
	s5 =	simm.s32 $0xFFFFFFFF;
	p2 =	slt.u32 s8, $0xFFFFF086  }
0x1c: {  	p1 =	slt.u32 s9, $0xF7A;
	s5 =	simm.s32 @!p2 $0x0  }
0x1d: {  	s5 =	simm.s32 @p1 $0x1;
	p0 =	seq.s32 s7, s2  }
0x1e: {  	s7 =	smul.u32 @!p0 $0xF7A, s2;
	p2 =	seq.s32 @!p0 s5, $0x0  }
0x1f: {  	s9 =	smul.u32 $0xF7A, s1;
	s8 =	simm.s32 @!p0 $0x1BF5;
	p2 =	por !p2, p0  }
0x20: {  	[sflag:s8] =	ssyncset.s32 @!p0 $0xFFFFF086;
	s6 =	sadd.s32 @!p0 s3, s7;
	s7 =	simm.s32 @!p0 $0x108  }
0x21: {  	s3 =	sadd.s32 s3, s9;
	s6 =	sadd.s32 @!p0 $0x88, s6;
	s7 =	simm.s32 @p2 $0x1082  }
0x22: {  	[simem:s7], [sflag:s8] =	dma.local @!p0 [hbm:s6], $0xF7A  }
0x23: {  	s9 =	sor.u32 $0xD0000000, s2;
	s6 =	simm.s32 $0x108;
	_ =	swait.ge @!p0 [sflag:s8], $0x0  }
0x24: {  	s3 =	sadd.s32 $0x88, s3;
	s6 =	simm.s32 @!p1 $0x1082;
	[sflag:s4] =	ssyncset.s32 $0xFFFFF086  }
0x25: {  	[simem:s6], [sflag:s4] =	dma.local [hbm:s3], $0xF7A  }
0x26: {  	[smem:$0x3F9E] =	sst s1;
	(tag) =	ssettag s2;
	_ =	strace s9  }
0x27: {  	s1 =	sld [smem:$0x3FAE]  }
0x28: {  	s2 =	sld [smem:$0x3FAF]  }
0x29: {  	s4 =	sld [smem:$0x3FB1]  }
0x2a: {  	p0 =	seq.s32 s5, $0x0;
	s5 =	sld [smem:$0x3FB2]  }
0x2b: {  	s6 =	sld [smem:$0x3FB3]  }
0x2c: {  	s7 =	sld [smem:$0x3FB4]  }
0x2d: {  	s3 =	simm.s32 $0x108;
	s8 =	sld [smem:$0x3FB5]  }
0x2e: {  	s3 =	simm.s32 @!p0 $0x1082;
	s9 =	sld [smem:$0x3FB6]  }
0x2f: {  	lr =	sadd.s32 s0, s3;
	s0 =	sld [smem:$0x3FAD]  }
0x30: {  	s3 =	sld [smem:$0x3FB0]  }
0x31: {  	[smem:$0x3FB9] =	sst s10  }
0x32: {  	s10 =	sld [smem:$0x3FB7];
	_ =	sdelay $0x3  }
0x33: {  	p0 =	seq.s32 s10, $0x1;
	s10 =	sld [smem:$0x3FB9];
	_ =	sdelay $0x3  }
0x34: {  	[smem:$0x3FB9] =	sst s10  }
0x35: {  	s10 =	sld [smem:$0x3FB8];
	_ =	sdelay $0x3  }
0x36: {  	p1 =	seq.s32 s10, $0x1;
	s10 =	sld [smem:$0x3FB9];
	_ =	sdelay $0x3  }
0x37: {  	[smem:$0x3FB9] =	sst s10  }
0x38: {  	s10 =	sld [smem:$0x3FBA]  }
0x39: {  	_ = 	snop;
	(pc) =	sbr.ind lr, $3  }
0x3a: {  	_ = 	snop  }
0x3b: {  	_ = 	snop  }
0x3c: {  	p2 =	seq.s32 s10, $0x1;
	s10 =	sld [smem:$0x3FB9]  }
0x3d: {  	_ =	shalt  }
0x3e: {  	_ =	shalt  }
0x3f: {  	_ =	shalt  }
0x40: {  	_ =	shalt  }
0x41: {  	_ =	shalt  }
0x42: {  	_ =	shalt  }
0x43: {  	_ =	shalt  }
0x44: {  	_ =	shalt  }
0x45: {  	_ =	shalt  }
0x46: {  	_ =	shalt  }
0x47: {  	_ =	shalt  }
0x48: {  	_ =	shalt  }
0x49: {  	_ =	shalt  }
0x4a: {  	_ =	shalt  }
0x4b: {  	_ =	shalt  }
0x4c: {  	_ =	shalt  }
0x4d: {  	_ =	shalt  }
0x4e: {  	_ =	shalt  }
0x4f: {  	_ =	shalt  }
0x50: {  	_ =	shalt  }
0x51: {  	_ =	shalt  }
0x52: {  	_ =	shalt  }
0x53: {  	_ =	shalt  }
0x54: {  	_ =	shalt  }
0x55: {  	_ =	shalt  }
0x56: {  	_ =	shalt  }
0x57: {  	_ =	shalt  }
0x58: {  	_ =	shalt  }
0x59: {  	_ =	shalt  }
0x5a: {  	_ =	shalt  }
0x5b: {  	_ =	shalt  }
0x5c: {  	_ =	shalt  }
0x5d: {  	_ =	shalt  }
0x5e: {  	_ =	shalt  }
0x5f: {  	_ =	shalt  }
0x60: {  	_ =	shalt  }
0x61: {  	_ =	shalt  }
0x62: {  	_ =	shalt  }
0x63: {  	_ =	shalt  }
0x64: {  	_ =	shalt  }
0x65: {  	_ =	shalt  }
0x66: {  	_ =	shalt  }
0x67: {  	_ =	shalt  }
0x68: {  	_ =	shalt  }
0x69: {  	_ =	shalt  }
0x6a: {  	_ =	shalt  }
0x6b: {  	_ =	shalt  }
0x6c: {  	_ =	shalt  }
0x6d: {  	_ =	shalt  }
0x6e: {  	_ =	shalt  }
0x6f: {  	_ =	shalt  }
0x70: {  	_ =	shalt  }
0x71: {  	_ =	shalt  }
0x72: {  	_ =	shalt  }
0x73: {  	_ =	shalt  }
0x74: {  	_ =	shalt  }
0x75: {  	_ =	shalt  }
0x76: {  	_ =	shalt  }
0x77: {  	_ =	shalt  }
0x78: {  	_ =	shalt  }
0x79: {  	_ =	shalt  }
0x7a: {  	_ =	shalt  }
0x7b: {  	_ =	shalt  }
0x7c: {  	_ =	shalt  }
0x7d: {  	_ =	shalt  }
0x7e: {  	_ =	shalt  }
0x7f: {  	_ =	shalt  }
0x80: {  	_ =	shalt  }
0x81: {  	_ =	shalt  }
0x82: {  	_ =	shalt  }
0x83: {  	_ =	shalt  }
0x84: {  	_ =	shalt  }
0x85: {  	_ =	shalt  }
0x86: {  	_ =	shalt  }
0x87: {  	_ =	shalt  }
.Lfunc_end0:
.L_simem_size_0:
called_computation.1_lowered:
.L_overlay_start_0:
0x88: {  	s2 =	sld [smem:$0x3FD9]  }
0x89: {  	s3 =	sld [smem:$0x3FFE];
	_ =	sdelay $0x1  }
0x8a: {  	s1 =	srdreg.scid  }
0x8b: {  	s0 =	sand.u32 $0x1, s1  }
0x8c: {  	s17 =	sshll.u32 s0, $0xA;
	s2 =	sadd.s32 s3, s2  }
0x8d: {  	s2 =	sadd.s32 s2, s17  }
0x8e: {  	[smem:$0x3FC5] =	sst s2  }
0x8f: {  	_ = 	snop  }
0x90: {  	s2 =	sld [smem:$0x3FD0];
	(tm) =	ssettm $0x1  }
0x91: {  	s18 =	sld [smem:$0x3FFB];
	_ =	sdelay $0x3  }
0x92: {  	_ =	strace s18  }
0x93: {  	s3 =	sld [smem:$0x3FFC];
	_ =	sdelay $0x3  }
0x94: {  	_ =	strace s3  }
0x95: {  	s3 =	sld [smem:$0x3FFD];
	_ =	sdelay $0x3  }
0x96: {  	_ =	strace s3  }
0x97: {  	_ =	strace $0x8FFFFFFF  }
0x98: {  	s19 =	sld [smem:$0x3FDB];
	_ =	sdelay $0x1  }
0x99: {  	s4 =	simm.s32 $_scs_section_size  }
0x9a: {  	s5 =	simm.s32 $_size__tile_overlayer_lowered;
	s6 =	simm.s32 $_tile_overlayer_lowered  }
0x9b: {  	s22 =	simm.s32 $0x1BFF;
	s21 =	sshll.u32 s6, $0x1;
	s3 =	sadd.s32 s4, s19  }
0x9c: {  	s7 =	simm.s32 $0x0;
	s20 =	sshll.u32 s5, $0x1;
	s5 =	sadd.s32 s21, s3  }
0x9d: {  	[timem:s7], [sflag:s22] =	dma.local [hbm:s5], s20  }
0x9e: {  	_ =	swait.ge [sflag:s22], s20  }
0x9f: {  	s4 =	ssub.s32 $0x0, s20;
	[sflag:s22] =	ssyncset.done $0x0  }
0xa0: {  	[sflag:s22] =	ssyncadd.s32 s4;
	_ =	sdelay $0x1  }
0xa1: {  	s23 =	simm.s32 $0x1B8B  }
0xa2: {  	_ =	swait.ge [sflag:s23], $0x1  }
0xa3: {  	[sflag:s23] =	ssyncset.done $0x0  }
0xa4: {  	s25 =	simm.s32 $0x1B8E;
	s24 =	sld [smem:$0x3FFE];
	[sflag:s23] =	ssyncadd.s32 $0xFFFFFFFF  }
0xa5: {  	s26 =	simm.s32 $execute0_lowered;
	[smem:$0x3FD2] =	sst s25  }
0xa6: {  	s5 =	sshll.u32 s26, $0x1;
	_ =	strace $0x80000046;
	[dreg:$0x1] =	wrdreg $0xFFFFFFFF  }
0xa7: {  	s28 =	simm.s32 $_size_execute0_lowered;
	s3 =	sadd.s32 s3, s5;
	[dreg:$0x0] =	wrdreg $0x0  }
0xa8: {  	s5 =	sshll.u32 s28, $0x1;
	[dreg:$0x2] =	wrdreg s3  }
0xa9: {  	[dreg:$0x3] =	wrdreg s5  }
0xaa: {  	[dreg:$0x4] =	wrdreg $0xC0  }
0xab: {  	_ =	task [dreg:s7], $0x5FFFF  }
0xac: {  	[dreg:$0x1] =	wrdreg $0xFFFFFFFF  }
0xad: {  	[dreg:$0x0] =	wrdreg $0x60  }
0xae: {  	[dreg:$0x2] =	wrdreg s24  }
0xaf: {  	[dreg:$0x3] =	wrdreg s2  }
0xb0: {  	[dreg:$0x4] =	wrdreg $0x9  }
0xb1: {  	_ =	task.clear_ibuf [dreg:s7], $0x5FFFF;
	_ =	strace $0x90000046  }
0xb2: {  	s29 =	simm.s32 $0x9;
	_ =	strace $0x80000048  }
0xb3: {  	_ =	swait.ge [sflag:s29], $0x1  }
0xb4: {  	[sflag:s29] =	ssyncadd.s32 $0xFFFFFFFF  }
0xb5: {  	_ =	strace $0x90000048  }
0xb6: {  	_ =	sfence  }
0xb7: {  	s30 =	sld [smem:$0x0];
	_ =	sdelay $0x2  }
0xb8: {  	s31 =	sshll.u32 s1, $0xD;
	s1 =	sshrl.u32 s1, $0x2  }
0xb9: {  	s3 =	sand.u32 $0x4000, s31;
	s1 =	sadd.s32 s1, s30  }
0xba: {  	s0 =	sor.u32 s3, s0;
	s1 =	sshll.u32 s1, $0x11  }
0xbb: {  	s0 =	sor.u32 s1, s0  }
0xbc: {  	s0 =	sadd.s32 $0x8F2B, s0  }
0xbd: {  	[sflag:s0] =	ssyncadd.remote.s32 $0x1  }
0xbe: {  	_ =	sfence.sel $0xFFFF  }
0xbf: {  	[dreg:$0x0] =	wrdreg $0xFFFFFFFF;
	(pc) =	sbr.abs _section_cstart, $3  }
0xc0: {  	[dreg:$0x1] =	wrdreg $0xFFFFFFFF  }
0xc1: {  	_ =	task.clear_ibuf [dreg:s7], $0x2FFFF;
	_ =	strace $0x9FFFFFFF  }
0xc2: {  	(tm) =	ssettm $0x7FFFFFFF  }
0xc3: {  	_ =	shalt  }
tec
execute0_lowered:
.L_overlay_start_1:
0x0: {  	(tag) =	ssettag $0x1  }
0x1: {  	s0 =	srdreg.scid  }
0x2: {  	s4 =	stileid.u32;
	s1 =	rddreg [dreg:$0x0]  }
0x3: {  	s28 =	rddreg [dreg:$0x1];
	s3 =	simm.s32 $0x0;
	s10 =	simm.s32 $0x1  }
0x4: {  	s30 =	simm.s32 $0x6200;
	s31 =	simm.s32 $0x5;
	s0 =	sand.u32 $0x1, s0  }
0x5: {  	[smem:$0x7FF] =	sst s3;
	s5 =	sadd.s32 $0x1000, s1;
	s7 =	sadd.s32 $0x7400, s1  }
0x6: {  	s9 =	sadd.s32 $0x800, s1;
	s12 =	sadd.s32 $0x1010, s1;
	s2 =	sor.u32 s0, s4  }
0x7: {  	p1 =	seq.s32 s0, $0x1;
	_ =	strace $0x80000047;
	p0 =	seq.s32 s2, $0x0  }
0x8: {  	s0 =	ssub.s32 $0x2, s0;
	[dreg:$0x3] =	wrdreg s9;
	p0 =	por !p0, !p1  }
0x9: {  	s2 =	simm.s32 $0x1;
	s16 =	sshrl.u32 s0, $0x1;
	p0 =	por !p0, !p0  }
0xa: {  	s9 =	simm.s32 $0x0;
	s0 =	ssub.s32 s0, s16;
	s2 =	simm.s32 @!p0 $0x0  }
0xb: {  	s16 =	sadd.s32 $0x400, s28;
	s2 =	ssub.s32 s4, s2;
	s4 =	simm.s32 $0x19  }
0xc: {  	s0 =	smax.u32 s0, $0x1;
	s4 =	simm.s32 @!p1 $0x0;
	s6 =	smul.u32 $0x3200, s2  }
0xd: {  	[dreg:$0x9] =	wrdreg s0;
	s11 =	smul.u32 $0xC8000, s2;
	s8 =	sshll.u32 s4, $0x8  }
0xe: {  	s0 =	simm.s32 $0x6;
	s19 =	sshll.u32 s4, $0xE;
	s8 =	sadd.s32 s8, s6  }
0xf: {  	s20 =	smov.u32 s11;
	s22 =	sadd.s32 s19, s11;
	s17 =	sshrl.u32 s8, $0x3  }
0x10: {  	s21 =	sadd.s32 $0x100, s8;
	s24 =	sadd.s32 $0x60000, s22;
	s29 =	smov.u32 s22  }
0x11: {  	s26 =	sadd.s32 $0x4000, s22;
	s22 =	simm.s32 $0x9;
	s18 =	sadd.s32 s5, s17  }
0x12: {  	s23 =	sadd.s32 s17, s12;
	s1 =	sshrl.u32 s21, $0x3;
	[dreg:$0xa] =	wrdreg s26  }
0x13: {  	s25 =	sshrl.u32 s24, $0x3;
	s24 =	simm.s32 $0x200;
	[dreg:$0x4] =	wrdreg s18  }
0x14: {  	s21 =	simm.s32 $0x3;
	[dreg:$0x5] =	wrdreg s23;
	s1 =	sadd.s32 s5, s1  }
0x15: {  	s26 =	simm.s32 $0x4;
	s2 =	sadd.s32 s28, s25;
	[dreg:$0x6] =	wrdreg s1  }
0x16: {  	s23 =	simm.s32 $0x80;
	[dreg:$0x7] =	wrdreg s2;
	s1 =	sadd.s32 s25, s16  }
0x17: {  	s25 =	simm.s32 $0x2200;
	[dreg:$0x8] =	wrdreg s1;
	s1 =	simm.s32 $0x2  }
.LBB2_1:
0x18: {  	[dreg:$0xb] =	wrdreg s9  }
0x19: {  	s2 =	rddreg [dreg:$0x3];
	s8 =	simm.s32 $0x8200  }
0x1a: {  	[tilespmem:s8], [sflag:$0x9] =	stream.linear.gather [hbm4b:s2+s3], $0x4000, $0x38;
	[tilespmem:$0xC200] =	vst v63  }
0x1b: {  	_ =	swait.ge [sflag:s22], $0x4000  }
0x1c: {  	[sflag:s22] =	ssyncset.done $0x0  }
0x1d: {  	s14 =	rddreg [dreg:$0x4];
	[sflag:s22] =	ssyncadd.s32 $0xFFFFC000  }
0x1e: {  	[tilespmem:s3], [sflag:$0x9] =	stream.linear.gather [hbm4b:s14+s3], $0x80, $0x38;
	[tilespmem:$0xC200] =	vst v63  }
0x1f: {  	_ =	swait.ge [sflag:s22], $0x80  }
0x20: {  	[sflag:s22] =	ssyncset.done $0x0  }
0x21: {  	[sflag:s22] =	ssyncadd.s32 $0xFFFFFF80  }
0x22: {  	[tilespmem:s24], [sflag:$0x1] =	stream.indirect.gather [hbm4b:s7+s23], $0x40, s3, s23, $0xb8;
	[tilespmem:$0xC200] =	vst v63  }
0x23: {  	s15 =	rddreg [dreg:$0x5]  }
0x24: {  	[tilespmem:s23], [sflag:$0x9] =	stream.linear.gather [hbm4b:s15+s3], $0x80, $0x38;
	[tilespmem:$0xC200] =	vst v63  }
0x25: {  	_ =	swait.ge [sflag:s22], $0x80  }
0x26: {  	[sflag:s22] =	ssyncset.done $0x0  }
0x27: {  	[sflag:s22] =	ssyncadd.s32 $0xFFFFFF80  }
0x28: {  	[tilespmem:s25], [sflag:$0x2] =	stream.indirect.gather [hbm4b:s7+s23], $0x40, s23, s23, $0xb8;
	[tilespmem:$0xC200] =	vst v63  }
0x29: {  	s18 =	simm.s32 $0x100;
	s17 =	rddreg [dreg:$0x6]  }
0x2a: {  	[tilespmem:s18], [sflag:$0x9] =	stream.linear.gather [hbm4b:s17+s3], $0x80, $0x38;
	[tilespmem:$0xC200] =	vst v63  }
0x2b: {  	_ =	swait.ge [sflag:s22], $0x80  }
0x2c: {  	[sflag:s22] =	ssyncset.done $0x0  }
0x2d: {  	s19 =	simm.s32 $0x4200;
	s15 =	simm.s32 $0x0;
	[sflag:s22] =	ssyncadd.s32 $0xFFFFFF80  }
0x2e: {  	[tilespmem:s19], [sflag:$0x3] =	stream.indirect.gather [hbm4b:s7+s23], $0x40, s18, s23, $0xb8;
	[tilespmem:$0xC200] =	vst v63  }
.LBB2_2:
0x2f: {  	s2 =	sshll.u32 s15, $0x1  }
0x30: {  	s2 =	sadd.s32 s2, s4  }
0x31: {  	p0 =	seq.s32 s15, $0x0;
	s17 =	sadd.s32 $0x1, s2  }
0x32: {  	s2 =	simm.s32 @!p0 $0x8;
	s8 =	sshll.u32 s17, $0x8  }
0x33: {  	_ =	swait.ge @!p0 [sflag:s2], $0x2000;
	s8 =	sadd.s32 s6, s8  }
0x34: {  	[sflag:s2] =	ssyncset.done @!p0 $0x0;
	s8 =	sshrl.u32 s8, $0x3  }
0x35: {  	s19 =	simm.s32 $0x180;
	[sflag:s2] =	ssyncadd.s32 @!p0 $0xFFFFE000;
	s18 =	sadd.s32 s8, s12  }
0x36: {  	[tilespmem:s19], [sflag:$0x9] =	stream.linear.gather [hbm4b:s18+s3], $0x80, $0x38;
	[tilespmem:$0xC200] =	vst v63  }
0x37: {  	_ =	swait.ge [sflag:s22], $0x80  }
0x38: {  	[sflag:s22] =	ssyncset.done $0x0  }
0x39: {  	[sflag:s22] =	ssyncadd.s32 $0xFFFFFF80  }
0x3a: {  	[tilespmem:s30], [sflag:$0x4] =	stream.indirect.gather [hbm4b:s7+s23], $0x40, s19, s23, $0xb8;
	[tilespmem:$0xC200] =	vst v63  }
0x3b: {  	_ =	swait.ge [sflag:s10], $0x2000  }
0x3c: {  	[sflag:s10] =	ssyncset.done $0x0  }
0x3d: {  	s11 =	simm.s32 $0x300;
	[sflag:s10] =	ssyncadd.s32 $0xFFFFE000  }
0x3e: {  	s8 =	simm.s32 $0x8300;
	v0 =	vld [tilespmem:s11+$0xC0]  }
0x3f: {  	v1 =	vld [tilespmem:s8+$0xC0]  }
0x40: {  	v2 =	vld [tilespmem:s8+$0xFFFFFF00]  }
0x41: {  	v3 =	vld [tilespmem:s11+$0xFFFFFF40]  }
0x42: {  	v4 =	vld [tilespmem:s11+$0xFFFFFF80]  }
0x43: {  	v6 =	vld [tilespmem:s8+$0xFFFFFF80]  }
0x44: {  	v7 =	vld [tilespmem:s11+$0xFFFFFFC0]  }
0x45: {  	v8 =	vld [tilespmem:s8+$0xFFFFFFC0]  }
0x46: {  	v9 =	vld [tilespmem:s11+$0x0]  }
0x47: {  	v10 =	vld [tilespmem:s8+$0x0]  }
0x48: {  	v11 =	vld [tilespmem:s8+$0x40]  }
0x49: {  	v60 =	vld [tilespmem:s11+$0xFFFFFFD0]  }
0x4a: {  	v13 =	vld [tilespmem:s11+$0x10]  }
0x4b: {  	v61 =	vld [tilespmem:s11+$0xFFFFFFE0]  }
0x4c: {  	v62 =	vld [tilespmem:s11+$0x60];
	v0 =	vadd.f32 v1, v0  }
0x4d: {  	v1 =	vld [tilespmem:s8+$0xFFFFFF40]  }
0x4e: {  	[tilespmem:s11+$0xC0] =	vst v0;
	v0 =	vld [tilespmem:s11+$0xD0]  }
0x4f: {  	v5 =	vld [tilespmem:s8+$0xD0]  }
0x50: {  	v63 =	vld [tilespmem:s11+$0xFFFFFF30];
	v4 =	vadd.f32 v6, v4  }
0x51: {  	v6 =	vld [tilespmem:s8+$0x80]  }
0x52: {  	[tilespmem:s11+$0xFFFFFF80] =	vst v4;
	v4 =	vadd.f32 v10, v9;
	v10 =	vld [tilespmem:s11+$0xFFFFFF50];
	v1 =	vadd.f32 v1, v3  }
0x53: {  	v3 =	vld [tilespmem:s11+$0x80]  }
0x54: {  	[tilespmem:s11+$0xFFFFFF40] =	vst v1;
	v0 =	vadd.f32 v5, v0;
	v5 =	vld [tilespmem:s11+$0x40]  }
0x55: {  	v1 =	vadd.f32 v8, v7;
	v8 =	vld [tilespmem:s8+$0xFFFFFF50]  }
0x56: {  	[tilespmem:s11+$0xD0] =	vst v0;
	v0 =	vld [tilespmem:s11+$0xE0]  }
0x57: {  	[tilespmem:s11+$0x0] =	vst v4;
	v12 =	vld [tilespmem:s8+$0xE0]  }
0x58: {  	v9 =	vld [tilespmem:s8+$0x10]  }
0x59: {  	v7 =	vld [tilespmem:s11+$0xFFFFFF00]  }
0x5a: {  	[tilespmem:s11+$0xFFFFFFC0] =	vst v1;
	v1 =	vld [tilespmem:s8+$0xFFFFFF90]  }
0x5b: {  	v4 =	vld [tilespmem:s8+$0xFFFFFFD0];
	v8 =	vadd.f32 v8, v10  }
0x5c: {  	v5 =	vadd.f32 v11, v5;
	v11 =	vld [tilespmem:s11+$0xFFFFFF90];
	v0 =	vadd.f32 v12, v0  }
0x5d: {  	v10 =	vld [tilespmem:s11+$0x90];
	[tilespmem:s11+$0xFFFFFF50] =	vst v8  }
0x5e: {  	v8 =	vld [tilespmem:s8+$0xFFFFFF60];
	[tilespmem:s11+$0xE0] =	vst v0;
	v0 =	vadd.f32 v2, v7  }
0x5f: {  	[tilespmem:s11+$0x40] =	vst v5;
	v7 =	vld [tilespmem:s11+$0xF0];
	v2 =	vadd.f32 v6, v3  }
0x60: {  	v5 =	vld [tilespmem:s8+$0xF0];
	[tilespmem:s11+$0xFFFFFF00] =	vst v0  }
0x61: {  	v1 =	vadd.f32 v1, v11;
	[tilespmem:s11+$0x80] =	vst v2;
	v2 =	vld [tilespmem:s11+$0xFFFFFF10]  }
0x62: {  	v3 =	vld [tilespmem:s8+$0xFFFFFF10]  }
0x63: {  	[tilespmem:s11+$0xFFFFFF90] =	vst v1;
	v1 =	vadd.f32 v9, v13;
	v6 =	vld [tilespmem:s8+$0x90]  }
0x64: {  	v4 =	vadd.f32 v4, v60;
	v0 =	vld [tilespmem:s8+$0x50]  }
0x65: {  	v9 =	vld [tilespmem:s8+$0xFFFFFFA0];
	[tilespmem:s11+$0x10] =	vst v1  }
0x66: {  	[tilespmem:s11+$0xFFFFFFD0] =	vst v4;
	v4 =	vld [tilespmem:s8+$0x20]  }
0x67: {  	v2 =	vadd.f32 v3, v2;
	v3 =	vld [tilespmem:s11+$0x50]  }
0x68: {  	v1 =	vadd.f32 v6, v10;
	v10 =	vld [tilespmem:s11+$0xFFFFFFA0]  }
0x69: {  	[tilespmem:s11+$0xFFFFFF10] =	vst v2;
	v2 =	vld [tilespmem:s11+$0xFFFFFF20]  }
0x6a: {  	v11 =	vld [tilespmem:s8+$0xFFFFFF20]  }
0x6b: {  	v5 =	vadd.f32 v5, v7;
	[tilespmem:s11+$0x90] =	vst v1;
	v1 =	vld [tilespmem:s11+$0xFFFFFF60]  }
0x6c: {  	v7 =	vld [tilespmem:s11+$0x30]  }
0x6d: {  	[tilespmem:s11+$0xF0] =	vst v5;
	v5 =	vld [tilespmem:s11+$0x70]  }
0x6e: {  	v6 =	vld [tilespmem:s8+$0xA0]  }
0x6f: {  	v0 =	vadd.f32 v0, v3;
	v3 =	vld [tilespmem:s8+$0xFFFFFFE0];
	v2 =	vadd.f32 v11, v2  }
0x70: {  	v1 =	vadd.f32 v8, v1;
	v8 =	vadd.f32 v9, v10;
	v9 =	vld [tilespmem:s11+$0xFFFFFFB0]  }
0x71: {  	[tilespmem:s11+$0xFFFFFF20] =	vst v2;
	v2 =	vld [tilespmem:s11+$0xA0]  }
0x72: {  	[tilespmem:s11+$0x50] =	vst v0;
	v11 =	vld [tilespmem:s11+$0x20]  }
0x73: {  	v0 =	vld [tilespmem:s8+$0x60];
	[tilespmem:s11+$0xFFFFFF60] =	vst v1  }
0x74: {  	[tilespmem:s11+$0xFFFFFFA0] =	vst v8;
	v8 =	vld [tilespmem:s11+$0xFFFFFFF0]  }
0x75: {  	v1 =	vadd.f32 v3, v61;
	v14 =	vld [tilespmem:s8+$0xFFFFFF70]  }
0x76: {  	v10 =	vld [tilespmem:s8+$0xFFFFFF30];
	v6 =	vadd.f32 v6, v2  }
0x77: {  	[tilespmem:s11+$0xFFFFFFE0] =	vst v1;
	v3 =	vadd.f32 v4, v11;
	v4 =	vld [tilespmem:s8+$0xFFFFFFB0]  }
0x78: {  	v0 =	vadd.f32 v0, v62;
	[tilespmem:s11+$0xA0] =	vst v6;
	v6 =	vld [tilespmem:s11+$0xFFFFFF70]  }
0x79: {  	v1 =	vld [tilespmem:s8+$0xFFFFFFF0];
	[tilespmem:s11+$0x20] =	vst v3  }
0x7a: {  	[tilespmem:s11+$0x60] =	vst v0;
	v2 =	vld [tilespmem:s8+$0x30]  }
0x7b: {  	v3 =	vld [tilespmem:s8+$0x70];
	v10 =	vadd.f32 v10, v63  }
0x7c: {  	v0 =	vld [tilespmem:s8+$0xB0]  }
0x7d: {  	s14 =	simm.s32 $0x0;
	s2 =	simm.s32 $0x500;
	s18 =	sshll.u32 s15, $0x2;
	[tilespmem:s11+$0xFFFFFF30] =	vst v10;
	v10 =	vadd.f32 v14, v6;
	v6 =	vld [tilespmem:s11+$0xB0]  }
.LBB2_3:
0x7e: {  	v11 =	vld [tilespmem:s2+$0xC0];
	v4 =	vadd.f32 v4, v9;
	s8 =	sadd.s32 $0x200, s8  }
0x7f: {  	s14 =	sadd.s32 $0x8, s14;
	v9 =	vld [tilespmem:s8+$0xC0];
	[tilespmem:s11+$0xFFFFFF70] =	vst v10;
	v1 =	vadd.f32 v1, v8  }
0x80: {  	p0 =	slt.u32 s14, $0x78;
	v8 =	vld [tilespmem:s8+$0xFFFFFF00];
	[tilespmem:s11+$0xFFFFFFB0] =	vst v4;
	v2 =	vadd.f32 v2, v7  }
0x81: {  	v4 =	vld [tilespmem:s2+$0xFFFFFF40];
	[tilespmem:s11+$0xFFFFFFF0] =	vst v1;
	v1 =	vadd.f32 v3, v5  }
0x82: {  	v3 =	vld [tilespmem:s8+$0xFFFFFF40];
	[tilespmem:s11+$0x30] =	vst v2;
	v0 =	vadd.f32 v0, v6  }
0x83: {  	v2 =	vld [tilespmem:s2+$0xFFFFFF80];
	[tilespmem:s11+$0x70] =	vst v1  }
0x84: {  	v1 =	vld [tilespmem:s8+$0xFFFFFF80];
	v5 =	vadd.f32 v9, v11;
	[tilespmem:s11+$0xB0] =	vst v0;
	s11 =	smov.u32 s2  }
0x85: {  	v0 =	vld [tilespmem:s2+$0xFFFFFFC0]  }
0x86: {  	[tilespmem:s2+$0xC0] =	vst v5;
	v5 =	vld [tilespmem:s2+$0xD0]  }
0x87: {  	v3 =	vadd.f32 v3, v4;
	v4 =	vld [tilespmem:s8+$0xD0]  }
0x88: {  	v6 =	vld [tilespmem:s8+$0xFFFFFFC0]  }
0x89: {  	[tilespmem:s2+$0xFFFFFF40] =	vst v3;
	v1 =	vadd.f32 v1, v2;
	v2 =	vld [tilespmem:s2+$0x0]  }
0x8a: {  	v3 =	vld [tilespmem:s8+$0x0]  }
0x8b: {  	[tilespmem:s2+$0xFFFFFF80] =	vst v1;
	v1 =	vld [tilespmem:s2+$0x40]  }
0x8c: {  	v7 =	vld [tilespmem:s8+$0x40];
	v4 =	vadd.f32 v4, v5  }
0x8d: {  	v0 =	vadd.f32 v6, v0;
	v5 =	vld [tilespmem:s2+$0x80]  }
0x8e: {  	[tilespmem:s2+$0xD0] =	vst v4;
	v4 =	vld [tilespmem:s2+$0xE0]  }
0x8f: {  	[tilespmem:s2+$0xFFFFFFC0] =	vst v0;
	v0 =	vadd.f32 v3, v2;
	v2 =	vld [tilespmem:s8+$0xE0]  }
0x90: {  	v3 =	vld [tilespmem:s8+$0x80]  }
0x91: {  	v6 =	vld [tilespmem:s2+$0xFFFFFF00];
	[tilespmem:s2+$0x0] =	vst v0;
	v0 =	vadd.f32 v7, v1  }
0x92: {  	v1 =	vld [tilespmem:s8+$0xFFFFFF50]  }
0x93: {  	v7 =	vld [tilespmem:s8+$0xFFFFFF90];
	[tilespmem:s2+$0x40] =	vst v0  }
0x94: {  	v0 =	vld [tilespmem:s8+$0xFFFFFFD0];
	v2 =	vadd.f32 v2, v4  }
0x95: {  	v4 =	vld [tilespmem:s8+$0x10];
	v3 =	vadd.f32 v3, v5  }
0x96: {  	v5 =	vadd.f32 v8, v6;
	[tilespmem:s2+$0xE0] =	vst v2;
	v2 =	vld [tilespmem:s2+$0xF0]  }
0x97: {  	[tilespmem:s2+$0x80] =	vst v3;
	v3 =	vld [tilespmem:s8+$0xF0]  }
0x98: {  	[tilespmem:s2+$0xFFFFFF00] =	vst v5;
	v5 =	vld [tilespmem:s8+$0x50]  }
0x99: {  	v6 =	vld [tilespmem:s8+$0xFFFFFF10]  }
0x9a: {  	v8 =	vld [tilespmem:s8+$0x90]  }
0x9b: {  	v9 =	vld [tilespmem:s2+$0xFFFFFF10]  }
0x9c: {  	v10 =	vld [tilespmem:s2+$0xFFFFFF50];
	v2 =	vadd.f32 v3, v2  }
0x9d: {  	v3 =	vld [tilespmem:s2+$0xFFFFFF90]  }
0x9e: {  	v11 =	vld [tilespmem:s2+$0xFFFFFFD0];
	[tilespmem:s2+$0xF0] =	vst v2  }
0x9f: {  	v2 =	vld [tilespmem:s2+$0x10]  }
0xa0: {  	v6 =	vadd.f32 v6, v9;
	v9 =	vld [tilespmem:s2+$0x50]  }
0xa1: {  	v1 =	vadd.f32 v1, v10;
	v10 =	vld [tilespmem:s2+$0x90]  }
0xa2: {  	[tilespmem:s2+$0xFFFFFF10] =	vst v6;
	v6 =	vld [tilespmem:s2+$0xFFFFFF20];
	v3 =	vadd.f32 v7, v3  }
0xa3: {  	v7 =	vld [tilespmem:s8+$0xFFFFFF20];
	[tilespmem:s2+$0xFFFFFF50] =	vst v1;
	v0 =	vadd.f32 v0, v11  }
0xa4: {  	v1 =	vld [tilespmem:s8+$0xFFFFFF60];
	[tilespmem:s2+$0xFFFFFF90] =	vst v3;
	v2 =	vadd.f32 v4, v2  }
0xa5: {  	v3 =	vld [tilespmem:s8+$0xFFFFFFA0];
	[tilespmem:s2+$0xFFFFFFD0] =	vst v0;
	v0 =	vadd.f32 v5, v9  }
0xa6: {  	v4 =	vld [tilespmem:s8+$0xFFFFFFE0];
	[tilespmem:s2+$0x10] =	vst v2;
	v2 =	vadd.f32 v8, v10  }
0xa7: {  	v5 =	vld [tilespmem:s8+$0x20];
	[tilespmem:s2+$0x50] =	vst v0  }
0xa8: {  	v0 =	vadd.f32 v7, v6;
	v6 =	vld [tilespmem:s8+$0x60];
	[tilespmem:s2+$0x90] =	vst v2  }
0xa9: {  	v2 =	vld [tilespmem:s8+$0xA0]  }
0xaa: {  	[tilespmem:s2+$0xFFFFFF20] =	vst v0;
	v0 =	vld [tilespmem:s2+$0xFFFFFF60]  }
0xab: {  	v7 =	vld [tilespmem:s2+$0xFFFFFFA0]  }
0xac: {  	v8 =	vld [tilespmem:s2+$0xFFFFFFE0]  }
0xad: {  	v9 =	vld [tilespmem:s2+$0x20]  }
0xae: {  	v10 =	vld [tilespmem:s2+$0x60]  }
0xaf: {  	v0 =	vadd.f32 v1, v0;
	v11 =	vld [tilespmem:s2+$0xA0]  }
0xb0: {  	v12 =	vld [tilespmem:s8+$0xFFFFFF30];
	v1 =	vadd.f32 v3, v7  }
0xb1: {  	v3 =	vld [tilespmem:s2+$0xFFFFFF30];
	[tilespmem:s2+$0xFFFFFF60] =	vst v0;
	v0 =	vadd.f32 v4, v8  }
0xb2: {  	v13 =	vld [tilespmem:s8+$0xFFFFFF70];
	[tilespmem:s2+$0xFFFFFFA0] =	vst v1;
	v5 =	vadd.f32 v5, v9  }
0xb3: {  	v4 =	vld [tilespmem:s8+$0xFFFFFFB0];
	[tilespmem:s2+$0xFFFFFFE0] =	vst v0;
	v0 =	vadd.f32 v6, v10  }
0xb4: {  	v1 =	vld [tilespmem:s8+$0xFFFFFFF0];
	[tilespmem:s2+$0x20] =	vst v5;
	v5 =	vadd.f32 v2, v11  }
0xb5: {  	v2 =	vld [tilespmem:s8+$0x30];
	[tilespmem:s2+$0x60] =	vst v0  }
0xb6: {  	v6 =	vadd.f32 v12, v3;
	v3 =	vld [tilespmem:s8+$0x70];
	[tilespmem:s2+$0xA0] =	vst v5  }
0xb7: {  	v0 =	vld [tilespmem:s8+$0xB0]  }
0xb8: {  	[tilespmem:s2+$0xFFFFFF30] =	vst v6;
	v6 =	vld [tilespmem:s2+$0xFFFFFF70]  }
.Ltmp0:
0xb9: {  	v9 =	vld [tilespmem:s2+$0xFFFFFFB0];
	(pc) =	sbr.rel @p0 .LBB2_3-.Ltmp0, $4  }
0xba: {  	v8 =	vld [tilespmem:s2+$0xFFFFFFF0]  }
0xbb: {  	v7 =	vld [tilespmem:s2+$0x30]  }
0xbc: {  	v5 =	vld [tilespmem:s2+$0x70]  }
0xbd: {  	s2 =	sadd.s32 $0x200, s2;
	v10 =	vadd.f32 v13, v6;
	v6 =	vld [tilespmem:s11+$0xB0]  }
0xbe: {  	v4 =	vadd.f32 v4, v9  }
0xbf: {  	[tilespmem:s11+$0xFFFFFF70] =	vst v10;
	v1 =	vadd.f32 v1, v8  }
0xc0: {  	[tilespmem:s11+$0xFFFFFFB0] =	vst v4;
	v2 =	vadd.f32 v2, v7  }
0xc1: {  	s19 =	sshll.u32 s15, $0xF;
	[tilespmem:s11+$0xFFFFFFF0] =	vst v1;
	v1 =	vadd.f32 v3, v5  }
0xc2: {  	s2 =	sadd.s32 s19, s29;
	[tilespmem:s11+$0x30] =	vst v2;
	v0 =	vadd.f32 v0, v6  }
0xc3: {  	s8 =	sshrl.u32 s2, $0x3;
	[tilespmem:s11+$0x70] =	vst v1  }
0xc4: {  	s14 =	sshrl.u32 s18, $0x1;
	s2 =	sadd.s32 s28, s8;
	[tilespmem:s11+$0xB0] =	vst v0  }
0xc5: {  	[hbm4b:s2+s3] =	stream.linear.scatter [tilespmem:s24], [sflag:$0x5], $0x2000, $0x38;
	[tilespmem:$0xC200] =	vst v63  }
0xc6: {  	s2 =	sadd.s32 s4, s14  }
0xc7: {  	s2 =	sshll.u32 s2, $0x8  }
0xc8: {  	s2 =	sadd.s32 s6, s2  }
0xc9: {  	_ =	swait.ge [sflag:s31], $0x2000;
	s2 =	sadd.s32 $0x200, s2  }
0xca: {  	[sflag:s31] =	ssyncset.done $0x0;
	s11 =	sshrl.u32 s2, $0x3  }
0xcb: {  	[sflag:s31] =	ssyncadd.s32 $0xFFFFE000;
	s2 =	sadd.s32 s5, s11  }
0xcc: {  	[tilespmem:s3], [sflag:$0x9] =	stream.linear.gather [hbm4b:s2+s3], $0x80, $0x38;
	[tilespmem:$0xC200] =	vst v63  }
0xcd: {  	_ =	swait.ge [sflag:s22], $0x80  }
0xce: {  	[sflag:s22] =	ssyncset.done $0x0  }
0xcf: {  	[sflag:s22] =	ssyncadd.s32 $0xFFFFFF80  }
0xd0: {  	[tilespmem:s24], [sflag:$0x1] =	stream.indirect.gather [hbm4b:s7+s23], $0x40, s3, s23, $0xb8;
	[tilespmem:$0xC200] =	vst v63  }
0xd1: {  	_ =	swait.ge [sflag:s1], $0x2000  }
0xd2: {  	[sflag:s1] =	ssyncset.done $0x0  }
0xd3: {  	s14 =	simm.s32 $0x23F0;
	[sflag:s1] =	ssyncadd.s32 $0xFFFFE000  }
0xd4: {  	s13 =	smov.u32 s28;
	s28 =	simm.s32 $0xA3F0;
	v0 =	vld [tilespmem:s14+$0xFFFFFFD0]  }
0xd5: {  	v1 =	vld [tilespmem:s28+$0xFFFFFFD0]  }
0xd6: {  	v2 =	vld [tilespmem:s28+$0xFFFFFE10]  }
0xd7: {  	v3 =	vld [tilespmem:s14+$0xFFFFFE50]  }
0xd8: {  	v4 =	vld [tilespmem:s14+$0xFFFFFE90]  }
0xd9: {  	v6 =	vld [tilespmem:s28+$0xFFFFFE90]  }
0xda: {  	v7 =	vld [tilespmem:s14+$0xFFFFFED0]  }
0xdb: {  	v8 =	vld [tilespmem:s28+$0xFFFFFED0]  }
0xdc: {  	v9 =	vld [tilespmem:s14+$0xFFFFFF10]  }
0xdd: {  	v10 =	vld [tilespmem:s28+$0xFFFFFF10]  }
0xde: {  	v11 =	vld [tilespmem:s28+$0xFFFFFF50]  }
0xdf: {  	v60 =	vld [tilespmem:s14+$0xFFFFFEE0]  }
0xe0: {  	v13 =	vld [tilespmem:s14+$0xFFFFFF20]  }
0xe1: {  	v61 =	vld [tilespmem:s14+$0xFFFFFEF0]  }
0xe2: {  	v62 =	vld [tilespmem:s14+$0xFFFFFF70];
	v0 =	vadd.f32 v1, v0  }
0xe3: {  	v1 =	vld [tilespmem:s28+$0xFFFFFE50]  }
0xe4: {  	[tilespmem:s14+$0xFFFFFFD0] =	vst v0;
	v0 =	vld [tilespmem:s14+$0xFFFFFFE0]  }
0xe5: {  	v5 =	vld [tilespmem:s28+$0xFFFFFFE0]  }
0xe6: {  	v63 =	vld [tilespmem:s14+$0xFFFFFE40];
	v4 =	vadd.f32 v6, v4  }
0xe7: {  	v6 =	vld [tilespmem:s28+$0xFFFFFF90]  }
0xe8: {  	[tilespmem:s14+$0xFFFFFE90] =	vst v4;
	v4 =	vadd.f32 v10, v9;
	v10 =	vld [tilespmem:s14+$0xFFFFFE60];
	v1 =	vadd.f32 v1, v3  }
0xe9: {  	v3 =	vld [tilespmem:s14+$0xFFFFFF90]  }
0xea: {  	[tilespmem:s14+$0xFFFFFE50] =	vst v1;
	v0 =	vadd.f32 v5, v0;
	v5 =	vld [tilespmem:s14+$0xFFFFFF50]  }
0xeb: {  	v1 =	vadd.f32 v8, v7;
	v8 =	vld [tilespmem:s28+$0xFFFFFE60]  }
0xec: {  	[tilespmem:s14+$0xFFFFFFE0] =	vst v0;
	v0 =	vld [tilespmem:s14+$0xFFFFFFF0]  }
0xed: {  	[tilespmem:s14+$0xFFFFFF10] =	vst v4;
	v12 =	vld [tilespmem:s28+$0xFFFFFFF0]  }
0xee: {  	v9 =	vld [tilespmem:s28+$0xFFFFFF20]  }
0xef: {  	v7 =	vld [tilespmem:s14+$0xFFFFFE10]  }
0xf0: {  	[tilespmem:s14+$0xFFFFFED0] =	vst v1;
	v1 =	vld [tilespmem:s28+$0xFFFFFEA0]  }
0xf1: {  	v4 =	vld [tilespmem:s28+$0xFFFFFEE0];
	v8 =	vadd.f32 v8, v10  }
0xf2: {  	v5 =	vadd.f32 v11, v5;
	v11 =	vld [tilespmem:s14+$0xFFFFFEA0];
	v0 =	vadd.f32 v12, v0  }
0xf3: {  	v10 =	vld [tilespmem:s14+$0xFFFFFFA0];
	[tilespmem:s14+$0xFFFFFE60] =	vst v8  }
0xf4: {  	v8 =	vld [tilespmem:s28+$0xFFFFFE70];
	[tilespmem:s14+$0xFFFFFFF0] =	vst v0;
	v0 =	vadd.f32 v2, v7  }
0xf5: {  	[tilespmem:s14+$0xFFFFFF50] =	vst v5;
	v7 =	vld [tilespmem:s14+$0x0];
	v2 =	vadd.f32 v6, v3  }
0xf6: {  	v5 =	vld [tilespmem:s28+$0x0];
	[tilespmem:s14+$0xFFFFFE10] =	vst v0  }
0xf7: {  	v1 =	vadd.f32 v1, v11;
	[tilespmem:s14+$0xFFFFFF90] =	vst v2;
	v2 =	vld [tilespmem:s14+$0xFFFFFE20]  }
0xf8: {  	v3 =	vld [tilespmem:s28+$0xFFFFFE20]  }
0xf9: {  	[tilespmem:s14+$0xFFFFFEA0] =	vst v1;
	v1 =	vadd.f32 v9, v13;
	v6 =	vld [tilespmem:s28+$0xFFFFFFA0]  }
0xfa: {  	v4 =	vadd.f32 v4, v60;
	v0 =	vld [tilespmem:s28+$0xFFFFFF60]  }
0xfb: {  	v9 =	vld [tilespmem:s28+$0xFFFFFEB0];
	[tilespmem:s14+$0xFFFFFF20] =	vst v1  }
0xfc: {  	[tilespmem:s14+$0xFFFFFEE0] =	vst v4;
	v4 =	vld [tilespmem:s28+$0xFFFFFF30]  }
0xfd: {  	v2 =	vadd.f32 v3, v2;
	v3 =	vld [tilespmem:s14+$0xFFFFFF60]  }
0xfe: {  	v1 =	vadd.f32 v6, v10;
	v10 =	vld [tilespmem:s14+$0xFFFFFEB0]  }
0xff: {  	[tilespmem:s14+$0xFFFFFE20] =	vst v2;
	v2 =	vld [tilespmem:s14+$0xFFFFFE30]  }
0x100: {  	v11 =	vld [tilespmem:s28+$0xFFFFFE30]  }
0x101: {  	v5 =	vadd.f32 v5, v7;
	[tilespmem:s14+$0xFFFFFFA0] =	vst v1;
	v1 =	vld [tilespmem:s14+$0xFFFFFE70]  }
0x102: {  	v7 =	vld [tilespmem:s14+$0xFFFFFF40]  }
0x103: {  	[tilespmem:s14+$0x0] =	vst v5;
	v5 =	vld [tilespmem:s14+$0xFFFFFF80]  }
0x104: {  	v6 =	vld [tilespmem:s28+$0xFFFFFFB0]  }
0x105: {  	v0 =	vadd.f32 v0, v3;
	v3 =	vld [tilespmem:s28+$0xFFFFFEF0];
	v2 =	vadd.f32 v11, v2  }
0x106: {  	v1 =	vadd.f32 v8, v1;
	v8 =	vadd.f32 v9, v10;
	v9 =	vld [tilespmem:s14+$0xFFFFFEC0]  }
0x107: {  	[tilespmem:s14+$0xFFFFFE30] =	vst v2;
	v2 =	vld [tilespmem:s14+$0xFFFFFFB0]  }
0x108: {  	[tilespmem:s14+$0xFFFFFF60] =	vst v0;
	v11 =	vld [tilespmem:s14+$0xFFFFFF30]  }
0x109: {  	v0 =	vld [tilespmem:s28+$0xFFFFFF70];
	[tilespmem:s14+$0xFFFFFE70] =	vst v1  }
0x10a: {  	[tilespmem:s14+$0xFFFFFEB0] =	vst v8;
	v8 =	vld [tilespmem:s14+$0xFFFFFF00]  }
0x10b: {  	v1 =	vadd.f32 v3, v61;
	v14 =	vld [tilespmem:s28+$0xFFFFFE80]  }
0x10c: {  	v10 =	vld [tilespmem:s28+$0xFFFFFE40];
	v6 =	vadd.f32 v6, v2  }
0x10d: {  	[tilespmem:s14+$0xFFFFFEF0] =	vst v1;
	v3 =	vadd.f32 v4, v11;
	v4 =	vld [tilespmem:s28+$0xFFFFFEC0]  }
0x10e: {  	v0 =	vadd.f32 v0, v62;
	[tilespmem:s14+$0xFFFFFFB0] =	vst v6;
	v6 =	vld [tilespmem:s14+$0xFFFFFE80]  }
0x10f: {  	v1 =	vld [tilespmem:s28+$0xFFFFFF00];
	[tilespmem:s14+$0xFFFFFF30] =	vst v3  }
0x110: {  	[tilespmem:s14+$0xFFFFFF70] =	vst v0;
	v2 =	vld [tilespmem:s28+$0xFFFFFF40]  }
0x111: {  	v3 =	vld [tilespmem:s28+$0xFFFFFF80];
	v10 =	vadd.f32 v10, v63  }
0x112: {  	v0 =	vld [tilespmem:s28+$0xFFFFFFC0]  }
0x113: {  	s9 =	simm.s32 $0x25F0;
	s2 =	simm.s32 $0x0;
	[tilespmem:s14+$0xFFFFFE40] =	vst v10;
	v10 =	vadd.f32 v14, v6;
	v6 =	vld [tilespmem:s14+$0xFFFFFFC0]  }
.LBB2_5:
0x114: {  	v11 =	vld [tilespmem:s9+$0xFFFFFFD0];
	v4 =	vadd.f32 v4, v9;
	s28 =	sadd.s32 $0x200, s28  }
0x115: {  	s2 =	sadd.s32 $0x8, s2;
	v9 =	vld [tilespmem:s28+$0xFFFFFFD0];
	[tilespmem:s14+$0xFFFFFE80] =	vst v10;
	v1 =	vadd.f32 v1, v8  }
0x116: {  	p0 =	slt.u32 s2, $0x78;
	v8 =	vld [tilespmem:s28+$0xFFFFFE10];
	[tilespmem:s14+$0xFFFFFEC0] =	vst v4;
	v2 =	vadd.f32 v2, v7  }
0x117: {  	v4 =	vld [tilespmem:s9+$0xFFFFFE50];
	[tilespmem:s14+$0xFFFFFF00] =	vst v1;
	v1 =	vadd.f32 v3, v5  }
0x118: {  	v3 =	vld [tilespmem:s28+$0xFFFFFE50];
	[tilespmem:s14+$0xFFFFFF40] =	vst v2;
	v0 =	vadd.f32 v0, v6  }
0x119: {  	v2 =	vld [tilespmem:s9+$0xFFFFFE90];
	[tilespmem:s14+$0xFFFFFF80] =	vst v1  }
0x11a: {  	v1 =	vld [tilespmem:s28+$0xFFFFFE90];
	v5 =	vadd.f32 v9, v11;
	[tilespmem:s14+$0xFFFFFFC0] =	vst v0;
	s14 =	smov.u32 s9  }
0x11b: {  	v0 =	vld [tilespmem:s9+$0xFFFFFED0]  }
0x11c: {  	[tilespmem:s9+$0xFFFFFFD0] =	vst v5;
	v5 =	vld [tilespmem:s9+$0xFFFFFFE0]  }
0x11d: {  	v3 =	vadd.f32 v3, v4;
	v4 =	vld [tilespmem:s28+$0xFFFFFFE0]  }
0x11e: {  	v6 =	vld [tilespmem:s28+$0xFFFFFED0]  }
0x11f: {  	[tilespmem:s9+$0xFFFFFE50] =	vst v3;
	v1 =	vadd.f32 v1, v2;
	v2 =	vld [tilespmem:s9+$0xFFFFFF10]  }
0x120: {  	v3 =	vld [tilespmem:s28+$0xFFFFFF10]  }
0x121: {  	[tilespmem:s9+$0xFFFFFE90] =	vst v1;
	v1 =	vld [tilespmem:s9+$0xFFFFFF50]  }
0x122: {  	v7 =	vld [tilespmem:s28+$0xFFFFFF50];
	v4 =	vadd.f32 v4, v5  }
0x123: {  	v0 =	vadd.f32 v6, v0;
	v5 =	vld [tilespmem:s9+$0xFFFFFF90]  }
0x124: {  	[tilespmem:s9+$0xFFFFFFE0] =	vst v4;
	v4 =	vld [tilespmem:s9+$0xFFFFFFF0]  }
0x125: {  	[tilespmem:s9+$0xFFFFFED0] =	vst v0;
	v0 =	vadd.f32 v3, v2;
	v2 =	vld [tilespmem:s28+$0xFFFFFFF0]  }
0x126: {  	v3 =	vld [tilespmem:s28+$0xFFFFFF90]  }
0x127: {  	v6 =	vld [tilespmem:s9+$0xFFFFFE10];
	[tilespmem:s9+$0xFFFFFF10] =	vst v0;
	v0 =	vadd.f32 v7, v1  }
0x128: {  	v1 =	vld [tilespmem:s28+$0xFFFFFE60]  }
0x129: {  	v7 =	vld [tilespmem:s28+$0xFFFFFEA0];
	[tilespmem:s9+$0xFFFFFF50] =	vst v0  }
0x12a: {  	v0 =	vld [tilespmem:s28+$0xFFFFFEE0];
	v2 =	vadd.f32 v2, v4  }
0x12b: {  	v4 =	vld [tilespmem:s28+$0xFFFFFF20];
	v3 =	vadd.f32 v3, v5  }
0x12c: {  	v5 =	vadd.f32 v8, v6;
	[tilespmem:s9+$0xFFFFFFF0] =	vst v2;
	v2 =	vld [tilespmem:s9+$0x0]  }
0x12d: {  	[tilespmem:s9+$0xFFFFFF90] =	vst v3;
	v3 =	vld [tilespmem:s28+$0x0]  }
0x12e: {  	[tilespmem:s9+$0xFFFFFE10] =	vst v5;
	v5 =	vld [tilespmem:s28+$0xFFFFFF60]  }
0x12f: {  	v6 =	vld [tilespmem:s28+$0xFFFFFE20]  }
0x130: {  	v8 =	vld [tilespmem:s28+$0xFFFFFFA0]  }
0x131: {  	v9 =	vld [tilespmem:s9+$0xFFFFFE20]  }
0x132: {  	v10 =	vld [tilespmem:s9+$0xFFFFFE60];
	v2 =	vadd.f32 v3, v2  }
0x133: {  	v3 =	vld [tilespmem:s9+$0xFFFFFEA0]  }
0x134: {  	v11 =	vld [tilespmem:s9+$0xFFFFFEE0];
	[tilespmem:s9+$0x0] =	vst v2  }
0x135: {  	v2 =	vld [tilespmem:s9+$0xFFFFFF20]  }
0x136: {  	v6 =	vadd.f32 v6, v9;
	v9 =	vld [tilespmem:s9+$0xFFFFFF60]  }
0x137: {  	v1 =	vadd.f32 v1, v10;
	v10 =	vld [tilespmem:s9+$0xFFFFFFA0]  }
0x138: {  	[tilespmem:s9+$0xFFFFFE20] =	vst v6;
	v6 =	vld [tilespmem:s9+$0xFFFFFE30];
	v3 =	vadd.f32 v7, v3  }
0x139: {  	v7 =	vld [tilespmem:s28+$0xFFFFFE30];
	[tilespmem:s9+$0xFFFFFE60] =	vst v1;
	v0 =	vadd.f32 v0, v11  }
0x13a: {  	v1 =	vld [tilespmem:s28+$0xFFFFFE70];
	[tilespmem:s9+$0xFFFFFEA0] =	vst v3;
	v2 =	vadd.f32 v4, v2  }
0x13b: {  	v3 =	vld [tilespmem:s28+$0xFFFFFEB0];
	[tilespmem:s9+$0xFFFFFEE0] =	vst v0;
	v0 =	vadd.f32 v5, v9  }
0x13c: {  	v4 =	vld [tilespmem:s28+$0xFFFFFEF0];
	[tilespmem:s9+$0xFFFFFF20] =	vst v2;
	v2 =	vadd.f32 v8, v10  }
0x13d: {  	v5 =	vld [tilespmem:s28+$0xFFFFFF30];
	[tilespmem:s9+$0xFFFFFF60] =	vst v0  }
0x13e: {  	v0 =	vadd.f32 v7, v6;
	v6 =	vld [tilespmem:s28+$0xFFFFFF70];
	[tilespmem:s9+$0xFFFFFFA0] =	vst v2  }
0x13f: {  	v2 =	vld [tilespmem:s28+$0xFFFFFFB0]  }
0x140: {  	[tilespmem:s9+$0xFFFFFE30] =	vst v0;
	v0 =	vld [tilespmem:s9+$0xFFFFFE70]  }
0x141: {  	v7 =	vld [tilespmem:s9+$0xFFFFFEB0]  }
0x142: {  	v8 =	vld [tilespmem:s9+$0xFFFFFEF0]  }
0x143: {  	v9 =	vld [tilespmem:s9+$0xFFFFFF30]  }
0x144: {  	v10 =	vld [tilespmem:s9+$0xFFFFFF70]  }
0x145: {  	v0 =	vadd.f32 v1, v0;
	v11 =	vld [tilespmem:s9+$0xFFFFFFB0]  }
0x146: {  	v12 =	vld [tilespmem:s28+$0xFFFFFE40];
	v1 =	vadd.f32 v3, v7  }
0x147: {  	v3 =	vld [tilespmem:s9+$0xFFFFFE40];
	[tilespmem:s9+$0xFFFFFE70] =	vst v0;
	v0 =	vadd.f32 v4, v8  }
0x148: {  	v13 =	vld [tilespmem:s28+$0xFFFFFE80];
	[tilespmem:s9+$0xFFFFFEB0] =	vst v1;
	v5 =	vadd.f32 v5, v9  }
0x149: {  	v4 =	vld [tilespmem:s28+$0xFFFFFEC0];
	[tilespmem:s9+$0xFFFFFEF0] =	vst v0;
	v0 =	vadd.f32 v6, v10  }
0x14a: {  	v1 =	vld [tilespmem:s28+$0xFFFFFF00];
	[tilespmem:s9+$0xFFFFFF30] =	vst v5;
	v5 =	vadd.f32 v2, v11  }
0x14b: {  	v2 =	vld [tilespmem:s28+$0xFFFFFF40];
	[tilespmem:s9+$0xFFFFFF70] =	vst v0  }
0x14c: {  	v6 =	vadd.f32 v12, v3;
	v3 =	vld [tilespmem:s28+$0xFFFFFF80];
	[tilespmem:s9+$0xFFFFFFB0] =	vst v5  }
0x14d: {  	v0 =	vld [tilespmem:s28+$0xFFFFFFC0]  }
0x14e: {  	[tilespmem:s9+$0xFFFFFE40] =	vst v6;
	v6 =	vld [tilespmem:s9+$0xFFFFFE80]  }
.Ltmp1:
0x14f: {  	v9 =	vld [tilespmem:s9+$0xFFFFFEC0];
	(pc) =	sbr.rel @p0 .LBB2_5-.Ltmp1, $4  }
0x150: {  	v8 =	vld [tilespmem:s9+$0xFFFFFF00]  }
0x151: {  	v7 =	vld [tilespmem:s9+$0xFFFFFF40]  }
0x152: {  	v5 =	vld [tilespmem:s9+$0xFFFFFF80]  }
0x153: {  	s9 =	sadd.s32 $0x200, s9;
	v10 =	vadd.f32 v13, v6;
	v6 =	vld [tilespmem:s14+$0xFFFFFFC0]  }
0x154: {  	v4 =	vadd.f32 v4, v9  }
0x155: {  	[tilespmem:s14+$0xFFFFFE80] =	vst v10;
	v1 =	vadd.f32 v1, v8  }
0x156: {  	[tilespmem:s14+$0xFFFFFEC0] =	vst v4;
	v2 =	vadd.f32 v2, v7  }
0x157: {  	[tilespmem:s14+$0xFFFFFF00] =	vst v1;
	v1 =	vadd.f32 v3, v5  }
0x158: {  	[tilespmem:s14+$0xFFFFFF40] =	vst v2;
	v0 =	vadd.f32 v0, v6  }
0x159: {  	[tilespmem:s14+$0xFFFFFF80] =	vst v1  }
0x15a: {  	s2 =	sadd.s32 s8, s16;
	[tilespmem:s14+$0xFFFFFFC0] =	vst v0;
	s14 =	simm.s32 $0x0  }
0x15b: {  	[hbm4b:s2+s14] =	stream.linear.scatter [tilespmem:s25], [sflag:$0x6], $0x2000, $0x38;
	[tilespmem:$0xC200] =	vst v63  }
0x15c: {  	_ =	swait.ge [sflag:s0], $0x2000  }
0x15d: {  	[sflag:s0] =	ssyncset.done $0x0  }
0x15e: {  	s28 =	sadd.s32 s11, s12;
	[sflag:s0] =	ssyncadd.s32 $0xFFFFE000  }
0x15f: {  	[tilespmem:s23], [sflag:$0x9] =	stream.linear.gather [hbm4b:s28+s14], $0x80, $0x38;
	[tilespmem:$0xC200] =	vst v63  }
0x160: {  	_ =	swait.ge [sflag:s22], $0x80  }
0x161: {  	[sflag:s22] =	ssyncset.done $0x0  }
0x162: {  	[sflag:s22] =	ssyncadd.s32 $0xFFFFFF80  }
0x163: {  	[tilespmem:s25], [sflag:$0x2] =	stream.indirect.gather [hbm4b:s7+s23], $0x40, s23, s23, $0xb8;
	[tilespmem:$0xC200] =	vst v63  }
0x164: {  	_ =	swait.ge [sflag:s21], $0x2000  }
0x165: {  	[sflag:s21] =	ssyncset.done $0x0  }
0x166: {  	s8 =	simm.s32 $0x0;
	[sflag:s21] =	ssyncadd.s32 $0xFFFFE000  }
0x167: {  	v0 =	vld [tilespmem:s8+$0x43F0]  }
0x168: {  	v1 =	vld [tilespmem:s8+$0x83F0]  }
0x169: {  	v2 =	vld [tilespmem:s8+$0x4200]  }
0x16a: {  	v3 =	vld [tilespmem:s8+$0x8200]  }
0x16b: {  	v4 =	vld [tilespmem:s8+$0x4210]  }
0x16c: {  	v5 =	vld [tilespmem:s8+$0x8210]  }
0x16d: {  	v6 =	vld [tilespmem:s8+$0x4220]  }
0x16e: {  	v7 =	vld [tilespmem:s8+$0x8220]  }
0x16f: {  	v48 =	vld [tilespmem:s8+$0x4230]  }
0x170: {  	v49 =	vld [tilespmem:s8+$0x8230]  }
0x171: {  	v50 =	vld [tilespmem:s8+$0x4240]  }
0x172: {  	v11 =	vld [tilespmem:s8+$0x8240]  }
0x173: {  	v12 =	vld [tilespmem:s8+$0x4250]  }
0x174: {  	v13 =	vld [tilespmem:s8+$0x8250]  }
0x175: {  	v14 =	vld [tilespmem:s8+$0x4260]  }
0x176: {  	v15 =	vld [tilespmem:s8+$0x8260]  }
0x177: {  	v16 =	vld [tilespmem:s8+$0x4270]  }
0x178: {  	v17 =	vld [tilespmem:s8+$0x8270]  }
0x179: {  	v18 =	vld [tilespmem:s8+$0x4280]  }
0x17a: {  	v19 =	vld [tilespmem:s8+$0x8280]  }
0x17b: {  	v20 =	vld [tilespmem:s8+$0x4290]  }
0x17c: {  	v21 =	vld [tilespmem:s8+$0x8290]  }
0x17d: {  	v22 =	vld [tilespmem:s8+$0x42A0]  }
0x17e: {  	v23 =	vld [tilespmem:s8+$0x82A0]  }
0x17f: {  	v24 =	vld [tilespmem:s8+$0x42B0]  }
0x180: {  	v25 =	vld [tilespmem:s8+$0x82B0]  }
0x181: {  	v26 =	vld [tilespmem:s8+$0x42C0]  }
0x182: {  	v27 =	vld [tilespmem:s8+$0x82C0]  }
0x183: {  	v28 =	vld [tilespmem:s8+$0x42D0]  }
0x184: {  	v29 =	vld [tilespmem:s8+$0x82D0]  }
0x185: {  	v30 =	vld [tilespmem:s8+$0x42E0]  }
0x186: {  	v31 =	vld [tilespmem:s8+$0x82E0]  }
0x187: {  	v32 =	vld [tilespmem:s8+$0x42F0]  }
0x188: {  	v51 =	vld [tilespmem:s8+$0x8320];
	v0 =	vadd.f32 v1, v0  }
0x189: {  	v52 =	vld [tilespmem:s8+$0x4330];
	v2 =	vadd.f32 v3, v2  }
0x18a: {  	v53 =	vld [tilespmem:s8+$0x8330];
	[tilespmem:s8+$0x43F0] =	vst v0;
	v0 =	vadd.f32 v5, v4  }
0x18b: {  	v54 =	vld [tilespmem:s8+$0x4340];
	[tilespmem:s8+$0x4200] =	vst v2;
	v2 =	vadd.f32 v7, v6  }
0x18c: {  	v55 =	vld [tilespmem:s8+$0x8340];
	[tilespmem:s8+$0x4210] =	vst v0;
	v0 =	vadd.f32 v49, v48  }
0x18d: {  	v56 =	vld [tilespmem:s8+$0x4350];
	[tilespmem:s8+$0x4220] =	vst v2;
	v2 =	vadd.f32 v11, v50  }
0x18e: {  	v57 =	vld [tilespmem:s8+$0x8350];
	[tilespmem:s8+$0x4230] =	vst v0;
	v0 =	vadd.f32 v13, v12  }
0x18f: {  	v58 =	vld [tilespmem:s8+$0x4360];
	[tilespmem:s8+$0x4240] =	vst v2;
	v2 =	vadd.f32 v15, v14  }
0x190: {  	v59 =	vld [tilespmem:s8+$0x8360];
	[tilespmem:s8+$0x4250] =	vst v0;
	v0 =	vadd.f32 v17, v16  }
0x191: {  	v1 =	vld [tilespmem:s8+$0x82F0];
	[tilespmem:s8+$0x4260] =	vst v2;
	v2 =	vadd.f32 v19, v18  }
0x192: {  	v3 =	vld [tilespmem:s8+$0x4300];
	[tilespmem:s8+$0x4270] =	vst v0;
	v0 =	vadd.f32 v21, v20  }
0x193: {  	v4 =	vld [tilespmem:s8+$0x8300];
	[tilespmem:s8+$0x4280] =	vst v2;
	v2 =	vadd.f32 v23, v22  }
0x194: {  	v5 =	vld [tilespmem:s8+$0x4310];
	[tilespmem:s8+$0x4290] =	vst v0;
	v0 =	vadd.f32 v25, v24  }
0x195: {  	v6 =	vld [tilespmem:s8+$0x8310];
	[tilespmem:s8+$0x42A0] =	vst v2;
	v2 =	vadd.f32 v27, v26  }
0x196: {  	v7 =	vld [tilespmem:s8+$0x4320];
	[tilespmem:s8+$0x42B0] =	vst v0;
	v0 =	vadd.f32 v29, v28  }
0x197: {  	v60 =	vld [tilespmem:s8+$0x4370];
	[tilespmem:s8+$0x42C0] =	vst v2;
	v2 =	vadd.f32 v31, v30  }
0x198: {  	v61 =	vld [tilespmem:s8+$0x83A0];
	[tilespmem:s8+$0x42D0] =	vst v0;
	v0 =	vadd.f32 v1, v32  }
0x199: {  	v1 =	vld [tilespmem:s8+$0x8370];
	[tilespmem:s8+$0x42E0] =	vst v2;
	v2 =	vadd.f32 v4, v3  }
0x19a: {  	v3 =	vld [tilespmem:s8+$0x4380];
	[tilespmem:s8+$0x42F0] =	vst v0;
	v0 =	vadd.f32 v6, v5  }
0x19b: {  	v4 =	vld [tilespmem:s8+$0x8380];
	[tilespmem:s8+$0x4300] =	vst v2;
	v2 =	vadd.f32 v51, v7  }
0x19c: {  	v5 =	vld [tilespmem:s8+$0x4390];
	[tilespmem:s8+$0x4310] =	vst v0;
	v0 =	vadd.f32 v53, v52  }
0x19d: {  	v6 =	vld [tilespmem:s8+$0x8390];
	[tilespmem:s8+$0x4320] =	vst v2;
	v2 =	vadd.f32 v55, v54  }
0x19e: {  	v7 =	vld [tilespmem:s8+$0x43A0];
	v1 =	vadd.f32 v1, v60;
	[tilespmem:s8+$0x4330] =	vst v0  }
0x19f: {  	v62 =	vld [tilespmem:s8+$0x43B0];
	v0 =	vadd.f32 v57, v56;
	[tilespmem:s8+$0x4340] =	vst v2  }
0x1a0: {  	v63 =	vld [tilespmem:s8+$0x83B0];
	v2 =	vadd.f32 v59, v58;
	[tilespmem:s8+$0x4370] =	vst v1  }
0x1a1: {  	v3 =	vadd.f32 v4, v3;
	[tilespmem:s8+$0x4350] =	vst v0;
	v0 =	vld [tilespmem:s8+$0x43C0]  }
0x1a2: {  	v4 =	vadd.f32 v6, v5;
	[tilespmem:s8+$0x4360] =	vst v2;
	v2 =	vld [tilespmem:s8+$0x83C0]  }
0x1a3: {  	[tilespmem:s8+$0x4380] =	vst v3;
	v5 =	vadd.f32 v61, v7;
	v1 =	vld [tilespmem:s8+$0x43D0]  }
0x1a4: {  	v3 =	vld [tilespmem:s8+$0x83D0];
	[tilespmem:s8+$0x4390] =	vst v4  }
0x1a5: {  	s9 =	simm.s32 $0x800;
	s2 =	simm.s32 $0x0;
	[tilespmem:s8+$0x43A0] =	vst v5;
	v5 =	vadd.f32 v63, v62;
	v4 =	vld [tilespmem:s8+$0x43E0]  }
.LBB2_7:
0x1a6: {  	s11 =	sshra.s32 s9, $0x2;
	v6 =	vld [tilespmem:s8+$0x83E0]  }
0x1a7: {  	s2 =	sadd.s32 $0x8, s2;
	v7 =	vld [tilespmem:s11+$0x43F0];
	[tilespmem:s8+$0x43B0] =	vst v5;
	v0 =	vadd.f32 v2, v0  }
0x1a8: {  	p0 =	slt.u32 s2, $0x78;
	v2 =	vld [tilespmem:s11+$0x83F0]  }
0x1a9: {  	v5 =	vld [tilespmem:s11+$0x4200];
	[tilespmem:s8+$0x43C0] =	vst v0;
	v0 =	vadd.f32 v3, v1  }
0x1aa: {  	v1 =	vld [tilespmem:s11+$0x8200]  }
0x1ab: {  	v3 =	vld [tilespmem:s11+$0x4210];
	[tilespmem:s8+$0x43D0] =	vst v0;
	v0 =	vadd.f32 v6, v4  }
0x1ac: {  	v4 =	vld [tilespmem:s11+$0x8210]  }
0x1ad: {  	v6 =	vld [tilespmem:s11+$0x4220];
	v2 =	vadd.f32 v2, v7;
	[tilespmem:s8+$0x43E0] =	vst v0;
	s8 =	smov.u32 s11  }
0x1ae: {  	v0 =	vld [tilespmem:s8+$0x8220]  }
0x1af: {  	v1 =	vadd.f32 v1, v5;
	v5 =	vld [tilespmem:s8+$0x4230];
	[tilespmem:s8+$0x43F0] =	vst v2  }
0x1b0: {  	v2 =	vld [tilespmem:s8+$0x8230]  }
0x1b1: {  	[tilespmem:s8+$0x4200] =	vst v1;
	v1 =	vadd.f32 v4, v3;
	v3 =	vld [tilespmem:s8+$0x4240]  }
0x1b2: {  	v4 =	vld [tilespmem:s8+$0x8240]  }
0x1b3: {  	[tilespmem:s8+$0x4210] =	vst v1;
	v0 =	vadd.f32 v0, v6;
	v1 =	vld [tilespmem:s8+$0x4250]  }
0x1b4: {  	v6 =	vld [tilespmem:s8+$0x8250]  }
0x1b5: {  	[tilespmem:s8+$0x4220] =	vst v0;
	v0 =	vadd.f32 v2, v5;
	v2 =	vld [tilespmem:s8+$0x4260]  }
0x1b6: {  	v5 =	vld [tilespmem:s8+$0x8260]  }
0x1b7: {  	[tilespmem:s8+$0x4230] =	vst v0;
	v0 =	vadd.f32 v4, v3;
	v3 =	vld [tilespmem:s8+$0x4270]  }
0x1b8: {  	v4 =	vld [tilespmem:s8+$0x8270]  }
0x1b9: {  	[tilespmem:s8+$0x4240] =	vst v0;
	v0 =	vadd.f32 v6, v1;
	v1 =	vld [tilespmem:s8+$0x4280]  }
0x1ba: {  	v6 =	vld [tilespmem:s8+$0x8280]  }
0x1bb: {  	[tilespmem:s8+$0x4250] =	vst v0;
	v0 =	vadd.f32 v5, v2;
	v2 =	vld [tilespmem:s8+$0x4290]  }
0x1bc: {  	v5 =	vld [tilespmem:s8+$0x8290]  }
0x1bd: {  	[tilespmem:s8+$0x4260] =	vst v0;
	v0 =	vadd.f32 v4, v3;
	v3 =	vld [tilespmem:s8+$0x42A0]  }
0x1be: {  	v4 =	vld [tilespmem:s8+$0x82A0]  }
0x1bf: {  	[tilespmem:s8+$0x4270] =	vst v0;
	v0 =	vadd.f32 v6, v1;
	v1 =	vld [tilespmem:s8+$0x42B0]  }
0x1c0: {  	v6 =	vld [tilespmem:s8+$0x82B0]  }
0x1c1: {  	[tilespmem:s8+$0x4280] =	vst v0;
	v0 =	vadd.f32 v5, v2;
	v2 =	vld [tilespmem:s8+$0x42C0]  }
0x1c2: {  	v5 =	vld [tilespmem:s8+$0x82C0]  }
0x1c3: {  	[tilespmem:s8+$0x4290] =	vst v0;
	v0 =	vadd.f32 v4, v3;
	v3 =	vld [tilespmem:s8+$0x42D0]  }
0x1c4: {  	v4 =	vld [tilespmem:s8+$0x82D0]  }
0x1c5: {  	[tilespmem:s8+$0x42A0] =	vst v0;
	v0 =	vadd.f32 v6, v1;
	v1 =	vld [tilespmem:s8+$0x42E0]  }
0x1c6: {  	v6 =	vld [tilespmem:s8+$0x82E0]  }
0x1c7: {  	[tilespmem:s8+$0x42B0] =	vst v0;
	v0 =	vadd.f32 v5, v2;
	v2 =	vld [tilespmem:s8+$0x42F0]  }
0x1c8: {  	v5 =	vld [tilespmem:s8+$0x82F0]  }
0x1c9: {  	[tilespmem:s8+$0x42C0] =	vst v0;
	v0 =	vadd.f32 v4, v3;
	v3 =	vld [tilespmem:s8+$0x4300]  }
0x1ca: {  	v4 =	vld [tilespmem:s8+$0x8300]  }
0x1cb: {  	[tilespmem:s8+$0x42D0] =	vst v0;
	v0 =	vadd.f32 v6, v1;
	v1 =	vld [tilespmem:s8+$0x4310]  }
0x1cc: {  	v6 =	vld [tilespmem:s8+$0x8310]  }
0x1cd: {  	[tilespmem:s8+$0x42E0] =	vst v0;
	v0 =	vadd.f32 v5, v2;
	v2 =	vld [tilespmem:s8+$0x4320]  }
0x1ce: {  	v5 =	vld [tilespmem:s8+$0x8320]  }
0x1cf: {  	[tilespmem:s8+$0x42F0] =	vst v0;
	v0 =	vadd.f32 v4, v3;
	v3 =	vld [tilespmem:s8+$0x4330]  }
0x1d0: {  	v4 =	vld [tilespmem:s8+$0x8330]  }
0x1d1: {  	[tilespmem:s8+$0x4300] =	vst v0;
	v0 =	vadd.f32 v6, v1;
	v1 =	vld [tilespmem:s8+$0x4340]  }
0x1d2: {  	v6 =	vld [tilespmem:s8+$0x8340]  }
0x1d3: {  	[tilespmem:s8+$0x4310] =	vst v0;
	v0 =	vadd.f32 v5, v2;
	v2 =	vld [tilespmem:s8+$0x4350]  }
0x1d4: {  	v5 =	vld [tilespmem:s8+$0x8350]  }
0x1d5: {  	[tilespmem:s8+$0x4320] =	vst v0;
	v0 =	vadd.f32 v4, v3;
	v3 =	vld [tilespmem:s8+$0x4360]  }
0x1d6: {  	v4 =	vld [tilespmem:s8+$0x8360]  }
0x1d7: {  	[tilespmem:s8+$0x4330] =	vst v0;
	v0 =	vadd.f32 v6, v1;
	v1 =	vld [tilespmem:s8+$0x4370]  }
0x1d8: {  	v6 =	vld [tilespmem:s8+$0x8370]  }
0x1d9: {  	[tilespmem:s8+$0x4340] =	vst v0;
	v0 =	vadd.f32 v5, v2;
	v2 =	vld [tilespmem:s8+$0x4380]  }
0x1da: {  	v5 =	vld [tilespmem:s8+$0x8380]  }
0x1db: {  	[tilespmem:s8+$0x4350] =	vst v0;
	v0 =	vadd.f32 v4, v3;
	v3 =	vld [tilespmem:s8+$0x4390]  }
0x1dc: {  	v4 =	vld [tilespmem:s8+$0x8390]  }
0x1dd: {  	[tilespmem:s8+$0x4360] =	vst v0;
	v0 =	vadd.f32 v6, v1;
	v1 =	vld [tilespmem:s8+$0x43A0]  }
0x1de: {  	v6 =	vld [tilespmem:s8+$0x83A0]  }
0x1df: {  	[tilespmem:s8+$0x4370] =	vst v0;
	v0 =	vadd.f32 v5, v2;
	v5 =	vld [tilespmem:s8+$0x43B0]  }
0x1e0: {  	v7 =	vld [tilespmem:s8+$0x83B0]  }
.Ltmp2:
0x1e1: {  	[tilespmem:s8+$0x4380] =	vst v0;
	v3 =	vadd.f32 v4, v3;
	v0 =	vld [tilespmem:s8+$0x43C0];
	(pc) =	sbr.rel @p0 .LBB2_7-.Ltmp2, $4  }
0x1e2: {  	v2 =	vld [tilespmem:s8+$0x83C0]  }
0x1e3: {  	[tilespmem:s8+$0x4390] =	vst v3;
	v4 =	vadd.f32 v6, v1;
	v1 =	vld [tilespmem:s8+$0x43D0]  }
0x1e4: {  	v3 =	vld [tilespmem:s8+$0x83D0]  }
0x1e5: {  	s9 =	sadd.s32 $0x800, s9;
	[tilespmem:s8+$0x43A0] =	vst v4;
	v5 =	vadd.f32 v7, v5;
	v4 =	vld [tilespmem:s8+$0x43E0]  }
0x1e6: {  	v6 =	vld [tilespmem:s8+$0x83E0]  }
0x1e7: {  	v0 =	vadd.f32 v2, v0  }
0x1e8: {  	[tilespmem:s8+$0x43B0] =	vst v5  }
0x1e9: {  	[tilespmem:s8+$0x43C0] =	vst v0  }
0x1ea: {  	v1 =	vadd.f32 v3, v1;
	s2 =	rddreg [dreg:$0xa]  }
0x1eb: {  	v0 =	vadd.f32 v6, v4;
	s2 =	sadd.s32 s2, s19  }
0x1ec: {  	[tilespmem:s8+$0x43D0] =	vst v1;
	s2 =	sshrl.u32 s2, $0x3  }
0x1ed: {  	p0 =	seq.s32 s15, $0xB;
	s19 =	simm.s32 $0x4200;
	[tilespmem:s8+$0x43E0] =	vst v0;
	s2 =	sadd.s32 s13, s2  }
0x1ee: {  	[hbm4b:s2+s3] =	stream.linear.scatter [tilespmem:s19], [sflag:$0x7], $0x2000, $0x38;
	[tilespmem:$0xC200] =	vst v63  }
0x1ef: {  	s2 =	sadd.s32 @!p0 $0x6, s18  }
0x1f0: {  	s2 =	sshrl.u32 @!p0 s2, $0x1  }
0x1f1: {  	s2 =	sadd.s32 @!p0 s4, s2  }
0x1f2: {  	s8 =	simm.s32 @!p0 $0x7;
	s2 =	sshll.u32 @!p0 s2, $0x8  }
0x1f3: {  	_ =	swait.ge @!p0 [sflag:s8], $0x2000;
	s2 =	sadd.s32 @!p0 s6, s2  }
0x1f4: {  	s9 =	simm.s32 @!p0 $0x100;
	[sflag:s8] =	ssyncset.done @!p0 $0x0;
	s2 =	sshrl.u32 @!p0 s2, $0x3  }
0x1f5: {  	[sflag:s8] =	ssyncadd.s32 @!p0 $0xFFFFE000;
	s8 =	simm.s32 @!p0 $0x0;
	s2 =	sadd.s32 @!p0 s5, s2  }
0x1f6: {  	[tilespmem:s9], [sflag:$0x9] =	stream.linear.gather @!p0 [hbm4b:s2+s8], $0x80, $0x38;
	[tilespmem:$0xC200] =	vst v63  }
0x1f7: {  	s2 =	simm.s32 @!p0 $0x9  }
0x1f8: {  	_ =	swait.ge @!p0 [sflag:s2], $0x80  }
0x1f9: {  	[sflag:s2] =	ssyncset.done @!p0 $0x0  }
0x1fa: {  	s8 =	simm.s32 @!p0 $0x4200;
	[sflag:s2] =	ssyncadd.s32 @!p0 $0xFFFFFF80;
	s2 =	simm.s32 @!p0 $0x80  }
0x1fb: {  	[tilespmem:s8], [sflag:$0x3] =	stream.indirect.gather @!p0 [hbm4b:s7+s2], $0x40, s9, s2, $0xb8;
	[tilespmem:$0xC200] =	vst v63  }
0x1fc: {  	_ =	swait.ge [sflag:s26], $0x2000  }
0x1fd: {  	[sflag:s26] =	ssyncset.done $0x0  }
0x1fe: {  	s8 =	simm.s32 $0x0;
	[sflag:s26] =	ssyncadd.s32 $0xFFFFE000  }
0x1ff: {  	v0 =	vld [tilespmem:s8+$0x63F0]  }
0x200: {  	v1 =	vld [tilespmem:s8+$0xA3F0]  }
0x201: {  	v2 =	vld [tilespmem:s8+$0x6200]  }
0x202: {  	v3 =	vld [tilespmem:s8+$0xA200]  }
0x203: {  	v4 =	vld [tilespmem:s8+$0x6210]  }
0x204: {  	v5 =	vld [tilespmem:s8+$0xA210]  }
0x205: {  	v6 =	vld [tilespmem:s8+$0x6220]  }
0x206: {  	v7 =	vld [tilespmem:s8+$0xA220]  }
0x207: {  	v8 =	vld [tilespmem:s8+$0x6230]  }
0x208: {  	v9 =	vld [tilespmem:s8+$0xA230]  }
0x209: {  	v10 =	vld [tilespmem:s8+$0x6240]  }
0x20a: {  	v11 =	vld [tilespmem:s8+$0xA240]  }
0x20b: {  	v12 =	vld [tilespmem:s8+$0x6250]  }
0x20c: {  	v13 =	vld [tilespmem:s8+$0xA250]  }
0x20d: {  	v14 =	vld [tilespmem:s8+$0x6260]  }
0x20e: {  	v15 =	vld [tilespmem:s8+$0xA260]  }
0x20f: {  	v16 =	vld [tilespmem:s8+$0x6270]  }
0x210: {  	v17 =	vld [tilespmem:s8+$0xA270]  }
0x211: {  	v18 =	vld [tilespmem:s8+$0x6280]  }
0x212: {  	v19 =	vld [tilespmem:s8+$0xA280]  }
0x213: {  	v20 =	vld [tilespmem:s8+$0x6290]  }
0x214: {  	v21 =	vld [tilespmem:s8+$0xA290]  }
0x215: {  	v22 =	vld [tilespmem:s8+$0x62A0]  }
0x216: {  	v23 =	vld [tilespmem:s8+$0xA2A0]  }
0x217: {  	v24 =	vld [tilespmem:s8+$0x62B0]  }
0x218: {  	v25 =	vld [tilespmem:s8+$0xA2B0]  }
0x219: {  	v26 =	vld [tilespmem:s8+$0x62C0]  }
0x21a: {  	v27 =	vld [tilespmem:s8+$0xA2C0]  }
0x21b: {  	v28 =	vld [tilespmem:s8+$0x62D0]  }
0x21c: {  	v29 =	vld [tilespmem:s8+$0xA2D0]  }
0x21d: {  	v30 =	vld [tilespmem:s8+$0x62E0]  }
0x21e: {  	v31 =	vld [tilespmem:s8+$0xA2E0]  }
0x21f: {  	v32 =	vld [tilespmem:s8+$0x62F0]  }
0x220: {  	v51 =	vld [tilespmem:s8+$0xA320];
	v0 =	vadd.f32 v1, v0  }
0x221: {  	v52 =	vld [tilespmem:s8+$0x6330];
	v2 =	vadd.f32 v3, v2  }
0x222: {  	v53 =	vld [tilespmem:s8+$0xA330];
	[tilespmem:s8+$0x63F0] =	vst v0;
	v0 =	vadd.f32 v5, v4  }
0x223: {  	v54 =	vld [tilespmem:s8+$0x6340];
	[tilespmem:s8+$0x6200] =	vst v2;
	v2 =	vadd.f32 v7, v6  }
0x224: {  	v55 =	vld [tilespmem:s8+$0xA340];
	[tilespmem:s8+$0x6210] =	vst v0;
	v0 =	vadd.f32 v9, v8  }
0x225: {  	v56 =	vld [tilespmem:s8+$0x6350];
	[tilespmem:s8+$0x6220] =	vst v2;
	v2 =	vadd.f32 v11, v10  }
0x226: {  	v57 =	vld [tilespmem:s8+$0xA350];
	[tilespmem:s8+$0x6230] =	vst v0;
	v0 =	vadd.f32 v13, v12  }
0x227: {  	v58 =	vld [tilespmem:s8+$0x6360];
	[tilespmem:s8+$0x6240] =	vst v2;
	v2 =	vadd.f32 v15, v14  }
0x228: {  	v59 =	vld [tilespmem:s8+$0xA360];
	[tilespmem:s8+$0x6250] =	vst v0;
	v0 =	vadd.f32 v17, v16  }
0x229: {  	v1 =	vld [tilespmem:s8+$0xA2F0];
	[tilespmem:s8+$0x6260] =	vst v2;
	v2 =	vadd.f32 v19, v18  }
0x22a: {  	v3 =	vld [tilespmem:s8+$0x6300];
	[tilespmem:s8+$0x6270] =	vst v0;
	v0 =	vadd.f32 v21, v20  }
0x22b: {  	v4 =	vld [tilespmem:s8+$0xA300];
	[tilespmem:s8+$0x6280] =	vst v2;
	v2 =	vadd.f32 v23, v22  }
0x22c: {  	v5 =	vld [tilespmem:s8+$0x6310];
	[tilespmem:s8+$0x6290] =	vst v0;
	v0 =	vadd.f32 v25, v24  }
0x22d: {  	v6 =	vld [tilespmem:s8+$0xA310];
	[tilespmem:s8+$0x62A0] =	vst v2;
	v2 =	vadd.f32 v27, v26  }
0x22e: {  	v7 =	vld [tilespmem:s8+$0x6320];
	[tilespmem:s8+$0x62B0] =	vst v0;
	v0 =	vadd.f32 v29, v28  }
0x22f: {  	v60 =	vld [tilespmem:s8+$0x6370];
	[tilespmem:s8+$0x62C0] =	vst v2;
	v2 =	vadd.f32 v31, v30  }
0x230: {  	v61 =	vld [tilespmem:s8+$0xA3A0];
	[tilespmem:s8+$0x62D0] =	vst v0;
	v0 =	vadd.f32 v1, v32  }
0x231: {  	v1 =	vld [tilespmem:s8+$0xA370];
	[tilespmem:s8+$0x62E0] =	vst v2;
	v2 =	vadd.f32 v4, v3  }
0x232: {  	v3 =	vld [tilespmem:s8+$0x6380];
	[tilespmem:s8+$0x62F0] =	vst v0;
	v0 =	vadd.f32 v6, v5  }
0x233: {  	v4 =	vld [tilespmem:s8+$0xA380];
	[tilespmem:s8+$0x6300] =	vst v2;
	v2 =	vadd.f32 v51, v7  }
0x234: {  	v5 =	vld [tilespmem:s8+$0x6390];
	[tilespmem:s8+$0x6310] =	vst v0;
	v0 =	vadd.f32 v53, v52  }
0x235: {  	v6 =	vld [tilespmem:s8+$0xA390];
	[tilespmem:s8+$0x6320] =	vst v2;
	v2 =	vadd.f32 v55, v54  }
0x236: {  	v7 =	vld [tilespmem:s8+$0x63A0];
	v1 =	vadd.f32 v1, v60;
	[tilespmem:s8+$0x6330] =	vst v0  }
0x237: {  	v62 =	vld [tilespmem:s8+$0x63B0];
	v0 =	vadd.f32 v57, v56;
	[tilespmem:s8+$0x6340] =	vst v2  }
0x238: {  	v63 =	vld [tilespmem:s8+$0xA3B0];
	v2 =	vadd.f32 v59, v58;
	[tilespmem:s8+$0x6370] =	vst v1  }
0x239: {  	v3 =	vadd.f32 v4, v3;
	[tilespmem:s8+$0x6350] =	vst v0;
	v0 =	vld [tilespmem:s8+$0x63C0]  }
0x23a: {  	v4 =	vadd.f32 v6, v5;
	[tilespmem:s8+$0x6360] =	vst v2;
	v2 =	vld [tilespmem:s8+$0xA3C0]  }
0x23b: {  	[tilespmem:s8+$0x6380] =	vst v3;
	v3 =	vadd.f32 v61, v7;
	v1 =	vld [tilespmem:s8+$0x63D0]  }
0x23c: {  	[tilespmem:s8+$0x6390] =	vst v4;
	v4 =	vld [tilespmem:s8+$0xA3D0]  }
0x23d: {  	s28 =	smov.u32 s13;
	s2 =	simm.s32 $0x0;
	s9 =	simm.s32 $0x800;
	v5 =	vadd.f32 v63, v62;
	[tilespmem:s8+$0x63A0] =	vst v3;
	v3 =	vld [tilespmem:s8+$0x63E0]  }
.LBB2_9:
0x23e: {  	s11 =	sshra.s32 s9, $0x2;
	v6 =	vld [tilespmem:s8+$0xA3E0]  }
0x23f: {  	s2 =	sadd.s32 $0x8, s2;
	v7 =	vld [tilespmem:s11+$0x63F0];
	[tilespmem:s8+$0x63B0] =	vst v5;
	v0 =	vadd.f32 v2, v0  }
0x240: {  	p0 =	slt.u32 s2, $0x78;
	v2 =	vld [tilespmem:s11+$0xA3F0]  }
0x241: {  	v5 =	vld [tilespmem:s11+$0x6200];
	[tilespmem:s8+$0x63C0] =	vst v0;
	v0 =	vadd.f32 v4, v1  }
0x242: {  	v1 =	vld [tilespmem:s11+$0xA200]  }
0x243: {  	v4 =	vld [tilespmem:s11+$0x6210];
	[tilespmem:s8+$0x63D0] =	vst v0;
	v0 =	vadd.f32 v6, v3  }
0x244: {  	v3 =	vld [tilespmem:s11+$0xA210]  }
0x245: {  	v6 =	vld [tilespmem:s11+$0x6220];
	v2 =	vadd.f32 v2, v7;
	[tilespmem:s8+$0x63E0] =	vst v0;
	s8 =	smov.u32 s11  }
0x246: {  	v0 =	vld [tilespmem:s8+$0xA220]  }
0x247: {  	v1 =	vadd.f32 v1, v5;
	v5 =	vld [tilespmem:s8+$0x6230];
	[tilespmem:s8+$0x63F0] =	vst v2  }
0x248: {  	v2 =	vld [tilespmem:s8+$0xA230]  }
0x249: {  	[tilespmem:s8+$0x6200] =	vst v1;
	v1 =	vadd.f32 v3, v4;
	v3 =	vld [tilespmem:s8+$0x6240]  }
0x24a: {  	v4 =	vld [tilespmem:s8+$0xA240]  }
0x24b: {  	[tilespmem:s8+$0x6210] =	vst v1;
	v0 =	vadd.f32 v0, v6;
	v1 =	vld [tilespmem:s8+$0x6250]  }
0x24c: {  	v6 =	vld [tilespmem:s8+$0xA250]  }
0x24d: {  	[tilespmem:s8+$0x6220] =	vst v0;
	v0 =	vadd.f32 v2, v5;
	v2 =	vld [tilespmem:s8+$0x6260]  }
0x24e: {  	v5 =	vld [tilespmem:s8+$0xA260]  }
0x24f: {  	[tilespmem:s8+$0x6230] =	vst v0;
	v0 =	vadd.f32 v4, v3;
	v3 =	vld [tilespmem:s8+$0x6270]  }
0x250: {  	v4 =	vld [tilespmem:s8+$0xA270]  }
0x251: {  	[tilespmem:s8+$0x6240] =	vst v0;
	v0 =	vadd.f32 v6, v1;
	v1 =	vld [tilespmem:s8+$0x6280]  }
0x252: {  	v6 =	vld [tilespmem:s8+$0xA280]  }
0x253: {  	[tilespmem:s8+$0x6250] =	vst v0;
	v0 =	vadd.f32 v5, v2;
	v2 =	vld [tilespmem:s8+$0x6290]  }
0x254: {  	v5 =	vld [tilespmem:s8+$0xA290]  }
0x255: {  	[tilespmem:s8+$0x6260] =	vst v0;
	v0 =	vadd.f32 v4, v3;
	v3 =	vld [tilespmem:s8+$0x62A0]  }
0x256: {  	v4 =	vld [tilespmem:s8+$0xA2A0]  }
0x257: {  	[tilespmem:s8+$0x6270] =	vst v0;
	v0 =	vadd.f32 v6, v1;
	v1 =	vld [tilespmem:s8+$0x62B0]  }
0x258: {  	v6 =	vld [tilespmem:s8+$0xA2B0]  }
0x259: {  	[tilespmem:s8+$0x6280] =	vst v0;
	v0 =	vadd.f32 v5, v2;
	v2 =	vld [tilespmem:s8+$0x62C0]  }
0x25a: {  	v5 =	vld [tilespmem:s8+$0xA2C0]  }
0x25b: {  	[tilespmem:s8+$0x6290] =	vst v0;
	v0 =	vadd.f32 v4, v3;
	v3 =	vld [tilespmem:s8+$0x62D0]  }
0x25c: {  	v4 =	vld [tilespmem:s8+$0xA2D0]  }
0x25d: {  	[tilespmem:s8+$0x62A0] =	vst v0;
	v0 =	vadd.f32 v6, v1;
	v1 =	vld [tilespmem:s8+$0x62E0]  }
0x25e: {  	v6 =	vld [tilespmem:s8+$0xA2E0]  }
0x25f: {  	[tilespmem:s8+$0x62B0] =	vst v0;
	v0 =	vadd.f32 v5, v2;
	v2 =	vld [tilespmem:s8+$0x62F0]  }
0x260: {  	v5 =	vld [tilespmem:s8+$0xA2F0]  }
0x261: {  	[tilespmem:s8+$0x62C0] =	vst v0;
	v0 =	vadd.f32 v4, v3;
	v3 =	vld [tilespmem:s8+$0x6300]  }
0x262: {  	v4 =	vld [tilespmem:s8+$0xA300]  }
0x263: {  	[tilespmem:s8+$0x62D0] =	vst v0;
	v0 =	vadd.f32 v6, v1;
	v1 =	vld [tilespmem:s8+$0x6310]  }
0x264: {  	v6 =	vld [tilespmem:s8+$0xA310]  }
0x265: {  	[tilespmem:s8+$0x62E0] =	vst v0;
	v0 =	vadd.f32 v5, v2;
	v2 =	vld [tilespmem:s8+$0x6320]  }
0x266: {  	v5 =	vld [tilespmem:s8+$0xA320]  }
0x267: {  	[tilespmem:s8+$0x62F0] =	vst v0;
	v0 =	vadd.f32 v4, v3;
	v3 =	vld [tilespmem:s8+$0x6330]  }
0x268: {  	v4 =	vld [tilespmem:s8+$0xA330]  }
0x269: {  	[tilespmem:s8+$0x6300] =	vst v0;
	v0 =	vadd.f32 v6, v1;
	v1 =	vld [tilespmem:s8+$0x6340]  }
0x26a: {  	v6 =	vld [tilespmem:s8+$0xA340]  }
0x26b: {  	[tilespmem:s8+$0x6310] =	vst v0;
	v0 =	vadd.f32 v5, v2;
	v2 =	vld [tilespmem:s8+$0x6350]  }
0x26c: {  	v5 =	vld [tilespmem:s8+$0xA350]  }
0x26d: {  	[tilespmem:s8+$0x6320] =	vst v0;
	v0 =	vadd.f32 v4, v3;
	v3 =	vld [tilespmem:s8+$0x6360]  }
0x26e: {  	v4 =	vld [tilespmem:s8+$0xA360]  }
0x26f: {  	[tilespmem:s8+$0x6330] =	vst v0;
	v0 =	vadd.f32 v6, v1;
	v1 =	vld [tilespmem:s8+$0x6370]  }
0x270: {  	v6 =	vld [tilespmem:s8+$0xA370]  }
0x271: {  	[tilespmem:s8+$0x6340] =	vst v0;
	v0 =	vadd.f32 v5, v2;
	v2 =	vld [tilespmem:s8+$0x6380]  }
0x272: {  	v5 =	vld [tilespmem:s8+$0xA380]  }
0x273: {  	[tilespmem:s8+$0x6350] =	vst v0;
	v0 =	vadd.f32 v4, v3;
	v3 =	vld [tilespmem:s8+$0x6390]  }
0x274: {  	v4 =	vld [tilespmem:s8+$0xA390]  }
0x275: {  	[tilespmem:s8+$0x6360] =	vst v0;
	v0 =	vadd.f32 v6, v1;
	v1 =	vld [tilespmem:s8+$0x63A0]  }
0x276: {  	v6 =	vld [tilespmem:s8+$0xA3A0]  }
0x277: {  	[tilespmem:s8+$0x6370] =	vst v0;
	v0 =	vadd.f32 v5, v2;
	v5 =	vld [tilespmem:s8+$0x63B0]  }
0x278: {  	v7 =	vld [tilespmem:s8+$0xA3B0]  }
.Ltmp3:
0x279: {  	[tilespmem:s8+$0x6380] =	vst v0;
	v3 =	vadd.f32 v4, v3;
	v0 =	vld [tilespmem:s8+$0x63C0];
	(pc) =	sbr.rel @p0 .LBB2_9-.Ltmp3, $4  }
0x27a: {  	v2 =	vld [tilespmem:s8+$0xA3C0]  }
0x27b: {  	[tilespmem:s8+$0x6390] =	vst v3;
	v3 =	vadd.f32 v6, v1;
	v1 =	vld [tilespmem:s8+$0x63D0]  }
0x27c: {  	v4 =	vld [tilespmem:s8+$0xA3D0]  }
0x27d: {  	s9 =	sadd.s32 $0x800, s9;
	[tilespmem:s8+$0x63A0] =	vst v3;
	v5 =	vadd.f32 v7, v5;
	v3 =	vld [tilespmem:s8+$0x63E0]  }
0x27e: {  	v6 =	vld [tilespmem:s8+$0xA3E0];
	_ =	sdelay $0x1  }
0x27f: {  	s15 =	sadd.s32 $0x1, s15  }
0x280: {  	v0 =	vadd.f32 v2, v0;
	p0 =	sne.s32 s15, $0xC  }
.Ltmp4:
0x281: {  	s2 =	sshll.u32 s17, $0xE;
	[tilespmem:s8+$0x63B0] =	vst v5;
	v1 =	vadd.f32 v4, v1;
	(pc) =	sbr.rel @p0 .LBB2_2-.Ltmp4, $4  }
0x282: {  	s2 =	sadd.s32 s20, s2;
	[tilespmem:s8+$0x63C0] =	vst v0;
	v63 =	vadd.f32 v6, v3  }
0x283: {  	s2 =	sshrl.u32 s2, $0x3;
	[tilespmem:s8+$0x63D0] =	vst v1  }
0x284: {  	s2 =	sadd.s32 s2, s16;
	[tilespmem:s8+$0x63E0] =	vst v63  }
0x285: {  	[hbm4b:s2+s3] =	stream.linear.scatter [tilespmem:s30], [sflag:$0x8], $0x2000, $0x38;
	[tilespmem:$0xC200] =	vst v63  }
0x286: {  	_ =	swait.ge [sflag:s10], $0x2000  }
0x287: {  	[sflag:s10] =	ssyncset.done $0x0  }
0x288: {  	s8 =	simm.s32 $0x300;
	[sflag:s10] =	ssyncadd.s32 $0xFFFFE000  }
0x289: {  	s11 =	simm.s32 $0x8300;
	v0 =	vld [tilespmem:s8+$0xC0]  }
0x28a: {  	v1 =	vld [tilespmem:s11+$0xC0]  }
0x28b: {  	v2 =	vld [tilespmem:s11+$0xFFFFFF00]  }
0x28c: {  	v3 =	vld [tilespmem:s8+$0xFFFFFF40]  }
0x28d: {  	v4 =	vld [tilespmem:s8+$0xFFFFFF80]  }
0x28e: {  	v6 =	vld [tilespmem:s11+$0xFFFFFF80]  }
0x28f: {  	v7 =	vld [tilespmem:s8+$0xFFFFFFC0]  }
0x290: {  	v8 =	vld [tilespmem:s11+$0xFFFFFFC0]  }
0x291: {  	v9 =	vld [tilespmem:s8+$0x0]  }
0x292: {  	v10 =	vld [tilespmem:s11+$0x0]  }
0x293: {  	v11 =	vld [tilespmem:s11+$0x40]  }
0x294: {  	v60 =	vld [tilespmem:s8+$0xFFFFFFD0]  }
0x295: {  	v13 =	vld [tilespmem:s8+$0x10]  }
0x296: {  	v61 =	vld [tilespmem:s8+$0xFFFFFFE0]  }
0x297: {  	v62 =	vld [tilespmem:s8+$0x60];
	v0 =	vadd.f32 v1, v0  }
0x298: {  	v1 =	vld [tilespmem:s11+$0xFFFFFF40]  }
0x299: {  	[tilespmem:s8+$0xC0] =	vst v0;
	v0 =	vld [tilespmem:s8+$0xD0]  }
0x29a: {  	v5 =	vld [tilespmem:s11+$0xD0]  }
0x29b: {  	v63 =	vld [tilespmem:s8+$0xFFFFFF30];
	v4 =	vadd.f32 v6, v4  }
0x29c: {  	v6 =	vld [tilespmem:s11+$0x80]  }
0x29d: {  	[tilespmem:s8+$0xFFFFFF80] =	vst v4;
	v4 =	vadd.f32 v10, v9;
	v10 =	vld [tilespmem:s8+$0xFFFFFF50];
	v1 =	vadd.f32 v1, v3  }
0x29e: {  	v3 =	vld [tilespmem:s8+$0x80]  }
0x29f: {  	[tilespmem:s8+$0xFFFFFF40] =	vst v1;
	v0 =	vadd.f32 v5, v0;
	v5 =	vld [tilespmem:s8+$0x40]  }
0x2a0: {  	v1 =	vadd.f32 v8, v7;
	v8 =	vld [tilespmem:s11+$0xFFFFFF50]  }
0x2a1: {  	[tilespmem:s8+$0xD0] =	vst v0;
	v0 =	vld [tilespmem:s8+$0xE0]  }
0x2a2: {  	[tilespmem:s8+$0x0] =	vst v4;
	v12 =	vld [tilespmem:s11+$0xE0]  }
0x2a3: {  	v9 =	vld [tilespmem:s11+$0x10]  }
0x2a4: {  	v7 =	vld [tilespmem:s8+$0xFFFFFF00]  }
0x2a5: {  	[tilespmem:s8+$0xFFFFFFC0] =	vst v1;
	v1 =	vld [tilespmem:s11+$0xFFFFFF90]  }
0x2a6: {  	v4 =	vld [tilespmem:s11+$0xFFFFFFD0];
	v8 =	vadd.f32 v8, v10  }
0x2a7: {  	v5 =	vadd.f32 v11, v5;
	v11 =	vld [tilespmem:s8+$0xFFFFFF90];
	v0 =	vadd.f32 v12, v0  }
0x2a8: {  	v10 =	vld [tilespmem:s8+$0x90];
	[tilespmem:s8+$0xFFFFFF50] =	vst v8  }
0x2a9: {  	v8 =	vld [tilespmem:s11+$0xFFFFFF60];
	[tilespmem:s8+$0xE0] =	vst v0;
	v0 =	vadd.f32 v2, v7  }
0x2aa: {  	[tilespmem:s8+$0x40] =	vst v5;
	v7 =	vld [tilespmem:s8+$0xF0];
	v2 =	vadd.f32 v6, v3  }
0x2ab: {  	v5 =	vld [tilespmem:s11+$0xF0];
	[tilespmem:s8+$0xFFFFFF00] =	vst v0  }
0x2ac: {  	v1 =	vadd.f32 v1, v11;
	[tilespmem:s8+$0x80] =	vst v2;
	v2 =	vld [tilespmem:s8+$0xFFFFFF10]  }
0x2ad: {  	v3 =	vld [tilespmem:s11+$0xFFFFFF10]  }
0x2ae: {  	[tilespmem:s8+$0xFFFFFF90] =	vst v1;
	v1 =	vadd.f32 v9, v13;
	v6 =	vld [tilespmem:s11+$0x90]  }
0x2af: {  	v4 =	vadd.f32 v4, v60;
	v0 =	vld [tilespmem:s11+$0x50]  }
0x2b0: {  	v9 =	vld [tilespmem:s11+$0xFFFFFFA0];
	[tilespmem:s8+$0x10] =	vst v1  }
0x2b1: {  	[tilespmem:s8+$0xFFFFFFD0] =	vst v4;
	v4 =	vld [tilespmem:s11+$0x20]  }
0x2b2: {  	v2 =	vadd.f32 v3, v2;
	v3 =	vld [tilespmem:s8+$0x50]  }
0x2b3: {  	v1 =	vadd.f32 v6, v10;
	v10 =	vld [tilespmem:s8+$0xFFFFFFA0]  }
0x2b4: {  	[tilespmem:s8+$0xFFFFFF10] =	vst v2;
	v2 =	vld [tilespmem:s8+$0xFFFFFF20]  }
0x2b5: {  	v11 =	vld [tilespmem:s11+$0xFFFFFF20]  }
0x2b6: {  	v5 =	vadd.f32 v5, v7;
	[tilespmem:s8+$0x90] =	vst v1;
	v1 =	vld [tilespmem:s8+$0xFFFFFF60]  }
0x2b7: {  	v7 =	vld [tilespmem:s8+$0x30]  }
0x2b8: {  	[tilespmem:s8+$0xF0] =	vst v5;
	v5 =	vld [tilespmem:s8+$0x70]  }
0x2b9: {  	v6 =	vld [tilespmem:s11+$0xA0]  }
0x2ba: {  	v0 =	vadd.f32 v0, v3;
	v3 =	vld [tilespmem:s11+$0xFFFFFFE0];
	v2 =	vadd.f32 v11, v2  }
0x2bb: {  	v1 =	vadd.f32 v8, v1;
	v8 =	vadd.f32 v9, v10;
	v9 =	vld [tilespmem:s8+$0xFFFFFFB0]  }
0x2bc: {  	[tilespmem:s8+$0xFFFFFF20] =	vst v2;
	v2 =	vld [tilespmem:s8+$0xA0]  }
0x2bd: {  	[tilespmem:s8+$0x50] =	vst v0;
	v11 =	vld [tilespmem:s8+$0x20]  }
0x2be: {  	v0 =	vld [tilespmem:s11+$0x60];
	[tilespmem:s8+$0xFFFFFF60] =	vst v1  }
0x2bf: {  	[tilespmem:s8+$0xFFFFFFA0] =	vst v8;
	v8 =	vld [tilespmem:s8+$0xFFFFFFF0]  }
0x2c0: {  	v1 =	vadd.f32 v3, v61;
	v14 =	vld [tilespmem:s11+$0xFFFFFF70]  }
0x2c1: {  	v10 =	vld [tilespmem:s11+$0xFFFFFF30];
	v6 =	vadd.f32 v6, v2  }
0x2c2: {  	[tilespmem:s8+$0xFFFFFFE0] =	vst v1;
	v3 =	vadd.f32 v4, v11;
	v4 =	vld [tilespmem:s11+$0xFFFFFFB0]  }
0x2c3: {  	v0 =	vadd.f32 v0, v62;
	[tilespmem:s8+$0xA0] =	vst v6;
	v6 =	vld [tilespmem:s8+$0xFFFFFF70]  }
0x2c4: {  	v1 =	vld [tilespmem:s11+$0xFFFFFFF0];
	[tilespmem:s8+$0x20] =	vst v3  }
0x2c5: {  	[tilespmem:s8+$0x60] =	vst v0;
	v2 =	vld [tilespmem:s11+$0x30]  }
0x2c6: {  	v3 =	vld [tilespmem:s11+$0x70];
	v10 =	vadd.f32 v10, v63  }
0x2c7: {  	v0 =	vld [tilespmem:s11+$0xB0]  }
0x2c8: {  	s2 =	simm.s32 $0x0;
	s9 =	simm.s32 $0x500;
	[tilespmem:s8+$0xFFFFFF30] =	vst v10;
	v10 =	vadd.f32 v14, v6;
	v6 =	vld [tilespmem:s8+$0xB0]  }
.LBB2_12:
0x2c9: {  	v11 =	vld [tilespmem:s9+$0xC0];
	v4 =	vadd.f32 v4, v9;
	s11 =	sadd.s32 $0x200, s11  }
0x2ca: {  	s2 =	sadd.s32 $0x8, s2;
	v9 =	vld [tilespmem:s11+$0xC0];
	[tilespmem:s8+$0xFFFFFF70] =	vst v10;
	v1 =	vadd.f32 v1, v8  }
0x2cb: {  	p0 =	slt.u32 s2, $0x78;
	v8 =	vld [tilespmem:s11+$0xFFFFFF00];
	[tilespmem:s8+$0xFFFFFFB0] =	vst v4;
	v2 =	vadd.f32 v2, v7  }
0x2cc: {  	v4 =	vld [tilespmem:s9+$0xFFFFFF40];
	[tilespmem:s8+$0xFFFFFFF0] =	vst v1;
	v1 =	vadd.f32 v3, v5  }
0x2cd: {  	v3 =	vld [tilespmem:s11+$0xFFFFFF40];
	[tilespmem:s8+$0x30] =	vst v2;
	v0 =	vadd.f32 v0, v6  }
0x2ce: {  	v2 =	vld [tilespmem:s9+$0xFFFFFF80];
	[tilespmem:s8+$0x70] =	vst v1  }
0x2cf: {  	v1 =	vld [tilespmem:s11+$0xFFFFFF80];
	v5 =	vadd.f32 v9, v11;
	[tilespmem:s8+$0xB0] =	vst v0;
	s8 =	smov.u32 s9  }
0x2d0: {  	v0 =	vld [tilespmem:s9+$0xFFFFFFC0]  }
0x2d1: {  	[tilespmem:s9+$0xC0] =	vst v5;
	v5 =	vld [tilespmem:s9+$0xD0]  }
0x2d2: {  	v3 =	vadd.f32 v3, v4;
	v4 =	vld [tilespmem:s11+$0xD0]  }
0x2d3: {  	v6 =	vld [tilespmem:s11+$0xFFFFFFC0]  }
0x2d4: {  	[tilespmem:s9+$0xFFFFFF40] =	vst v3;
	v1 =	vadd.f32 v1, v2;
	v2 =	vld [tilespmem:s9+$0x0]  }
0x2d5: {  	v3 =	vld [tilespmem:s11+$0x0]  }
0x2d6: {  	[tilespmem:s9+$0xFFFFFF80] =	vst v1;
	v1 =	vld [tilespmem:s9+$0x40]  }
0x2d7: {  	v7 =	vld [tilespmem:s11+$0x40];
	v4 =	vadd.f32 v4, v5  }
0x2d8: {  	v0 =	vadd.f32 v6, v0;
	v5 =	vld [tilespmem:s9+$0x80]  }
0x2d9: {  	[tilespmem:s9+$0xD0] =	vst v4;
	v4 =	vld [tilespmem:s9+$0xE0]  }
0x2da: {  	[tilespmem:s9+$0xFFFFFFC0] =	vst v0;
	v0 =	vadd.f32 v3, v2;
	v2 =	vld [tilespmem:s11+$0xE0]  }
0x2db: {  	v3 =	vld [tilespmem:s11+$0x80]  }
0x2dc: {  	v6 =	vld [tilespmem:s9+$0xFFFFFF00];
	[tilespmem:s9+$0x0] =	vst v0;
	v0 =	vadd.f32 v7, v1  }
0x2dd: {  	v1 =	vld [tilespmem:s11+$0xFFFFFF50]  }
0x2de: {  	v7 =	vld [tilespmem:s11+$0xFFFFFF90];
	[tilespmem:s9+$0x40] =	vst v0  }
0x2df: {  	v0 =	vld [tilespmem:s11+$0xFFFFFFD0];
	v2 =	vadd.f32 v2, v4  }
0x2e0: {  	v4 =	vld [tilespmem:s11+$0x10];
	v3 =	vadd.f32 v3, v5  }
0x2e1: {  	v5 =	vadd.f32 v8, v6;
	[tilespmem:s9+$0xE0] =	vst v2;
	v2 =	vld [tilespmem:s9+$0xF0]  }
0x2e2: {  	[tilespmem:s9+$0x80] =	vst v3;
	v3 =	vld [tilespmem:s11+$0xF0]  }
0x2e3: {  	[tilespmem:s9+$0xFFFFFF00] =	vst v5;
	v5 =	vld [tilespmem:s11+$0x50]  }
0x2e4: {  	v6 =	vld [tilespmem:s11+$0xFFFFFF10]  }
0x2e5: {  	v8 =	vld [tilespmem:s11+$0x90]  }
0x2e6: {  	v9 =	vld [tilespmem:s9+$0xFFFFFF10]  }
0x2e7: {  	v10 =	vld [tilespmem:s9+$0xFFFFFF50];
	v2 =	vadd.f32 v3, v2  }
0x2e8: {  	v3 =	vld [tilespmem:s9+$0xFFFFFF90]  }
0x2e9: {  	v11 =	vld [tilespmem:s9+$0xFFFFFFD0];
	[tilespmem:s9+$0xF0] =	vst v2  }
0x2ea: {  	v2 =	vld [tilespmem:s9+$0x10]  }
0x2eb: {  	v6 =	vadd.f32 v6, v9;
	v9 =	vld [tilespmem:s9+$0x50]  }
0x2ec: {  	v1 =	vadd.f32 v1, v10;
	v10 =	vld [tilespmem:s9+$0x90]  }
0x2ed: {  	[tilespmem:s9+$0xFFFFFF10] =	vst v6;
	v6 =	vld [tilespmem:s9+$0xFFFFFF20];
	v3 =	vadd.f32 v7, v3  }
0x2ee: {  	v7 =	vld [tilespmem:s11+$0xFFFFFF20];
	[tilespmem:s9+$0xFFFFFF50] =	vst v1;
	v0 =	vadd.f32 v0, v11  }
0x2ef: {  	v1 =	vld [tilespmem:s11+$0xFFFFFF60];
	[tilespmem:s9+$0xFFFFFF90] =	vst v3;
	v2 =	vadd.f32 v4, v2  }
0x2f0: {  	v3 =	vld [tilespmem:s11+$0xFFFFFFA0];
	[tilespmem:s9+$0xFFFFFFD0] =	vst v0;
	v0 =	vadd.f32 v5, v9  }
0x2f1: {  	v4 =	vld [tilespmem:s11+$0xFFFFFFE0];
	[tilespmem:s9+$0x10] =	vst v2;
	v2 =	vadd.f32 v8, v10  }
0x2f2: {  	v5 =	vld [tilespmem:s11+$0x20];
	[tilespmem:s9+$0x50] =	vst v0  }
0x2f3: {  	v0 =	vadd.f32 v7, v6;
	v6 =	vld [tilespmem:s11+$0x60];
	[tilespmem:s9+$0x90] =	vst v2  }
0x2f4: {  	v2 =	vld [tilespmem:s11+$0xA0]  }
0x2f5: {  	[tilespmem:s9+$0xFFFFFF20] =	vst v0;
	v0 =	vld [tilespmem:s9+$0xFFFFFF60]  }
0x2f6: {  	v7 =	vld [tilespmem:s9+$0xFFFFFFA0]  }
0x2f7: {  	v8 =	vld [tilespmem:s9+$0xFFFFFFE0]  }
0x2f8: {  	v9 =	vld [tilespmem:s9+$0x20]  }
0x2f9: {  	v10 =	vld [tilespmem:s9+$0x60]  }
0x2fa: {  	v0 =	vadd.f32 v1, v0;
	v11 =	vld [tilespmem:s9+$0xA0]  }
0x2fb: {  	v12 =	vld [tilespmem:s11+$0xFFFFFF30];
	v1 =	vadd.f32 v3, v7  }
0x2fc: {  	v3 =	vld [tilespmem:s9+$0xFFFFFF30];
	[tilespmem:s9+$0xFFFFFF60] =	vst v0;
	v0 =	vadd.f32 v4, v8  }
0x2fd: {  	v13 =	vld [tilespmem:s11+$0xFFFFFF70];
	[tilespmem:s9+$0xFFFFFFA0] =	vst v1;
	v5 =	vadd.f32 v5, v9  }
0x2fe: {  	v4 =	vld [tilespmem:s11+$0xFFFFFFB0];
	[tilespmem:s9+$0xFFFFFFE0] =	vst v0;
	v0 =	vadd.f32 v6, v10  }
0x2ff: {  	v1 =	vld [tilespmem:s11+$0xFFFFFFF0];
	[tilespmem:s9+$0x20] =	vst v5;
	v5 =	vadd.f32 v2, v11  }
0x300: {  	v2 =	vld [tilespmem:s11+$0x30];
	[tilespmem:s9+$0x60] =	vst v0  }
0x301: {  	v6 =	vadd.f32 v12, v3;
	v3 =	vld [tilespmem:s11+$0x70];
	[tilespmem:s9+$0xA0] =	vst v5  }
0x302: {  	v0 =	vld [tilespmem:s11+$0xB0]  }
0x303: {  	[tilespmem:s9+$0xFFFFFF30] =	vst v6;
	v6 =	vld [tilespmem:s9+$0xFFFFFF70]  }
.Ltmp5:
0x304: {  	v9 =	vld [tilespmem:s9+$0xFFFFFFB0];
	(pc) =	sbr.rel @p0 .LBB2_12-.Ltmp5, $4  }
0x305: {  	v8 =	vld [tilespmem:s9+$0xFFFFFFF0]  }
0x306: {  	v7 =	vld [tilespmem:s9+$0x30]  }
0x307: {  	v5 =	vld [tilespmem:s9+$0x70]  }
0x308: {  	s9 =	sadd.s32 $0x200, s9;
	v10 =	vadd.f32 v13, v6;
	v6 =	vld [tilespmem:s8+$0xB0]  }
0x309: {  	v4 =	vadd.f32 v4, v9  }
0x30a: {  	[tilespmem:s8+$0xFFFFFF70] =	vst v10;
	v1 =	vadd.f32 v1, v8  }
0x30b: {  	[tilespmem:s8+$0xFFFFFFB0] =	vst v4;
	v2 =	vadd.f32 v2, v7  }
0x30c: {  	[tilespmem:s8+$0xFFFFFFF0] =	vst v1;
	v1 =	vadd.f32 v3, v5  }
0x30d: {  	[tilespmem:s8+$0x30] =	vst v2;
	v0 =	vadd.f32 v0, v6  }
0x30e: {  	[tilespmem:s8+$0x70] =	vst v1  }
0x30f: {  	[tilespmem:s8+$0xB0] =	vst v0  }
0x310: {  	s2 =	rddreg [dreg:$0x7]  }
0x311: {  	[hbm4b:s2+s3] =	stream.linear.scatter [tilespmem:s24], [sflag:$0x5], $0x2000, $0x38;
	[tilespmem:$0xC200] =	vst v63  }
0x312: {  	_ =	swait.ge [sflag:s1], $0x2000  }
0x313: {  	[sflag:s1] =	ssyncset.done $0x0  }
0x314: {  	s8 =	simm.s32 $0x23F0;
	[sflag:s1] =	ssyncadd.s32 $0xFFFFE000  }
0x315: {  	s11 =	simm.s32 $0xA3F0;
	v0 =	vld [tilespmem:s8+$0xFFFFFFD0]  }
0x316: {  	v1 =	vld [tilespmem:s11+$0xFFFFFFD0]  }
0x317: {  	v2 =	vld [tilespmem:s11+$0xFFFFFE10]  }
0x318: {  	v3 =	vld [tilespmem:s8+$0xFFFFFE50]  }
0x319: {  	v4 =	vld [tilespmem:s8+$0xFFFFFE90]  }
0x31a: {  	v6 =	vld [tilespmem:s11+$0xFFFFFE90]  }
0x31b: {  	v7 =	vld [tilespmem:s8+$0xFFFFFED0]  }
0x31c: {  	v8 =	vld [tilespmem:s11+$0xFFFFFED0]  }
0x31d: {  	v9 =	vld [tilespmem:s8+$0xFFFFFF10]  }
0x31e: {  	v10 =	vld [tilespmem:s11+$0xFFFFFF10]  }
0x31f: {  	v11 =	vld [tilespmem:s11+$0xFFFFFF50]  }
0x320: {  	v60 =	vld [tilespmem:s8+$0xFFFFFEE0]  }
0x321: {  	v13 =	vld [tilespmem:s8+$0xFFFFFF20]  }
0x322: {  	v61 =	vld [tilespmem:s8+$0xFFFFFEF0]  }
0x323: {  	v62 =	vld [tilespmem:s8+$0xFFFFFF70];
	v0 =	vadd.f32 v1, v0  }
0x324: {  	v1 =	vld [tilespmem:s11+$0xFFFFFE50]  }
0x325: {  	[tilespmem:s8+$0xFFFFFFD0] =	vst v0;
	v0 =	vld [tilespmem:s8+$0xFFFFFFE0]  }
0x326: {  	v5 =	vld [tilespmem:s11+$0xFFFFFFE0]  }
0x327: {  	v63 =	vld [tilespmem:s8+$0xFFFFFE40];
	v4 =	vadd.f32 v6, v4  }
0x328: {  	v6 =	vld [tilespmem:s11+$0xFFFFFF90]  }
0x329: {  	[tilespmem:s8+$0xFFFFFE90] =	vst v4;
	v4 =	vadd.f32 v10, v9;
	v10 =	vld [tilespmem:s8+$0xFFFFFE60];
	v1 =	vadd.f32 v1, v3  }
0x32a: {  	v3 =	vld [tilespmem:s8+$0xFFFFFF90]  }
0x32b: {  	[tilespmem:s8+$0xFFFFFE50] =	vst v1;
	v0 =	vadd.f32 v5, v0;
	v5 =	vld [tilespmem:s8+$0xFFFFFF50]  }
0x32c: {  	v1 =	vadd.f32 v8, v7;
	v8 =	vld [tilespmem:s11+$0xFFFFFE60]  }
0x32d: {  	[tilespmem:s8+$0xFFFFFFE0] =	vst v0;
	v0 =	vld [tilespmem:s8+$0xFFFFFFF0]  }
0x32e: {  	[tilespmem:s8+$0xFFFFFF10] =	vst v4;
	v12 =	vld [tilespmem:s11+$0xFFFFFFF0]  }
0x32f: {  	v9 =	vld [tilespmem:s11+$0xFFFFFF20]  }
0x330: {  	v7 =	vld [tilespmem:s8+$0xFFFFFE10]  }
0x331: {  	[tilespmem:s8+$0xFFFFFED0] =	vst v1;
	v1 =	vld [tilespmem:s11+$0xFFFFFEA0]  }
0x332: {  	v4 =	vld [tilespmem:s11+$0xFFFFFEE0];
	v8 =	vadd.f32 v8, v10  }
0x333: {  	v5 =	vadd.f32 v11, v5;
	v11 =	vld [tilespmem:s8+$0xFFFFFEA0];
	v0 =	vadd.f32 v12, v0  }
0x334: {  	v10 =	vld [tilespmem:s8+$0xFFFFFFA0];
	[tilespmem:s8+$0xFFFFFE60] =	vst v8  }
0x335: {  	v8 =	vld [tilespmem:s11+$0xFFFFFE70];
	[tilespmem:s8+$0xFFFFFFF0] =	vst v0;
	v0 =	vadd.f32 v2, v7  }
0x336: {  	[tilespmem:s8+$0xFFFFFF50] =	vst v5;
	v7 =	vld [tilespmem:s8+$0x0];
	v2 =	vadd.f32 v6, v3  }
0x337: {  	v5 =	vld [tilespmem:s11+$0x0];
	[tilespmem:s8+$0xFFFFFE10] =	vst v0  }
0x338: {  	v1 =	vadd.f32 v1, v11;
	[tilespmem:s8+$0xFFFFFF90] =	vst v2;
	v2 =	vld [tilespmem:s8+$0xFFFFFE20]  }
0x339: {  	v3 =	vld [tilespmem:s11+$0xFFFFFE20]  }
0x33a: {  	[tilespmem:s8+$0xFFFFFEA0] =	vst v1;
	v1 =	vadd.f32 v9, v13;
	v6 =	vld [tilespmem:s11+$0xFFFFFFA0]  }
0x33b: {  	v4 =	vadd.f32 v4, v60;
	v0 =	vld [tilespmem:s11+$0xFFFFFF60]  }
0x33c: {  	v9 =	vld [tilespmem:s11+$0xFFFFFEB0];
	[tilespmem:s8+$0xFFFFFF20] =	vst v1  }
0x33d: {  	[tilespmem:s8+$0xFFFFFEE0] =	vst v4;
	v4 =	vld [tilespmem:s11+$0xFFFFFF30]  }
0x33e: {  	v2 =	vadd.f32 v3, v2;
	v3 =	vld [tilespmem:s8+$0xFFFFFF60]  }
0x33f: {  	v1 =	vadd.f32 v6, v10;
	v10 =	vld [tilespmem:s8+$0xFFFFFEB0]  }
0x340: {  	[tilespmem:s8+$0xFFFFFE20] =	vst v2;
	v2 =	vld [tilespmem:s8+$0xFFFFFE30]  }
0x341: {  	v11 =	vld [tilespmem:s11+$0xFFFFFE30]  }
0x342: {  	v5 =	vadd.f32 v5, v7;
	[tilespmem:s8+$0xFFFFFFA0] =	vst v1;
	v1 =	vld [tilespmem:s8+$0xFFFFFE70]  }
0x343: {  	v7 =	vld [tilespmem:s8+$0xFFFFFF40]  }
0x344: {  	[tilespmem:s8+$0x0] =	vst v5;
	v5 =	vld [tilespmem:s8+$0xFFFFFF80]  }
0x345: {  	v6 =	vld [tilespmem:s11+$0xFFFFFFB0]  }
0x346: {  	v0 =	vadd.f32 v0, v3;
	v3 =	vld [tilespmem:s11+$0xFFFFFEF0];
	v2 =	vadd.f32 v11, v2  }
0x347: {  	v1 =	vadd.f32 v8, v1;
	v8 =	vadd.f32 v9, v10;
	v9 =	vld [tilespmem:s8+$0xFFFFFEC0]  }
0x348: {  	[tilespmem:s8+$0xFFFFFE30] =	vst v2;
	v2 =	vld [tilespmem:s8+$0xFFFFFFB0]  }
0x349: {  	[tilespmem:s8+$0xFFFFFF60] =	vst v0;
	v11 =	vld [tilespmem:s8+$0xFFFFFF30]  }
0x34a: {  	v0 =	vld [tilespmem:s11+$0xFFFFFF70];
	[tilespmem:s8+$0xFFFFFE70] =	vst v1  }
0x34b: {  	[tilespmem:s8+$0xFFFFFEB0] =	vst v8;
	v8 =	vld [tilespmem:s8+$0xFFFFFF00]  }
0x34c: {  	v1 =	vadd.f32 v3, v61;
	v14 =	vld [tilespmem:s11+$0xFFFFFE80]  }
0x34d: {  	v10 =	vld [tilespmem:s11+$0xFFFFFE40];
	v6 =	vadd.f32 v6, v2  }
0x34e: {  	[tilespmem:s8+$0xFFFFFEF0] =	vst v1;
	v3 =	vadd.f32 v4, v11;
	v4 =	vld [tilespmem:s11+$0xFFFFFEC0]  }
0x34f: {  	v0 =	vadd.f32 v0, v62;
	[tilespmem:s8+$0xFFFFFFB0] =	vst v6;
	v6 =	vld [tilespmem:s8+$0xFFFFFE80]  }
0x350: {  	v1 =	vld [tilespmem:s11+$0xFFFFFF00];
	[tilespmem:s8+$0xFFFFFF30] =	vst v3  }
0x351: {  	[tilespmem:s8+$0xFFFFFF70] =	vst v0;
	v2 =	vld [tilespmem:s11+$0xFFFFFF40]  }
0x352: {  	v3 =	vld [tilespmem:s11+$0xFFFFFF80];
	v10 =	vadd.f32 v10, v63  }
0x353: {  	v0 =	vld [tilespmem:s11+$0xFFFFFFC0]  }
0x354: {  	s9 =	simm.s32 $0x25F0;
	s2 =	simm.s32 $0x0;
	[tilespmem:s8+$0xFFFFFE40] =	vst v10;
	v10 =	vadd.f32 v14, v6;
	v6 =	vld [tilespmem:s8+$0xFFFFFFC0]  }
.LBB2_14:
0x355: {  	v11 =	vld [tilespmem:s9+$0xFFFFFFD0];
	v4 =	vadd.f32 v4, v9;
	s11 =	sadd.s32 $0x200, s11  }
0x356: {  	s2 =	sadd.s32 $0x8, s2;
	v9 =	vld [tilespmem:s11+$0xFFFFFFD0];
	[tilespmem:s8+$0xFFFFFE80] =	vst v10;
	v1 =	vadd.f32 v1, v8  }
0x357: {  	p0 =	slt.u32 s2, $0x78;
	v8 =	vld [tilespmem:s11+$0xFFFFFE10];
	[tilespmem:s8+$0xFFFFFEC0] =	vst v4;
	v2 =	vadd.f32 v2, v7  }
0x358: {  	v4 =	vld [tilespmem:s9+$0xFFFFFE50];
	[tilespmem:s8+$0xFFFFFF00] =	vst v1;
	v1 =	vadd.f32 v3, v5  }
0x359: {  	v3 =	vld [tilespmem:s11+$0xFFFFFE50];
	[tilespmem:s8+$0xFFFFFF40] =	vst v2;
	v0 =	vadd.f32 v0, v6  }
0x35a: {  	v2 =	vld [tilespmem:s9+$0xFFFFFE90];
	[tilespmem:s8+$0xFFFFFF80] =	vst v1  }
0x35b: {  	v1 =	vld [tilespmem:s11+$0xFFFFFE90];
	v5 =	vadd.f32 v9, v11;
	[tilespmem:s8+$0xFFFFFFC0] =	vst v0;
	s8 =	smov.u32 s9  }
0x35c: {  	v0 =	vld [tilespmem:s9+$0xFFFFFED0]  }
0x35d: {  	[tilespmem:s9+$0xFFFFFFD0] =	vst v5;
	v5 =	vld [tilespmem:s9+$0xFFFFFFE0]  }
0x35e: {  	v3 =	vadd.f32 v3, v4;
	v4 =	vld [tilespmem:s11+$0xFFFFFFE0]  }
0x35f: {  	v6 =	vld [tilespmem:s11+$0xFFFFFED0]  }
0x360: {  	[tilespmem:s9+$0xFFFFFE50] =	vst v3;
	v1 =	vadd.f32 v1, v2;
	v2 =	vld [tilespmem:s9+$0xFFFFFF10]  }
0x361: {  	v3 =	vld [tilespmem:s11+$0xFFFFFF10]  }
0x362: {  	[tilespmem:s9+$0xFFFFFE90] =	vst v1;
	v1 =	vld [tilespmem:s9+$0xFFFFFF50]  }
0x363: {  	v7 =	vld [tilespmem:s11+$0xFFFFFF50];
	v4 =	vadd.f32 v4, v5  }
0x364: {  	v0 =	vadd.f32 v6, v0;
	v5 =	vld [tilespmem:s9+$0xFFFFFF90]  }
0x365: {  	[tilespmem:s9+$0xFFFFFFE0] =	vst v4;
	v4 =	vld [tilespmem:s9+$0xFFFFFFF0]  }
0x366: {  	[tilespmem:s9+$0xFFFFFED0] =	vst v0;
	v0 =	vadd.f32 v3, v2;
	v2 =	vld [tilespmem:s11+$0xFFFFFFF0]  }
0x367: {  	v3 =	vld [tilespmem:s11+$0xFFFFFF90]  }
0x368: {  	v6 =	vld [tilespmem:s9+$0xFFFFFE10];
	[tilespmem:s9+$0xFFFFFF10] =	vst v0;
	v0 =	vadd.f32 v7, v1  }
0x369: {  	v1 =	vld [tilespmem:s11+$0xFFFFFE60]  }
0x36a: {  	v7 =	vld [tilespmem:s11+$0xFFFFFEA0];
	[tilespmem:s9+$0xFFFFFF50] =	vst v0  }
0x36b: {  	v0 =	vld [tilespmem:s11+$0xFFFFFEE0];
	v2 =	vadd.f32 v2, v4  }
0x36c: {  	v4 =	vld [tilespmem:s11+$0xFFFFFF20];
	v3 =	vadd.f32 v3, v5  }
0x36d: {  	v5 =	vadd.f32 v8, v6;
	[tilespmem:s9+$0xFFFFFFF0] =	vst v2;
	v2 =	vld [tilespmem:s9+$0x0]  }
0x36e: {  	[tilespmem:s9+$0xFFFFFF90] =	vst v3;
	v3 =	vld [tilespmem:s11+$0x0]  }
0x36f: {  	[tilespmem:s9+$0xFFFFFE10] =	vst v5;
	v5 =	vld [tilespmem:s11+$0xFFFFFF60]  }
0x370: {  	v6 =	vld [tilespmem:s11+$0xFFFFFE20]  }
0x371: {  	v8 =	vld [tilespmem:s11+$0xFFFFFFA0]  }
0x372: {  	v9 =	vld [tilespmem:s9+$0xFFFFFE20]  }
0x373: {  	v10 =	vld [tilespmem:s9+$0xFFFFFE60];
	v2 =	vadd.f32 v3, v2  }
0x374: {  	v3 =	vld [tilespmem:s9+$0xFFFFFEA0]  }
0x375: {  	v11 =	vld [tilespmem:s9+$0xFFFFFEE0];
	[tilespmem:s9+$0x0] =	vst v2  }
0x376: {  	v2 =	vld [tilespmem:s9+$0xFFFFFF20]  }
0x377: {  	v6 =	vadd.f32 v6, v9;
	v9 =	vld [tilespmem:s9+$0xFFFFFF60]  }
0x378: {  	v1 =	vadd.f32 v1, v10;
	v10 =	vld [tilespmem:s9+$0xFFFFFFA0]  }
0x379: {  	[tilespmem:s9+$0xFFFFFE20] =	vst v6;
	v6 =	vld [tilespmem:s9+$0xFFFFFE30];
	v3 =	vadd.f32 v7, v3  }
0x37a: {  	v7 =	vld [tilespmem:s11+$0xFFFFFE30];
	[tilespmem:s9+$0xFFFFFE60] =	vst v1;
	v0 =	vadd.f32 v0, v11  }
0x37b: {  	v1 =	vld [tilespmem:s11+$0xFFFFFE70];
	[tilespmem:s9+$0xFFFFFEA0] =	vst v3;
	v2 =	vadd.f32 v4, v2  }
0x37c: {  	v3 =	vld [tilespmem:s11+$0xFFFFFEB0];
	[tilespmem:s9+$0xFFFFFEE0] =	vst v0;
	v0 =	vadd.f32 v5, v9  }
0x37d: {  	v4 =	vld [tilespmem:s11+$0xFFFFFEF0];
	[tilespmem:s9+$0xFFFFFF20] =	vst v2;
	v2 =	vadd.f32 v8, v10  }
0x37e: {  	v5 =	vld [tilespmem:s11+$0xFFFFFF30];
	[tilespmem:s9+$0xFFFFFF60] =	vst v0  }
0x37f: {  	v0 =	vadd.f32 v7, v6;
	v6 =	vld [tilespmem:s11+$0xFFFFFF70];
	[tilespmem:s9+$0xFFFFFFA0] =	vst v2  }
0x380: {  	v2 =	vld [tilespmem:s11+$0xFFFFFFB0]  }
0x381: {  	[tilespmem:s9+$0xFFFFFE30] =	vst v0;
	v0 =	vld [tilespmem:s9+$0xFFFFFE70]  }
0x382: {  	v7 =	vld [tilespmem:s9+$0xFFFFFEB0]  }
0x383: {  	v8 =	vld [tilespmem:s9+$0xFFFFFEF0]  }
0x384: {  	v9 =	vld [tilespmem:s9+$0xFFFFFF30]  }
0x385: {  	v10 =	vld [tilespmem:s9+$0xFFFFFF70]  }
0x386: {  	v0 =	vadd.f32 v1, v0;
	v11 =	vld [tilespmem:s9+$0xFFFFFFB0]  }
0x387: {  	v12 =	vld [tilespmem:s11+$0xFFFFFE40];
	v1 =	vadd.f32 v3, v7  }
0x388: {  	v3 =	vld [tilespmem:s9+$0xFFFFFE40];
	[tilespmem:s9+$0xFFFFFE70] =	vst v0;
	v0 =	vadd.f32 v4, v8  }
0x389: {  	v13 =	vld [tilespmem:s11+$0xFFFFFE80];
	[tilespmem:s9+$0xFFFFFEB0] =	vst v1;
	v5 =	vadd.f32 v5, v9  }
0x38a: {  	v4 =	vld [tilespmem:s11+$0xFFFFFEC0];
	[tilespmem:s9+$0xFFFFFEF0] =	vst v0;
	v0 =	vadd.f32 v6, v10  }
0x38b: {  	v1 =	vld [tilespmem:s11+$0xFFFFFF00];
	[tilespmem:s9+$0xFFFFFF30] =	vst v5;
	v5 =	vadd.f32 v2, v11  }
0x38c: {  	v2 =	vld [tilespmem:s11+$0xFFFFFF40];
	[tilespmem:s9+$0xFFFFFF70] =	vst v0  }
0x38d: {  	v6 =	vadd.f32 v12, v3;
	v3 =	vld [tilespmem:s11+$0xFFFFFF80];
	[tilespmem:s9+$0xFFFFFFB0] =	vst v5  }
0x38e: {  	v0 =	vld [tilespmem:s11+$0xFFFFFFC0]  }
0x38f: {  	[tilespmem:s9+$0xFFFFFE40] =	vst v6;
	v6 =	vld [tilespmem:s9+$0xFFFFFE80]  }
.Ltmp6:
0x390: {  	v9 =	vld [tilespmem:s9+$0xFFFFFEC0];
	(pc) =	sbr.rel @p0 .LBB2_14-.Ltmp6, $4  }
0x391: {  	v8 =	vld [tilespmem:s9+$0xFFFFFF00]  }
0x392: {  	v7 =	vld [tilespmem:s9+$0xFFFFFF40]  }
0x393: {  	v5 =	vld [tilespmem:s9+$0xFFFFFF80]  }
0x394: {  	s9 =	sadd.s32 $0x200, s9;
	v10 =	vadd.f32 v13, v6;
	v6 =	vld [tilespmem:s8+$0xFFFFFFC0]  }
0x395: {  	v4 =	vadd.f32 v4, v9  }
0x396: {  	[tilespmem:s8+$0xFFFFFE80] =	vst v10;
	v1 =	vadd.f32 v1, v8  }
0x397: {  	[tilespmem:s8+$0xFFFFFEC0] =	vst v4;
	v2 =	vadd.f32 v2, v7  }
0x398: {  	[tilespmem:s8+$0xFFFFFF00] =	vst v1;
	v63 =	vadd.f32 v3, v5  }
0x399: {  	[tilespmem:s8+$0xFFFFFF40] =	vst v2;
	v0 =	vadd.f32 v0, v6  }
0x39a: {  	[tilespmem:s8+$0xFFFFFF80] =	vst v63  }
0x39b: {  	[tilespmem:s8+$0xFFFFFFC0] =	vst v0  }
0x39c: {  	s2 =	rddreg [dreg:$0x8]  }
0x39d: {  	[hbm4b:s2+s3] =	stream.linear.scatter [tilespmem:s25], [sflag:$0x6], $0x2000, $0x38;
	[tilespmem:$0xC200] =	vst v63  }
0x39e: {  	_ =	swait.ge [sflag:s31], $0x2000  }
0x39f: {  	[sflag:s31] =	ssyncset.done $0x0  }
0x3a0: {  	[sflag:s31] =	ssyncadd.s32 $0xFFFFE000  }
0x3a1: {  	_ =	swait.ge [sflag:s0], $0x2000  }
0x3a2: {  	[sflag:s0] =	ssyncset.done $0x0  }
0x3a3: {  	s17 =	simm.s32 $0x7;
	[sflag:s0] =	ssyncadd.s32 $0xFFFFE000  }
0x3a4: {  	_ =	swait.ge [sflag:s17], $0x2000  }
0x3a5: {  	[sflag:s17] =	ssyncset.done $0x0  }
0x3a6: {  	s18 =	simm.s32 $0x8;
	[sflag:s17] =	ssyncadd.s32 $0xFFFFE000  }
0x3a7: {  	_ =	swait.ge [sflag:s18], $0x2000  }
0x3a8: {  	s9 =	rddreg [dreg:$0xb]  }
0x3a9: {  	s19 =	rddreg [dreg:$0x9];
	s9 =	sadd.s32 $0x1, s9  }
0x3aa: {  	p0 =	sne.s32 s9, s19  }
.Ltmp7:
0x3ab: {  	_ = 	snop;
	(pc) =	sbr.rel @p0 .LBB2_1-.Ltmp7, $3  }
0x3ac: {  	_ =	sdelay $0x1  }
0x3ad: {  	[sflag:s18] =	ssyncset.done $0x0  }
0x3ae: {  	[sflag:s18] =	ssyncadd.s32 $0xFFFFE000  }
0x3af: {  	_ =	sfence.sel $0x180000  }
0x3b0: {  	[bflag:$0x0] =	sbarrier.arrive $0xFFFF  }
0x3b1: {  	_ =	strace $0x90000047  }
0x3b2: {  	s0 =	stileid.u32;
	[bflag:$0x2] =	sbarrier.arrive $0xFFFF  }
0x3b3: {  	p0 =	sne.s32 s0, $0x0;
	s0 =	rddreg [dreg:$0x2]  }
0x3b4: {  	s0 =	sadd.s32 @!p0 $0x100000, s0  }
0x3b5: {  	[sflag:s0] =	ssyncadd.tile.s32 @!p0 $0x1;
	_ =	shalt  }
.Lfunc_end2:
_tile_overlayer_lowered:
.L_overlay_start_2:
0x3b6: {  	(tag) =	ssettag $0x2  }
0x3b7: {  	s0 =	rddreg [dreg:$0x0];
	s2 =	stileid.u32  }
0x3b8: {  	s1 =	rddreg [dreg:$0x1];
	p0 =	sne.s32 s2, $0x0  }
0x3b9: {  	s3 =	rddreg [dreg:$0x2];
	[bflag:$0x3] =	sbarrier.arrive $0xFFFF;
	s2 =	simm.s32 @!p0 $0x1C09  }
0x3ba: {  	[timem:s3], [sflag:s2] =	dma.local @!p0 [hbm:s0], s1  }
0x3bb: {  	s0 =	simm.s32 @!p0 $0x9  }
0x3bc: {  	_ =	swait.ge @!p0 [sflag:s0], s1  }
0x3bd: {  	s1 =	ssub.s32 @!p0 $0x0, s1;
	[sflag:s0] =	ssyncset.done @!p0 $0x0  }
0x3be: {  	[sflag:s0] =	ssyncadd.s32 @!p0 s1  }
0x3bf: {  	[bflag:$0x3] =	sbarrier.arrive $0xFFFF  }
0x3c0: {  	_ =	shalt  }

// kernel: sparse-core-data-format-call.cloned.1.call-start
scs
called_computation_lowered:
.L_overlay_start_0:
0x0: {  	s2 =	sld [smem:$0x3FD9]  }
0x1: {  	s3 =	sld [smem:$0x3FFE];
	_ =	sdelay $0x1  }
0x2: {  	s1 =	srdreg.scid  }
0x3: {  	s0 =	sand.u32 $0x1, s1  }
0x4: {  	s18 =	sshll.u32 s0, $0xA;
	s2 =	sadd.s32 s3, s2  }
0x5: {  	s2 =	sadd.s32 s2, s18  }
0x6: {  	[smem:$0x3FC5] =	sst s2  }
0x7: {  	_ = 	snop  }
0x8: {  	s2 =	sld [smem:$0x3FD0];
	(tm) =	ssettm $0x1  }
0x9: {  	s19 =	sld [smem:$0x3FFB];
	_ =	sdelay $0x3  }
0xa: {  	_ =	strace s19  }
0xb: {  	s3 =	sld [smem:$0x3FFC];
	_ =	sdelay $0x3  }
0xc: {  	_ =	strace s3  }
0xd: {  	s3 =	sld [smem:$0x3FFD];
	_ =	sdelay $0x3  }
0xe: {  	_ =	strace s3  }
0xf: {  	_ =	strace $0x8FFFFFFF  }
0x10: {  	s20 =	sld [smem:$0x3FDB];
	_ =	sdelay $0x1  }
0x11: {  	s4 =	simm.s32 $_scs_section_size  }
0x12: {  	s5 =	simm.s32 $_size__tile_overlayer_lowered;
	s6 =	simm.s32 $_tile_overlayer_lowered  }
0x13: {  	s23 =	simm.s32 $0x1BFF;
	s22 =	sshll.u32 s6, $0x1;
	s3 =	sadd.s32 s4, s20  }
0x14: {  	s7 =	simm.s32 $0x0;
	s21 =	sshll.u32 s5, $0x1;
	s5 =	sadd.s32 s22, s3  }
0x15: {  	[timem:s7], [sflag:s23] =	dma.local [hbm:s5], s21  }
0x16: {  	_ =	swait.ge [sflag:s23], s21  }
0x17: {  	s4 =	ssub.s32 $0x0, s21;
	[sflag:s23] =	ssyncset.done $0x0  }
0x18: {  	[sflag:s23] =	ssyncadd.s32 s4;
	_ =	sdelay $0x1  }
0x19: {  	s24 =	simm.s32 $0x1B8B  }
0x1a: {  	_ =	swait.ge [sflag:s24], $0x1  }
0x1b: {  	[sflag:s24] =	ssyncset.done $0x0  }
0x1c: {  	s26 =	simm.s32 $0x1B8E;
	s25 =	sld [smem:$0x3FFE];
	[sflag:s24] =	ssyncadd.s32 $0xFFFFFFFF  }
0x1d: {  	s27 =	simm.s32 $execute0_lowered;
	[smem:$0x3FD2] =	sst s26  }
0x1e: {  	s5 =	sshll.u32 s27, $0x1;
	_ =	strace $0x80000049;
	[dreg:$0x1] =	wrdreg $0xFFFFFFFF  }
0x1f: {  	s28 =	simm.s32 $_size_execute0_lowered;
	s3 =	sadd.s32 s3, s5;
	[dreg:$0x0] =	wrdreg $0x0  }
0x20: {  	s5 =	sshll.u32 s28, $0x1;
	[dreg:$0x2] =	wrdreg s3  }
0x21: {  	[dreg:$0x3] =	wrdreg s5  }
0x22: {  	[dreg:$0x4] =	wrdreg $0xC0  }
0x23: {  	_ =	task [dreg:s7], $0x5FFFF  }
0x24: {  	[dreg:$0x1] =	wrdreg $0xFFFFFFFF  }
0x25: {  	[dreg:$0x0] =	wrdreg $0x60  }
0x26: {  	[dreg:$0x2] =	wrdreg s25  }
0x27: {  	[dreg:$0x3] =	wrdreg s2  }
0x28: {  	[dreg:$0x4] =	wrdreg $0x9  }
0x29: {  	_ =	task.clear_ibuf [dreg:s7], $0x5FFFF;
	_ =	strace $0x90000049  }
0x2a: {  	s29 =	simm.s32 $0x9;
	_ =	strace $0x8000004B  }
0x2b: {  	_ =	swait.ge [sflag:s29], $0x1  }
0x2c: {  	[sflag:s29] =	ssyncadd.s32 $0xFFFFFFFF  }
0x2d: {  	_ =	strace $0x9000004B  }
0x2e: {  	_ =	sfence  }
0x2f: {  	s30 =	sld [smem:$0x0];
	_ =	sdelay $0x2  }
0x30: {  	s31 =	sshll.u32 s1, $0xD;
	s1 =	sshrl.u32 s1, $0x2  }
0x31: {  	s3 =	sand.u32 $0x4000, s31;
	s1 =	sadd.s32 s1, s30  }
0x32: {  	s0 =	sor.u32 s3, s0;
	s1 =	sshll.u32 s1, $0x11  }
0x33: {  	s0 =	sor.u32 s1, s0  }
0x34: {  	s0 =	sadd.s32 $0x8F2B, s0  }
0x35: {  	[sflag:s0] =	ssyncadd.remote.s32 $0x1  }
0x36: {  	_ =	sfence.sel $0xFFFF  }
0x37: {  	[dreg:$0x0] =	wrdreg $0xFFFFFFFF;
	(pc) =	sbr.abs _section_cstart, $3  }
0x38: {  	[dreg:$0x1] =	wrdreg $0xFFFFFFFF  }
0x39: {  	_ =	task.clear_ibuf [dreg:s7], $0x2FFFF;
	_ =	strace $0x9FFFFFFF  }
0x3a: {  	(tm) =	ssettm $0x7FFFFFFF  }
0x3b: {  	_ =	shalt  }
tec
execute0_lowered:
.L_overlay_start_1:
0x0: {  	(tag) =	ssettag $0x1  }
0x1: {  	s3 =	rddreg [dreg:$0x0]  }
0x2: {  	s0 =	srdreg.scid;
	s2 =	rddreg [dreg:$0x1]  }
0x3: {  	s31 =	simm.s32 $0x2;
	s14 =	simm.s32 $0x0;
	p0 =	por $0x0, $0x0  }
0x4: {  	s9 =	simm.s32 $0x400;
	s10 =	simm.s32 $0x800;
	s0 =	sshll.u32 s0, $0x7  }
0x5: {  	s15 =	simm.s32 $0x0;
	s16 =	simm.s32 $0x0;
	s1 =	sand.u32 $0x80, s0  }
0x6: {  	s11 =	simm.s32 $0x0;
	s12 =	stileid.u32;
	s4 =	ssub.s32 $0x100, s1  }
0x7: {  	s13 =	simm.s32 $0x0;
	s0 =	rddreg [dreg:$0x2];
	s5 =	sshrl.u32 s4, $0x7  }
.Ltmp0:
0x8: {  	s6 =	sshrl.u32 s4, $0x8;
	s5 =	sand.u32 $0x1, s5;
	(pc) =	sbr.rel .LBB1_1-.Ltmp0, $4  }
0x9: {  	_ =	strace $0x8000004A;
	s4 =	simm.s32 $0x1;
	s5 =	sadd.s32 s6, s5  }
0xa: {  	s7 =	sshll.u32 s1, $0x4;
	[sflag:s4] =	ssyncpa.u1 $0x0;
	s5 =	smul.u32 $0x19, s5  }
0xb: {  	s7 =	sadd.s32 s7, s3;
	s3 =	stileid.u32;
	[sflag:s31] =	ssyncpa.u1 $0x0  }
0xc: {  	s6 =	sadd.s32 $0x800, s7;
	s7 =	sadd.s32 $0x1800, s7;
	s8 =	sadd.s32 $0x1, s5  }
.LBB1_7:
0xd: {  	s17 =	sadd.s32 $0x2, s11  }
0xe: {  	s15 =	sadd.s32 $0x10, s12;
	s18 =	smov.u32 s12;
	p2 =	sgt.s32 s17, $0x31  }
0xf: {  	s18 =	smov.u32 @p2 s15  }
0x10: {  	s17 =	simm.s32 @p2 $0x0;
	p2 =	sgt.s32 s18, $0xF  }
0x11: {  	s18 =	smov.u32 @p2 s3;
	p2 =	sne.s32 s13, s8  }
.Ltmp1:
0x12: {  	p1 =	slt.u32 s13, $0x2;
	(pc) =	sbr.rel @!p2 .LBB1_8-.Ltmp1, $4  }
0x13: {  	s16 =	smov.u32 s12;
	s14 =	simm.s32 @!p1 $0x2  }
0x14: {  	p0 =	por !p0, !p0;
	_ =	swait.ge @!p1 [sflag:s14], $0x4000;
	s15 =	smov.u32 s11  }
0x15: {  	[sflag:s14] =	ssyncset.done @!p1 $0x0;
	s11 =	smov.u32 s17;
	s13 =	sadd.s32 $0x1, s13  }
0x16: {  	[sflag:s14] =	ssyncadd.s32 @!p1 $0xFFFFC000;
	s14 =	smov.u32 s1;
	s12 =	smov.u32 s18  }
.LBB1_1:
0x17: {  	p1 =	sge.u32 s13, s5  }
0x18: {  	s18 =	smul.u32 @!p1 $0x32000, s12  }
0x19: {  	s17 =	sxor.u32 @!p1 $0xFFFFFFFF, s13;
	s19 =	sshll.u32 @!p1 s11, $0xC;
	s21 =	simm.s32 @!p1 $0x40  }
0x1a: {  	s22 =	simm.s32 @!p1 $0x80;
	s17 =	sshll.u32 @!p1 s17, $0xE;
	s20 =	sadd.s32 @!p1 s18, s19  }
0x1b: {  	s17 =	sand.u32 @!p1 $0x4000, s17;
	s18 =	sadd.s32 @!p1 s18, s7;
	s20 =	sadd.s32 @!p1 s6, s20  }
0x1c: {  	[tilespmem:s17], [sflag:$0x1] =	stream.strided.gather @!p1 [hbm4b:s20+s21], $0x2000, s22, s21, $0x38;
	[tilespmem:$0x10100] =	vst v63  }
0x1d: {  	s31 =	sadd.s32 $0xFFFFFFFF, s13;
	s18 =	sadd.s32 @!p1 s19, s18;
	s17 =	sor.u32 @!p1 $0x2000, s17  }
0x1e: {  	[tilespmem:s17], [sflag:$0x1] =	stream.strided.gather @!p1 [hbm4b:s18+s21], $0x2000, s22, s21, $0x38;
	[tilespmem:$0x10100] =	vst v63  }
0x1f: {  	p1 =	sge.u32 s31, s5  }
.Ltmp2:
0x20: {  	_ = 	snop;
	(pc) =	sbr.rel @p1 .LBB1_7-.Ltmp2, $1  }
0x21: {  	_ =	sdelay $0x3  }
0x22: {  	s17 =	simm.s32 $0x1;
	s19 =	sand.u32 $0x1, s13  }
0x23: {  	_ =	swait.ge [sflag:s4], $0x4000;
	s17 =	simm.s32 @!p0 $0x0;
	s19 =	smul.u32 $0x10200, s19  }
0x24: {  	p2 =	por $0x1, $0x1;
	[sflag:s4] =	ssyncset.done $0x0;
	s18 =	smul.u32 $0x10200, s17  }
0x25: {  	s20 =	sshll.u32 s17, $0x10;
	[sflag:s4] =	ssyncadd.s32 $0xFFFFC000;
	s30 =	sshrl.u32 s19, $0x2  }
0x26: {  	s31 =	sshrl.u32 s20, $0x2;
	s20 =	simm.s32 $0x0;
	s18 =	sshrl.u32 s18, $0x2  }
0x27: {  	s17 =	sor.u32 $0x8000, s30;
	s19 =	sadd.s32 $0x20, s31;
	s18 =	sor.u32 $0x8000, s18  }
.LBB1_3:
0x28: {  	s21 =	sshll.u32 s20, $0xD  }
0x29: {  	s21 =	sand.u32 $0x3FFFE000, s21  }
0x2a: {  	s23 =	sadd.s32 s21, s19  }
0x2b: {  	s31 =	smul.u32 $0x8100, s20;
	v3 =	vld [tilespmem:s23+$0x10]  }
0x2c: {  	v1 =	vld [tilespmem:s23+$0xFFFFFFF0]  }
0x2d: {  	s20 =	sshra.s32 s31, $0x2;
	v0 =	vld [tilespmem:s23+$0x0]  }
0x2e: {  	s20 =	sadd.s32 s20, s18;
	v2 =	vld [tilespmem:s23+$0xFFFFFFE0]  }
0x2f: {  	s21 =	sadd.s32 $0x0, s20  }
0x30: {  	p1 =	por p2, p2;
	s22 =	simm.s32 $0x4;
	s23 =	sadd.s32 $0x40, s23;
	[tilespmem:s21+$0x1830 ss:$0x81] =	vst.msk $0xffff, v3  }
.LBB1_4:
0x31: {  	v3 =	vld [tilespmem:s23+$0x10];
	p2 =	sne.s32 s22, $0x1FC;
	[tilespmem:s21+$0x810 ss:$0x81] =	vst.msk $0xffff, v1;
	s24 =	smov.u32 s22;
	s22 =	sadd.s32 $0x4, s22  }
.Ltmp3:
0x32: {  	v1 =	vld [tilespmem:s23+$0xFFFFFFF0];
	[tilespmem:s21+$0x1020 ss:$0x81] =	vst.msk $0xffff, v0;
	(pc) =	sbr.rel @p2 .LBB1_4-.Ltmp3, $4  }
0x33: {  	v0 =	vld [tilespmem:s23+$0x0];
	[tilespmem:s21+$0x0 ss:$0x81] =	vst.msk $0xffff, v2  }
0x34: {  	s21 =	sshra.s32 s24, $0x2;
	v2 =	vld [tilespmem:s23+$0xFFFFFFE0]  }
0x35: {  	s21 =	sadd.s32 s21, s20  }
0x36: {  	s23 =	sadd.s32 $0x40, s23;
	[tilespmem:s21+$0x1830 ss:$0x81] =	vst.msk $0xffff, v3  }
.Ltmp4:
0x37: {  	(pc) =	sbr.rel @p1 .LBB1_3-.Ltmp4, $4  }
0x38: {  	_ = 	snop  }
0x39: {  	[tilespmem:s21+$0x810 ss:$0x81] =	vst.msk $0xffff, v1  }
0x3a: {  	[tilespmem:s21+$0x1020 ss:$0x81] =	vst.msk $0xffff, v0  }
0x3b: {  	s20 =	simm.s32 $0x1;
	p2 =	por $0x0, $0x0;
	[tilespmem:s21+$0x0 ss:$0x81] =	vst.msk $0xffff, v2  }
0x3c: {  	s16 =	smul.u32 $0x19000, s16  }
.Ltmp5:
0x3d: {  	_ = 	snop;
	(pc) =	sbr.rel .LBB1_7-.Ltmp5, $4  }
0x3e: {  	s15 =	sshll.u32 s15, $0xB;
	s16 =	sadd.s32 s2, s16  }
0x3f: {  	s15 =	sadd.s32 s15, s16  }
0x40: {  	s14 =	sadd.s32 s14, s15  }
0x41: {  	[hbm4b:s14+s9] =	stream.strided.scatter [tilespmem:s17], [sflag:$0x2], $0x4000, s10, s9, $0x20;
	[tilespmem:$0x10100] =	vst v63  }
.LBB1_8:
0x42: {  	_ =	sfence.sel $0x180000  }
0x43: {  	s1 =	simm.s32 $0x1;
	[bflag:$0x0] =	sbarrier.arrive $0xFFFF  }
0x44: {  	s31 =	simm.s32 $0x2;
	[sflag:s1] =	ssyncpa.u1 $0x1  }
0x45: {  	[sflag:s31] =	ssyncpa.u1 $0x1  }
0x46: {  	p0 =	sne.s32 s3, $0x0;
	_ =	strace $0x9000004A  }
0x47: {  	s0 =	sadd.s32 @!p0 $0x100000, s0;
	[bflag:$0x2] =	sbarrier.arrive $0xFFFF  }
0x48: {  	[sflag:s0] =	ssyncadd.tile.s32 @!p0 $0x1;
	_ =	shalt  }
.Lfunc_end1:
_tile_overlayer_lowered:
.L_overlay_start_2:
0x49: {  	(tag) =	ssettag $0x2  }
0x4a: {  	s0 =	rddreg [dreg:$0x0];
	s2 =	stileid.u32  }
0x4b: {  	s1 =	rddreg [dreg:$0x1];
	p0 =	sne.s32 s2, $0x0  }
0x4c: {  	s3 =	rddreg [dreg:$0x2];
	[bflag:$0x3] =	sbarrier.arrive $0xFFFF;
	s2 =	simm.s32 @!p0 $0x1C01  }
0x4d: {  	[timem:s3], [sflag:s2] =	dma.local @!p0 [hbm:s0], s1  }
0x4e: {  	s0 =	simm.s32 @!p0 $0x1  }
0x4f: {  	_ =	swait.ge @!p0 [sflag:s0], s1  }
0x50: {  	s1 =	ssub.s32 @!p0 $0x0, s1;
	[sflag:s0] =	ssyncset.done @!p0 $0x0  }
0x51: {  	[sflag:s0] =	ssyncadd.s32 @!p0 s1  }
0x52: {  	[bflag:$0x3] =	sbarrier.arrive $0xFFFF  }
0x53: {  	_ =	shalt  }

</sc_bundles>
